<compile_context>
chip_gen: v7x
topology: tpu7x:2x2x1
jax: 0.10.2.dev20260603
libtpu: 0.0.44.dev20260713+nightly
codegen_flags: <defaults>
</compile_context>

<pallas_src>
import functools

import jax
import jax.numpy as jnp
from jax import lax
from jax.experimental import pallas as pl
from jax.experimental.pallas import tpu as pltpu
from jax.experimental.pallas import tpu_sc as plsc

N = 10000
E = 320000
F = 128

NUM_WORKERS = 32
CHUNK = 128
CHUNKS_PER_WORKER = 80
EDGES_PER_WORKER = CHUNK * CHUNKS_PER_WORKER
E_PAD = EDGES_PER_WORKER * NUM_WORKERS
NPAD = 10240
ROWS_PER_TILE = NPAD // 16
NACC = 10112
ACC_PER_TILE = NACC // 16
R = 1000
GRID = N // R
NB = 3
NG = 2


def _mesh():
    return plsc.VectorSubcoreMesh(core_axis_name="c", subcore_axis_name="s")


@functools.partial(
    pl.kernel,
    mesh=_mesh(),
    out_type=jax.ShapeDtypeStruct((2 * NPAD,), jnp.float32),
    scratch_types=[
        pltpu.VMEM((CHUNKS_PER_WORKER, CHUNK), jnp.int32),
        pltpu.VMEM((CHUNK,), jnp.float32),
        pltpu.VMEM((ROWS_PER_TILE,), jnp.float32),
        pltpu.VMEM_SHARED((NPAD,), jnp.float32),
    ],
)
def _deg_kernel(dstr_hbm, out_hbm, idx_v, ones_v, stage_v, acc_sh):
    c = lax.axis_index("c")
    s = lax.axis_index("s")
    wid = s * 2 + c

    ones16 = jnp.ones((16,), jnp.float32)
    zeros16 = jnp.zeros((16,), jnp.float32)

    def fill_ones(i, carry):
        ones_v[pl.ds(i * 16, 16)] = ones16
        return carry

    lax.fori_loop(0, CHUNK // 16, fill_ones, 0)

    def fill_zero(i, carry):
        stage_v[pl.ds(i * 16, 16)] = zeros16
        return carry

    lax.fori_loop(0, ROWS_PER_TILE // 16, fill_zero, 0)

    my_rows = pl.multiple_of(s * ROWS_PER_TILE, 8)
    pltpu.sync_copy(stage_v, acc_sh.at[pl.ds(my_rows, ROWS_PER_TILE)])
    plsc.subcore_barrier()

    row0 = wid * CHUNKS_PER_WORKER
    pltpu.sync_copy(dstr_hbm.at[pl.ds(row0, CHUNKS_PER_WORKER)], idx_v)

    def body(j, carry):
        pltpu.sync_copy(ones_v, acc_sh.at[idx_v.at[j]], add=True)
        return carry

    lax.fori_loop(0, CHUNKS_PER_WORKER, body, 0)
    plsc.subcore_barrier()

    pltpu.sync_copy(acc_sh.at[pl.ds(my_rows, ROWS_PER_TILE)], stage_v)
    out_off = pl.multiple_of(c * NPAD + my_rows, 8)
    pltpu.sync_copy(stage_v, out_hbm.at[pl.ds(out_off, ROWS_PER_TILE)])


@functools.partial(
    pl.kernel,
    mesh=_mesh(),
    out_type=jax.ShapeDtypeStruct((2 * NACC, F), jnp.float32),
    scratch_types=[
        pltpu.VMEM((NB, 2, CHUNK), jnp.int32),
        pltpu.VMEM((NB, CHUNK, F), jnp.float32),
        pltpu.VMEM_SHARED((NACC, F), jnp.float32),
    ] + [pltpu.SemaphoreType.DMA] * (2 * NB),
)
def _scatter_kernel(tab_hbm, ec_hbm, out_hbm, idx_v, rows_v, acc_sh, *sems):
    isem = sems[:NB]
    gsem = sems[NB:]
    c = lax.axis_index("c")
    s = lax.axis_index("s")
    wid = s * 2 + c

    zeros16 = jnp.zeros((16,), jnp.float32)

    def zrow(i, carry):
        for j in range(F // 16):
            rows_v[0, i, pl.ds(j * 16, 16)] = zeros16
        return carry

    lax.fori_loop(0, CHUNK, zrow, 0)

    my_rows = s * ACC_PER_TILE

    def zblk(t, carry):
        pltpu.sync_copy(rows_v.at[0], acc_sh.at[pl.ds(my_rows + t * CHUNK,
                                                      CHUNK)])
        return carry

    lax.fori_loop(0, ACC_PER_TILE // CHUNK, zblk, 0)
    pltpu.sync_copy(rows_v.at[0, pl.ds(0, ACC_PER_TILE % CHUNK)],
                    acc_sh.at[pl.ds(my_rows + (ACC_PER_TILE // CHUNK) * CHUNK,
                                    ACC_PER_TILE % CHUNK)])
    plsc.subcore_barrier()

    row0 = wid * CHUNKS_PER_WORKER

    for b in range(NB):
        pltpu.async_copy(ec_hbm.at[row0 + b], idx_v.at[b], isem[b])
    for b in range(NG):
        pltpu.make_async_copy(ec_hbm.at[row0 + b], idx_v.at[b],
                              isem[b]).wait()
        pltpu.async_copy(tab_hbm.at[idx_v.at[b, 0]], rows_v.at[b], gsem[b])

    def group(jj, carry):
        for b in range(NB):
            j = jj * NB + b

            @pl.when(j < CHUNKS_PER_WORKER)
            def _():
                pltpu.make_async_copy(tab_hbm.at[idx_v.at[b, 0]],
                                      rows_v.at[b], gsem[b]).wait()
                pltpu.sync_copy(rows_v.at[b], acc_sh.at[idx_v.at[b, 1]],
                                add=True)

            jn_i = j + NB
            bn_i = b

            @pl.when(jn_i < CHUNKS_PER_WORKER)
            def _():
                pltpu.async_copy(ec_hbm.at[row0 + jn_i], idx_v.at[bn_i],
                                 isem[bn_i])

            jn_g = j + NG
            bn_g = (b + NG) % NB

            @pl.when(jn_g < CHUNKS_PER_WORKER)
            def _():
                pltpu.make_async_copy(ec_hbm.at[row0 + jn_g],
                                      idx_v.at[bn_g], isem[bn_g]).wait()
                pltpu.async_copy(tab_hbm.at[idx_v.at[bn_g, 0]],
                                 rows_v.at[bn_g], gsem[bn_g])
        return carry

    lax.fori_loop(0, (CHUNKS_PER_WORKER + NB - 1) // NB, group, 0)
    plsc.subcore_barrier()

    def wb(t, carry):
        r0 = my_rows + t * CHUNK
        pltpu.sync_copy(acc_sh.at[pl.ds(r0, CHUNK)], rows_v.at[0])
        pltpu.sync_copy(rows_v.at[0], out_hbm.at[pl.ds(c * NACC + r0, CHUNK)])
        return carry

    lax.fori_loop(0, ACC_PER_TILE // CHUNK, wb, 0)
    _tail = ACC_PER_TILE % CHUNK
    _t0 = my_rows + (ACC_PER_TILE // CHUNK) * CHUNK
    pltpu.sync_copy(acc_sh.at[pl.ds(_t0, _tail)],
                    rows_v.at[0, pl.ds(0, _tail)])
    pltpu.sync_copy(rows_v.at[0, pl.ds(0, _tail)],
                    out_hbm.at[pl.ds(c * NACC + _t0, _tail)])


def _prep_body(degp_ref, x_ref, dinv_ref, g_ref):
    deg = degp_ref[0] + degp_ref[1]
    dinv = lax.rsqrt(jnp.maximum(deg, 1.0))
    dinv_ref[...] = dinv
    g_ref[...] = x_ref[...] * dinv


def _prep(degp, x):
    return pl.pallas_call(
        _prep_body,
        grid=(GRID,),
        in_specs=[
            pl.BlockSpec((2, R, 1), lambda i: (0, i, 0)),
            pl.BlockSpec((R, F), lambda i: (i, 0)),
        ],
        out_specs=[
            pl.BlockSpec((R, 1), lambda i: (i, 0)),
            pl.BlockSpec((R, F), lambda i: (i, 0)),
        ],
        out_shape=[
            jax.ShapeDtypeStruct((N, 1), jnp.float32),
            jax.ShapeDtypeStruct((N, F), jnp.float32),
        ],
    )(degp, x)


def _mid_body(p_ref, dinv_ref, x1_ref, y2_ref):
    a1 = p_ref[0] + p_ref[1]
    dinv = dinv_ref[...]
    x1 = -dinv * a1
    x1_ref[...] = x1
    y2_ref[...] = dinv * x1


def _mid(p, dinv):
    return pl.pallas_call(
        _mid_body,
        grid=(GRID,),
        in_specs=[
            pl.BlockSpec((2, R, F), lambda i: (0, i, 0)),
            pl.BlockSpec((R, 1), lambda i: (i, 0)),
        ],
        out_specs=[
            pl.BlockSpec((R, F), lambda i: (i, 0)),
            pl.BlockSpec((R, F), lambda i: (i, 0)),
        ],
        out_shape=[
            jax.ShapeDtypeStruct((N, F), jnp.float32),
            jax.ShapeDtypeStruct((N, F), jnp.float32),
        ],
    )(p, dinv)


def _final_body(x_ref, x1_ref, q_ref, dinv_ref, w_ref, b_ref, wp_ref, bp_ref,
                out_ref):
    a2 = q_ref[0] + q_ref[1]
    x = x_ref[...]
    x2 = -2.0 * dinv_ref[...] * a2 - x
    dot = functools.partial(jnp.dot, preferred_element_type=jnp.float32,
                            precision=lax.Precision.HIGHEST)
    h = (dot(x, w_ref[pl.ds(0, F), :])
         + dot(x1_ref[...], w_ref[pl.ds(F, F), :])
         + dot(x2, w_ref[pl.ds(2 * F, F), :])
         + b_ref[...])
    h = jnp.maximum(h, 0.0)
    out_ref[...] = dot(h, wp_ref[...]) + bp_ref[...]


def _final(x, x1, q, dinv, w, b2, wp, bp2):
    return pl.pallas_call(
        _final_body,
        grid=(GRID,),
        in_specs=[
            pl.BlockSpec((R, F), lambda i: (i, 0)),
            pl.BlockSpec((R, F), lambda i: (i, 0)),
            pl.BlockSpec((2, R, F), lambda i: (0, i, 0)),
            pl.BlockSpec((R, 1), lambda i: (i, 0)),
            pl.BlockSpec((3 * F, F), lambda i: (0, 0)),
            pl.BlockSpec((1, F), lambda i: (0, 0)),
            pl.BlockSpec((F, 1), lambda i: (0, 0)),
            pl.BlockSpec((1, 1), lambda i: (0, 0)),
        ],
        out_specs=pl.BlockSpec((R, 1), lambda i: (i, 0)),
        out_shape=jax.ShapeDtypeStruct((N, 1), jnp.float32),
    )(x, x1, q, dinv, w, b2, wp, bp2)


def kernel(x, edge_index, W, b, Wp, bp):
    src = edge_index[0]
    dst = edge_index[1]
    pad = E_PAD - E
    src_p = jnp.concatenate([src, jnp.zeros((pad,), jnp.int32)])
    dst_p = jnp.concatenate([dst, jnp.full((pad,), N, jnp.int32)])
    src_r = src_p.reshape(NUM_WORKERS * CHUNKS_PER_WORKER, CHUNK)
    dst_r = dst_p.reshape(NUM_WORKERS * CHUNKS_PER_WORKER, CHUNK)
    ec = jnp.stack([src_r, dst_r], axis=1)

    degp = _deg_kernel(dst_r).reshape(2, NPAD, 1)
    dinv, g = _prep(degp, x)
    p = _scatter_kernel(g, ec).reshape(2, NACC, F)
    x1, y2 = _mid(p, dinv)
    q = _scatter_kernel(y2, ec).reshape(2, NACC, F)
    return _final(x, x1, q, dinv, W, b.reshape(1, F), Wp, bp.reshape(1, 1))

# --- scband reference (transcript-rebuilt; emitter-appended) ---
"""Pipeline reference for scband-cheb-net-84121229460235 (READ-ONLY COPY).

The authoritative reference and input builder live on the scoring server;
editing this copy changes nothing except your own understanding.
"""

import jax, jax.numpy as jnp
import numpy as np

N = 10000
E = 320000
IN_FEATS = 128
OUT_FEATS = 128
K = 3


def setup_inputs(seed: int = 0) -> dict:
    key = jax.random.key(seed)
    k1, k2, k3, k4, k5, k6 = jax.random.split(key, 6)
    x = jax.random.normal(k1, (N, IN_FEATS), dtype=jnp.float32)
    edge_index = jax.random.randint(k2, (2, E), 0, N).astype(jnp.int32)
    lim = 1.0 / float(np.sqrt(K * IN_FEATS))
    W = jax.random.uniform(k3, (K * IN_FEATS, OUT_FEATS), minval=-lim, maxval=lim, dtype=jnp.float32)
    b = jax.random.uniform(k4, (OUT_FEATS,), minval=-lim, maxval=lim, dtype=jnp.float32)
    limp = 1.0 / float(np.sqrt(OUT_FEATS))
    Wp = jax.random.uniform(k5, (OUT_FEATS, 1), minval=-limp, maxval=limp, dtype=jnp.float32)
    bp = jax.random.uniform(k6, (1,), minval=-limp, maxval=limp, dtype=jnp.float32)
    return {"x": x, "edge_index": edge_index, "W": W, "b": b, "Wp": Wp, "bp": bp}


def reference(x, edge_index, W, b, Wp, bp):
    # ChebNet forward with num_layers=1, k=3, feat_drop=0.0, do_train=True.
    # DGL ChebConv semantics with lambda_max defaulting to 2.0.
    src = edge_index[0]
    dst = edge_index[1]
    # in-degrees (messages flow src -> dst, summed at dst)
    deg = jnp.bincount(dst, length=N).astype(jnp.float32)
    D_invsqrt = jnp.power(jnp.clip(deg, 1.0, None), -0.5)[:, None]
    lambda_max = 2.0
    re_norm = 2.0 / lambda_max

    def unn_laplacian(feat):
        # Feat * D^-1/2 A D^-1/2 via gather(src) + scatter-add(dst)
        h = feat * D_invsqrt
        agg = jnp.zeros_like(h).at[dst].add(h[src])
        return agg * D_invsqrt

    # Chebyshev recursion, k = 3
    X0 = x
    Xt = X0
    h1 = unn_laplacian(X0)
    X1 = -re_norm * h1 + X0 * (re_norm - 1.0)
    Xt = jnp.concatenate([Xt, X1], axis=1)
    h2 = unn_laplacian(X1)
    X2 = -2.0 * re_norm * h2 + X1 * 2.0 * (re_norm - 1.0) - X0
    Xt = jnp.concatenate([Xt, X2], axis=1)
    # linear projection over concatenated Chebyshev features + ReLU activation
    h = Xt @ W + b
    h = jax.nn.relu(h)
    # dropout p=0.0 is identity; do_train=True -> predict head
    logits = h @ Wp + bp
    return logits

if __name__ == "__main__":
    import jax
    _d = setup_inputs()
    print(jax.jit(kernel)(*tuple(_d.values())))

</pallas_src>

<mosaic_0001>
#map = affine_map<(d0, d1) -> (0, 0)>
#map1 = affine_map<(d0, d1) -> (0, 0, 0)>
module attributes {stable_mosaic.version = 14 : i64} {
  func.func @_scatter_kernel(%arg0: i32, %arg1: i32, %arg2: memref<10000x128xf32, #tpu.memory_space<hbm>>, %arg3: memref<2560x2x128xi32, #tpu.memory_space<hbm>>, %arg4: memref<20224x128xf32, #tpu.memory_space<hbm>>, %arg5: memref<3x2x128xi32, #tpu.memory_space<vmem>>, %arg6: memref<3x128x128xf32, #tpu.memory_space<vmem>>, %arg7: memref<10112x128xf32, #tpu.memory_space<vmem_shared>>, %arg8: memref<!tpu.dma_semaphore, #tpu.memory_space<semaphore_mem>>, %arg9: memref<!tpu.dma_semaphore, #tpu.memory_space<semaphore_mem>>, %arg10: memref<!tpu.dma_semaphore, #tpu.memory_space<semaphore_mem>>, %arg11: memref<!tpu.dma_semaphore, #tpu.memory_space<semaphore_mem>>, %arg12: memref<!tpu.dma_semaphore, #tpu.memory_space<semaphore_mem>>, %arg13: memref<!tpu.dma_semaphore, #tpu.memory_space<semaphore_mem>>) attributes {dimension_semantics = [#tpu.dimension_semantics<core_parallel>, #tpu.dimension_semantics<subcore_parallel>], iteration_bounds = array<i64: 2, 16>, scalar_prefetch = 0 : i64, scratch_operands = 9 : i64, tpu.core_type = #tpu.core_type<sc_vector_subcore>, window_params = [{transform_indices = #map}, {transform_indices = #map1}, {transform_indices = #map}]} {
    %mul3A = arith.constant 2 : i32
    %mul3A_0 = arith.muli %arg1, %mul3A : i32
    %add3A = arith.addi %mul3A_0, %arg0 : i32
    %broadcast_in_dim3A = arith.constant 0.000000e+00 : f32
    %broadcast_in_dim3A_1 = vector.broadcast %broadcast_in_dim3A : f32 to vector<16xf32>
    %scan3A = arith.constant 0 : i32
    %scan3A_2 = arith.constant 0 : i32
    %scan3A_3 = arith.constant 128 : i32
    %scan3A_4 = arith.addi %scan3A_2, %scan3A_3 : i32
    %scan3A_5 = arith.constant 1 : i32
    scf.for %scan3A_158 = %scan3A_2 to %scan3A_4 step %scan3A_5  : i32 {
      %swap3A = arith.constant 0 : i32
      %swap3A_159 = arith.index_cast %swap3A : i32 to index
      %swap3A_160 = arith.index_cast %scan3A_158 : i32 to index
      %swap3A_161 = arith.constant 0 : index
      %swap3A_162 = tpu.vector_load %arg6[%swap3A_159, %swap3A_160, %swap3A_161] {strides = array<i32>} : memref<3x128x128xf32, #tpu.memory_space<vmem>>, vector<1x1x16xf32>,
      %swap3A_163 = vector.shape_cast %swap3A_162 : vector<1x1x16xf32> to vector<16xf32>
      %swap3A_164 = vector.shape_cast %broadcast_in_dim3A_1 : vector<16xf32> to vector<1x1x16xf32>
      tpu.vector_store %arg6[%swap3A_159, %swap3A_160, %swap3A_161], %swap3A_164 {strides = array<i32>} : memref<3x128x128xf32, #tpu.memory_space<vmem>>, vector<1x1x16xf32>,
      %swap3A_165 = arith.constant 0 : i32
      %swap3A_166 = arith.index_cast %swap3A_165 : i32 to index
      %swap3A_167 = arith.index_cast %scan3A_158 : i32 to index
      %swap3A_168 = arith.constant 16 : index
      %swap3A_169 = tpu.vector_load %arg6[%swap3A_166, %swap3A_167, %swap3A_168] {strides = array<i32>} : memref<3x128x128xf32, #tpu.memory_space<vmem>>, vector<1x1x16xf32>,
      %swap3A_170 = vector.shape_cast %swap3A_169 : vector<1x1x16xf32> to vector<16xf32>
      %swap3A_171 = vector.shape_cast %broadcast_in_dim3A_1 : vector<16xf32> to vector<1x1x16xf32>
      tpu.vector_store %arg6[%swap3A_166, %swap3A_167, %swap3A_168], %swap3A_171 {strides = array<i32>} : memref<3x128x128xf32, #tpu.memory_space<vmem>>, vector<1x1x16xf32>,
      %swap3A_172 = arith.constant 0 : i32
      %swap3A_173 = arith.index_cast %swap3A_172 : i32 to index
      %swap3A_174 = arith.index_cast %scan3A_158 : i32 to index
      %swap3A_175 = arith.constant 32 : index
      %swap3A_176 = tpu.vector_load %arg6[%swap3A_173, %swap3A_174, %swap3A_175] {strides = array<i32>} : memref<3x128x128xf32, #tpu.memory_space<vmem>>, vector<1x1x16xf32>,
      %swap3A_177 = vector.shape_cast %swap3A_176 : vector<1x1x16xf32> to vector<16xf32>
      %swap3A_178 = vector.shape_cast %broadcast_in_dim3A_1 : vector<16xf32> to vector<1x1x16xf32>
      tpu.vector_store %arg6[%swap3A_173, %swap3A_174, %swap3A_175], %swap3A_178 {strides = array<i32>} : memref<3x128x128xf32, #tpu.memory_space<vmem>>, vector<1x1x16xf32>,
      %swap3A_179 = arith.constant 0 : i32
      %swap3A_180 = arith.index_cast %swap3A_179 : i32 to index
      %swap3A_181 = arith.index_cast %scan3A_158 : i32 to index
      %swap3A_182 = arith.constant 48 : index
      %swap3A_183 = tpu.vector_load %arg6[%swap3A_180, %swap3A_181, %swap3A_182] {strides = array<i32>} : memref<3x128x128xf32, #tpu.memory_space<vmem>>, vector<1x1x16xf32>,
      %swap3A_184 = vector.shape_cast %swap3A_183 : vector<1x1x16xf32> to vector<16xf32>
      %swap3A_185 = vector.shape_cast %broadcast_in_dim3A_1 : vector<16xf32> to vector<1x1x16xf32>
      tpu.vector_store %arg6[%swap3A_180, %swap3A_181, %swap3A_182], %swap3A_185 {strides = array<i32>} : memref<3x128x128xf32, #tpu.memory_space<vmem>>, vector<1x1x16xf32>,
      %swap3A_186 = arith.constant 0 : i32
      %swap3A_187 = arith.index_cast %swap3A_186 : i32 to index
      %swap3A_188 = arith.index_cast %scan3A_158 : i32 to index
      %swap3A_189 = arith.constant 64 : index
      %swap3A_190 = tpu.vector_load %arg6[%swap3A_187, %swap3A_188, %swap3A_189] {strides = array<i32>} : memref<3x128x128xf32, #tpu.memory_space<vmem>>, vector<1x1x16xf32>,
      %swap3A_191 = vector.shape_cast %swap3A_190 : vector<1x1x16xf32> to vector<16xf32>
      %swap3A_192 = vector.shape_cast %broadcast_in_dim3A_1 : vector<16xf32> to vector<1x1x16xf32>
      tpu.vector_store %arg6[%swap3A_187, %swap3A_188, %swap3A_189], %swap3A_192 {strides = array<i32>} : memref<3x128x128xf32, #tpu.memory_space<vmem>>, vector<1x1x16xf32>,
      %swap3A_193 = arith.constant 0 : i32
      %swap3A_194 = arith.index_cast %swap3A_193 : i32 to index
      %swap3A_195 = arith.index_cast %scan3A_158 : i32 to index
      %swap3A_196 = arith.constant 80 : index
      %swap3A_197 = tpu.vector_load %arg6[%swap3A_194, %swap3A_195, %swap3A_196] {strides = array<i32>} : memref<3x128x128xf32, #tpu.memory_space<vmem>>, vector<1x1x16xf32>,
      %swap3A_198 = vector.shape_cast %swap3A_197 : vector<1x1x16xf32> to vector<16xf32>
      %swap3A_199 = vector.shape_cast %broadcast_in_dim3A_1 : vector<16xf32> to vector<1x1x16xf32>
      tpu.vector_store %arg6[%swap3A_194, %swap3A_195, %swap3A_196], %swap3A_199 {strides = array<i32>} : memref<3x128x128xf32, #tpu.memory_space<vmem>>, vector<1x1x16xf32>,
      %swap3A_200 = arith.constant 0 : i32
      %swap3A_201 = arith.index_cast %swap3A_200 : i32 to index
      %swap3A_202 = arith.index_cast %scan3A_158 : i32 to index
      %swap3A_203 = arith.constant 96 : index
      %swap3A_204 = tpu.vector_load %arg6[%swap3A_201, %swap3A_202, %swap3A_203] {strides = array<i32>} : memref<3x128x128xf32, #tpu.memory_space<vmem>>, vector<1x1x16xf32>,
      %swap3A_205 = vector.shape_cast %swap3A_204 : vector<1x1x16xf32> to vector<16xf32>
      %swap3A_206 = vector.shape_cast %broadcast_in_dim3A_1 : vector<16xf32> to vector<1x1x16xf32>
      tpu.vector_store %arg6[%swap3A_201, %swap3A_202, %swap3A_203], %swap3A_206 {strides = array<i32>} : memref<3x128x128xf32, #tpu.memory_space<vmem>>, vector<1x1x16xf32>,
      %swap3A_207 = arith.constant 0 : i32
      %swap3A_208 = arith.index_cast %swap3A_207 : i32 to index
      %swap3A_209 = arith.index_cast %scan3A_158 : i32 to index
      %swap3A_210 = arith.constant 112 : index
      %swap3A_211 = tpu.vector_load %arg6[%swap3A_208, %swap3A_209, %swap3A_210] {strides = array<i32>} : memref<3x128x128xf32, #tpu.memory_space<vmem>>, vector<1x1x16xf32>,
      %swap3A_212 = vector.shape_cast %swap3A_211 : vector<1x1x16xf32> to vector<16xf32>
      %swap3A_213 = vector.shape_cast %broadcast_in_dim3A_1 : vector<16xf32> to vector<1x1x16xf32>
      tpu.vector_store %arg6[%swap3A_208, %swap3A_209, %swap3A_210], %swap3A_213 {strides = array<i32>} : memref<3x128x128xf32, #tpu.memory_space<vmem>>, vector<1x1x16xf32>,
    }
    %scan3A_6 = arith.constant 128 : i32
    %mul3A_7 = arith.constant 632 : i32
    %mul3A_8 = arith.muli %arg1, %mul3A_7 : i32
    %scan3A_9 = arith.constant 0 : i32
    %scan3A_10 = arith.constant 0 : i32
    %scan3A_11 = arith.constant 4 : i32
    %scan3A_12 = arith.addi %scan3A_10, %scan3A_11 : i32
    %scan3A_13 = arith.constant 1 : i32
    scf.for %scan3A_158 = %scan3A_10 to %scan3A_12 step %scan3A_13  : i32 {
      %mul3A_159 = arith.constant 128 : i32
      %mul3A_160 = arith.muli %scan3A_158, %mul3A_159 : i32
      %add3A_161 = arith.addi %mul3A_8, %mul3A_160 : i32
      %run_scoped3A_162 = arith.constant 0 : i32
      "tpu.region"() ({
        %run_scoped3A_163 = tpu.sem_alloc : memref<!tpu.dma_semaphore, #tpu.memory_space<semaphore_mem>>
        %dma_start3A_164 = arith.constant 0 : i32
        %dma_start3A_165 = arith.constant 0 : i32
        %dma_start3A_166 = tpu.memref_slice %arg6[%run_scoped3A_162, %dma_start3A_164, %dma_start3A_165] : memref<3x128x128xf32, #tpu.memory_space<vmem>> -> memref<1x128x128xf32, #tpu.memory_space<vmem>>
        %dma_start3A_167 = tpu.memref_squeeze %dma_start3A_166 : memref<1x128x128xf32, #tpu.memory_space<vmem>> -> memref<128x128xf32, #tpu.memory_space<vmem>>
        %dma_start3A_168 = arith.constant 0 : i32
        %dma_start3A_169 = tpu.memref_slice %arg7[%add3A_161, %dma_start3A_168] : memref<10112x128xf32, #tpu.memory_space<vmem_shared>> -> memref<128x128xf32, #tpu.memory_space<vmem_shared>>
        %dma_start3A_170 = arith.constant 0 : i32
        %dma_start3A_171 = tpu.memref_slice %arg7[%add3A_161, %dma_start3A_170] : memref<10112x128xf32, #tpu.memory_space<vmem_shared>> -> memref<128x128xf32, #tpu.memory_space<vmem_shared>>
        %dma_start3A_172 = arith.constant 0 : i32
        %dma_start3A_173 = arith.constant 0 : i32
        %dma_start3A_174 = tpu.memref_slice %arg6[%run_scoped3A_162, %dma_start3A_172, %dma_start3A_173] : memref<3x128x128xf32, #tpu.memory_space<vmem>> -> memref<1x128x128xf32, #tpu.memory_space<vmem>>
        %dma_start3A_175 = tpu.memref_squeeze %dma_start3A_174 : memref<1x128x128xf32, #tpu.memory_space<vmem>> -> memref<128x128xf32, #tpu.memory_space<vmem>>
        tpu.enqueue_dma source(%dma_start3A_175 : memref<128x128xf32, #tpu.memory_space<vmem>>) target(%dma_start3A_171 : memref<128x128xf32, #tpu.memory_space<vmem_shared>>) target_semaphore(%run_scoped3A_163 : memref<!tpu.dma_semaphore, #tpu.memory_space<semaphore_mem>>)
        %dma_wait3A_176 = arith.constant 0 : i32
        %dma_wait3A_177 = arith.constant 0 : i32
        %dma_wait3A_178 = tpu.memref_slice %arg6[%run_scoped3A_162, %dma_wait3A_176, %dma_wait3A_177] : memref<3x128x128xf32, #tpu.memory_space<vmem>> -> memref<1x128x128xf32, #tpu.memory_space<vmem>>
        %dma_wait3A_179 = tpu.memref_squeeze %dma_wait3A_178 : memref<1x128x128xf32, #tpu.memory_space<vmem>> -> memref<128x128xf32, #tpu.memory_space<vmem>>
        %dma_wait3A_180 = arith.constant 0 : i32
        %dma_wait3A_181 = tpu.memref_slice %arg7[%add3A_161, %dma_wait3A_180] : memref<10112x128xf32, #tpu.memory_space<vmem_shared>> -> memref<128x128xf32, #tpu.memory_space<vmem_shared>>
        %dma_wait3A_182 = arith.constant 0 : i32
        %dma_wait3A_183 = tpu.memref_slice %arg7[%add3A_161, %dma_wait3A_182] : memref<10112x128xf32, #tpu.memory_space<vmem_shared>> -> memref<128x128xf32, #tpu.memory_space<vmem_shared>>
        %dma_wait3A_184 = arith.constant 0 : i32
        %dma_wait3A_185 = arith.constant 0 : i32
        %dma_wait3A_186 = tpu.memref_slice %arg6[%run_scoped3A_162, %dma_wait3A_184, %dma_wait3A_185] : memref<3x128x128xf32, #tpu.memory_space<vmem>> -> memref<1x128x128xf32, #tpu.memory_space<vmem>>
        %dma_wait3A_187 = tpu.memref_squeeze %dma_wait3A_186 : memref<1x128x128xf32, #tpu.memory_space<vmem>> -> memref<128x128xf32, #tpu.memory_space<vmem>>
        tpu.wait_dma2 semaphore(%run_scoped3A_163 : memref<!tpu.dma_semaphore, #tpu.memory_space<semaphore_mem>>) src(%dma_wait3A_187 : memref<128x128xf32, #tpu.memory_space<vmem>>) dst(%dma_wait3A_183 : memref<128x128xf32, #tpu.memory_space<vmem_shared>>)
        tpu.yield
      }) : () -> ()
    }
    %scan3A_14 = arith.constant 4 : i32
    %add3A_15 = arith.constant 512 : i32
    %add3A_16 = arith.addi %mul3A_8, %add3A_15 : i32
    %run_scoped3A = arith.constant 0 : i32
    "tpu.region"() ({
      %run_scoped3A_158 = tpu.sem_alloc : memref<!tpu.dma_semaphore, #tpu.memory_space<semaphore_mem>>
      %dma_start3A_159 = arith.constant 0 : i32
      %dma_start3A_160 = arith.constant 0 : i32
      %dma_start3A_161 = tpu.memref_slice %arg6[%run_scoped3A, %dma_start3A_159, %dma_start3A_160] : memref<3x128x128xf32, #tpu.memory_space<vmem>> -> memref<1x120x128xf32, #tpu.memory_space<vmem>>
      %dma_start3A_162 = tpu.memref_squeeze %dma_start3A_161 : memref<1x120x128xf32, #tpu.memory_space<vmem>> -> memref<120x128xf32, #tpu.memory_space<vmem>>
      %dma_start3A_163 = arith.constant 0 : i32
      %dma_start3A_164 = tpu.memref_slice %arg7[%add3A_16, %dma_start3A_163] : memref<10112x128xf32, #tpu.memory_space<vmem_shared>> -> memref<120x128xf32, #tpu.memory_space<vmem_shared>>
      %dma_start3A_165 = arith.constant 0 : i32
      %dma_start3A_166 = tpu.memref_slice %arg7[%add3A_16, %dma_start3A_165] : memref<10112x128xf32, #tpu.memory_space<vmem_shared>> -> memref<120x128xf32, #tpu.memory_space<vmem_shared>>
      %dma_start3A_167 = arith.constant 0 : i32
      %dma_start3A_168 = arith.constant 0 : i32
      %dma_start3A_169 = tpu.memref_slice %arg6[%run_scoped3A, %dma_start3A_167, %dma_start3A_168] : memref<3x128x128xf32, #tpu.memory_space<vmem>> -> memref<1x120x128xf32, #tpu.memory_space<vmem>>
      %dma_start3A_170 = tpu.memref_squeeze %dma_start3A_169 : memref<1x120x128xf32, #tpu.memory_space<vmem>> -> memref<120x128xf32, #tpu.memory_space<vmem>>
      tpu.enqueue_dma source(%dma_start3A_170 : memref<120x128xf32, #tpu.memory_space<vmem>>) target(%dma_start3A_166 : memref<120x128xf32, #tpu.memory_space<vmem_shared>>) target_semaphore(%run_scoped3A_158 : memref<!tpu.dma_semaphore, #tpu.memory_space<semaphore_mem>>)
      %dma_wait3A_171 = arith.constant 0 : i32
      %dma_wait3A_172 = arith.constant 0 : i32
      %dma_wait3A_173 = tpu.memref_slice %arg6[%run_scoped3A, %dma_wait3A_171, %dma_wait3A_172] : memref<3x128x128xf32, #tpu.memory_space<vmem>> -> memref<1x120x128xf32, #tpu.memory_space<vmem>>
      %dma_wait3A_174 = tpu.memref_squeeze %dma_wait3A_173 : memref<1x120x128xf32, #tpu.memory_space<vmem>> -> memref<120x128xf32, #tpu.memory_space<vmem>>
      %dma_wait3A_175 = arith.constant 0 : i32
      %dma_wait3A_176 = tpu.memref_slice %arg7[%add3A_16, %dma_wait3A_175] : memref<10112x128xf32, #tpu.memory_space<vmem_shared>> -> memref<120x128xf32, #tpu.memory_space<vmem_shared>>
      %dma_wait3A_177 = arith.constant 0 : i32
      %dma_wait3A_178 = tpu.memref_slice %arg7[%add3A_16, %dma_wait3A_177] : memref<10112x128xf32, #tpu.memory_space<vmem_shared>> -> memref<120x128xf32, #tpu.memory_space<vmem_shared>>
      %dma_wait3A_179 = arith.constant 0 : i32
      %dma_wait3A_180 = arith.constant 0 : i32
      %dma_wait3A_181 = tpu.memref_slice %arg6[%run_scoped3A, %dma_wait3A_179, %dma_wait3A_180] : memref<3x128x128xf32, #tpu.memory_space<vmem>> -> memref<1x120x128xf32, #tpu.memory_space<vmem>>
      %dma_wait3A_182 = tpu.memref_squeeze %dma_wait3A_181 : memref<1x120x128xf32, #tpu.memory_space<vmem>> -> memref<120x128xf32, #tpu.memory_space<vmem>>
      tpu.wait_dma2 semaphore(%run_scoped3A_158 : memref<!tpu.dma_semaphore, #tpu.memory_space<semaphore_mem>>) src(%dma_wait3A_182 : memref<120x128xf32, #tpu.memory_space<vmem>>) dst(%dma_wait3A_178 : memref<120x128xf32, #tpu.memory_space<vmem_shared>>)
      tpu.yield
    }) : () -> ()
    %barrier3A = arith.constant 0 : index
    tpu.barrier barrier_id(%barrier3A)
    %mul3A_17 = arith.constant 80 : i32
    %mul3A_18 = arith.muli %add3A, %mul3A_17 : i32
    %add3A_19 = arith.constant 0 : i32
    %add3A_20 = arith.addi %mul3A_18, %add3A_19 : i32
    %dma_start3A = arith.constant 0 : i32
    %dma_start3A_21 = arith.constant 0 : i32
    %dma_start3A_22 = arith.constant 0 : i32
    %dma_start3A_23 = tpu.memref_slice %arg5[%dma_start3A, %dma_start3A_21, %dma_start3A_22] : memref<3x2x128xi32, #tpu.memory_space<vmem>> -> memref<1x2x128xi32, #tpu.memory_space<vmem>>
    %dma_start3A_24 = tpu.memref_squeeze %dma_start3A_23 : memref<1x2x128xi32, #tpu.memory_space<vmem>> -> memref<2x128xi32, #tpu.memory_space<vmem>>
    %dma_start3A_25 = arith.constant 0 : i32
    %dma_start3A_26 = arith.constant 0 : i32
    %dma_start3A_27 = tpu.memref_slice %arg3[%add3A_20, %dma_start3A_25, %dma_start3A_26] : memref<2560x2x128xi32, #tpu.memory_space<hbm>> -> memref<1x2x128xi32, #tpu.memory_space<hbm>>
    %dma_start3A_28 = tpu.memref_squeeze %dma_start3A_27 : memref<1x2x128xi32, #tpu.memory_space<hbm>> -> memref<2x128xi32, #tpu.memory_space<hbm>>
    %dma_start3A_29 = arith.constant 0 : i32
    %dma_start3A_30 = arith.constant 0 : i32
    %dma_start3A_31 = tpu.memref_slice %arg5[%dma_start3A, %dma_start3A_29, %dma_start3A_30] : memref<3x2x128xi32, #tpu.memory_space<vmem>> -> memref<1x2x128xi32, #tpu.memory_space<vmem>>
    %dma_start3A_32 = tpu.memref_squeeze %dma_start3A_31 : memref<1x2x128xi32, #tpu.memory_space<vmem>> -> memref<2x128xi32, #tpu.memory_space<vmem>>
    %dma_start3A_33 = arith.constant 0 : i32
    %dma_start3A_34 = arith.constant 0 : i32
    %dma_start3A_35 = tpu.memref_slice %arg3[%add3A_20, %dma_start3A_33, %dma_start3A_34] : memref<2560x2x128xi32, #tpu.memory_space<hbm>> -> memref<1x2x128xi32, #tpu.memory_space<hbm>>
    %dma_start3A_36 = tpu.memref_squeeze %dma_start3A_35 : memref<1x2x128xi32, #tpu.memory_space<hbm>> -> memref<2x128xi32, #tpu.memory_space<hbm>>
    tpu.enqueue_dma source(%dma_start3A_36 : memref<2x128xi32, #tpu.memory_space<hbm>>) target(%dma_start3A_32 : memref<2x128xi32, #tpu.memory_space<vmem>>) target_semaphore(%arg8 : memref<!tpu.dma_semaphore, #tpu.memory_space<semaphore_mem>>)
    %add3A_37 = arith.constant 1 : i32
    %add3A_38 = arith.addi %mul3A_18, %add3A_37 : i32
    %dma_start3A_39 = arith.constant 1 : i32
    %dma_start3A_40 = arith.constant 0 : i32
    %dma_start3A_41 = arith.constant 0 : i32
    %dma_start3A_42 = tpu.memref_slice %arg5[%dma_start3A_39, %dma_start3A_40, %dma_start3A_41] : memref<3x2x128xi32, #tpu.memory_space<vmem>> -> memref<1x2x128xi32, #tpu.memory_space<vmem>>
    %dma_start3A_43 = tpu.memref_squeeze %dma_start3A_42 : memref<1x2x128xi32, #tpu.memory_space<vmem>> -> memref<2x128xi32, #tpu.memory_space<vmem>>
    %dma_start3A_44 = arith.constant 0 : i32
    %dma_start3A_45 = arith.constant 0 : i32
    %dma_start3A_46 = tpu.memref_slice %arg3[%add3A_38, %dma_start3A_44, %dma_start3A_45] : memref<2560x2x128xi32, #tpu.memory_space<hbm>> -> memref<1x2x128xi32, #tpu.memory_space<hbm>>
    %dma_start3A_47 = tpu.memref_squeeze %dma_start3A_46 : memref<1x2x128xi32, #tpu.memory_space<hbm>> -> memref<2x128xi32, #tpu.memory_space<hbm>>
    %dma_start3A_48 = arith.constant 0 : i32
    %dma_start3A_49 = arith.constant 0 : i32
    %dma_start3A_50 = tpu.memref_slice %arg5[%dma_start3A_39, %dma_start3A_48, %dma_start3A_49] : memref<3x2x128xi32, #tpu.memory_space<vmem>> -> memref<1x2x128xi32, #tpu.memory_space<vmem>>
    %dma_start3A_51 = tpu.memref_squeeze %dma_start3A_50 : memref<1x2x128xi32, #tpu.memory_space<vmem>> -> memref<2x128xi32, #tpu.memory_space<vmem>>
    %dma_start3A_52 = arith.constant 0 : i32
    %dma_start3A_53 = arith.constant 0 : i32
    %dma_start3A_54 = tpu.memref_slice %arg3[%add3A_38, %dma_start3A_52, %dma_start3A_53] : memref<2560x2x128xi32, #tpu.memory_space<hbm>> -> memref<1x2x128xi32, #tpu.memory_space<hbm>>
    %dma_start3A_55 = tpu.memref_squeeze %dma_start3A_54 : memref<1x2x128xi32, #tpu.memory_space<hbm>> -> memref<2x128xi32, #tpu.memory_space<hbm>>
    tpu.enqueue_dma source(%dma_start3A_55 : memref<2x128xi32, #tpu.memory_space<hbm>>) target(%dma_start3A_51 : memref<2x128xi32, #tpu.memory_space<vmem>>) target_semaphore(%arg9 : memref<!tpu.dma_semaphore, #tpu.memory_space<semaphore_mem>>)
    %add3A_56 = arith.constant 2 : i32
    %add3A_57 = arith.addi %mul3A_18, %add3A_56 : i32
    %dma_start3A_58 = arith.constant 2 : i32
    %dma_start3A_59 = arith.constant 0 : i32
    %dma_start3A_60 = arith.constant 0 : i32
    %dma_start3A_61 = tpu.memref_slice %arg5[%dma_start3A_58, %dma_start3A_59, %dma_start3A_60] : memref<3x2x128xi32, #tpu.memory_space<vmem>> -> memref<1x2x128xi32, #tpu.memory_space<vmem>>
    %dma_start3A_62 = tpu.memref_squeeze %dma_start3A_61 : memref<1x2x128xi32, #tpu.memory_space<vmem>> -> memref<2x128xi32, #tpu.memory_space<vmem>>
    %dma_start3A_63 = arith.constant 0 : i32
    %dma_start3A_64 = arith.constant 0 : i32
    %dma_start3A_65 = tpu.memref_slice %arg3[%add3A_57, %dma_start3A_63, %dma_start3A_64] : memref<2560x2x128xi32, #tpu.memory_space<hbm>> -> memref<1x2x128xi32, #tpu.memory_space<hbm>>
    %dma_start3A_66 = tpu.memref_squeeze %dma_start3A_65 : memref<1x2x128xi32, #tpu.memory_space<hbm>> -> memref<2x128xi32, #tpu.memory_space<hbm>>
    %dma_start3A_67 = arith.constant 0 : i32
    %dma_start3A_68 = arith.constant 0 : i32
    %dma_start3A_69 = tpu.memref_slice %arg5[%dma_start3A_58, %dma_start3A_67, %dma_start3A_68] : memref<3x2x128xi32, #tpu.memory_space<vmem>> -> memref<1x2x128xi32, #tpu.memory_space<vmem>>
    %dma_start3A_70 = tpu.memref_squeeze %dma_start3A_69 : memref<1x2x128xi32, #tpu.memory_space<vmem>> -> memref<2x128xi32, #tpu.memory_space<vmem>>
    %dma_start3A_71 = arith.constant 0 : i32
    %dma_start3A_72 = arith.constant 0 : i32
    %dma_start3A_73 = tpu.memref_slice %arg3[%add3A_57, %dma_start3A_71, %dma_start3A_72] : memref<2560x2x128xi32, #tpu.memory_space<hbm>> -> memref<1x2x128xi32, #tpu.memory_space<hbm>>
    %dma_start3A_74 = tpu.memref_squeeze %dma_start3A_73 : memref<1x2x128xi32, #tpu.memory_space<hbm>> -> memref<2x128xi32, #tpu.memory_space<hbm>>
    tpu.enqueue_dma source(%dma_start3A_74 : memref<2x128xi32, #tpu.memory_space<hbm>>) target(%dma_start3A_70 : memref<2x128xi32, #tpu.memory_space<vmem>>) target_semaphore(%arg10 : memref<!tpu.dma_semaphore, #tpu.memory_space<semaphore_mem>>)
    %add3A_75 = arith.constant 0 : i32
    %add3A_76 = arith.addi %mul3A_18, %add3A_75 : i32
    %dma_wait3A = arith.constant 0 : i32
    %dma_wait3A_77 = arith.constant 0 : i32
    %dma_wait3A_78 = arith.constant 0 : i32
    %dma_wait3A_79 = tpu.memref_slice %arg5[%dma_wait3A, %dma_wait3A_77, %dma_wait3A_78] : memref<3x2x128xi32, #tpu.memory_space<vmem>> -> memref<1x2x128xi32, #tpu.memory_space<vmem>>
    %dma_wait3A_80 = tpu.memref_squeeze %dma_wait3A_79 : memref<1x2x128xi32, #tpu.memory_space<vmem>> -> memref<2x128xi32, #tpu.memory_space<vmem>>
    %dma_wait3A_81 = arith.constant 0 : i32
    %dma_wait3A_82 = arith.constant 0 : i32
    %dma_wait3A_83 = tpu.memref_slice %arg3[%add3A_76, %dma_wait3A_81, %dma_wait3A_82] : memref<2560x2x128xi32, #tpu.memory_space<hbm>> -> memref<1x2x128xi32, #tpu.memory_space<hbm>>
    %dma_wait3A_84 = tpu.memref_squeeze %dma_wait3A_83 : memref<1x2x128xi32, #tpu.memory_space<hbm>> -> memref<2x128xi32, #tpu.memory_space<hbm>>
    %dma_wait3A_85 = arith.constant 0 : i32
    %dma_wait3A_86 = arith.constant 0 : i32
    %dma_wait3A_87 = tpu.memref_slice %arg5[%dma_wait3A, %dma_wait3A_85, %dma_wait3A_86] : memref<3x2x128xi32, #tpu.memory_space<vmem>> -> memref<1x2x128xi32, #tpu.memory_space<vmem>>
    %dma_wait3A_88 = tpu.memref_squeeze %dma_wait3A_87 : memref<1x2x128xi32, #tpu.memory_space<vmem>> -> memref<2x128xi32, #tpu.memory_space<vmem>>
    %dma_wait3A_89 = arith.constant 0 : i32
    %dma_wait3A_90 = arith.constant 0 : i32
    %dma_wait3A_91 = tpu.memref_slice %arg3[%add3A_76, %dma_wait3A_89, %dma_wait3A_90] : memref<2560x2x128xi32, #tpu.memory_space<hbm>> -> memref<1x2x128xi32, #tpu.memory_space<hbm>>
    %dma_wait3A_92 = tpu.memref_squeeze %dma_wait3A_91 : memref<1x2x128xi32, #tpu.memory_space<hbm>> -> memref<2x128xi32, #tpu.memory_space<hbm>>
    tpu.wait_dma2 semaphore(%arg8 : memref<!tpu.dma_semaphore, #tpu.memory_space<semaphore_mem>>) src(%dma_wait3A_92 : memref<2x128xi32, #tpu.memory_space<hbm>>) dst(%dma_wait3A_88 : memref<2x128xi32, #tpu.memory_space<vmem>>)
    %dma_start3A_93 = arith.constant 0 : i32
    %dma_start3A_94 = arith.constant 0 : i32
    %dma_start3A_95 = arith.constant 0 : i32
    %dma_start3A_96 = arith.constant 0 : i32
    %dma_start3A_97 = arith.constant 0 : i32
    %dma_start3A_98 = tpu.memref_slice %arg6[%dma_start3A_95, %dma_start3A_96, %dma_start3A_97] : memref<3x128x128xf32, #tpu.memory_space<vmem>> -> memref<1x128x128xf32, #tpu.memory_space<vmem>>
    %dma_start3A_99 = tpu.memref_squeeze %dma_start3A_98 : memref<1x128x128xf32, #tpu.memory_space<vmem>> -> memref<128x128xf32, #tpu.memory_space<vmem>>
    %dma_start3A_100 = arith.constant 0 : i32
    %dma_start3A_101 = tpu.memref_slice %arg5[%dma_start3A_93, %dma_start3A_94, %dma_start3A_100] : memref<3x2x128xi32, #tpu.memory_space<vmem>> -> memref<1x1x128xi32, #tpu.memory_space<vmem>>
    %dma_start3A_102 = tpu.memref_squeeze %dma_start3A_101 : memref<1x1x128xi32, #tpu.memory_space<vmem>> -> memref<128xi32, #tpu.memory_space<vmem>>
    %dma_start3A_103 = arith.constant 0 : i32
    %dma_start3A_104 = arith.constant 0 : i32
    %dma_start3A_105 = tpu.memref_slice %arg2[%dma_start3A_103, %dma_start3A_104] : memref<10000x128xf32, #tpu.memory_space<hbm>> -> memref<10000x128xf32, #tpu.memory_space<hbm>>
    tpu.enqueue_indirect_dma source(%dma_start3A_105 : memref<10000x128xf32, #tpu.memory_space<hbm>>) target(%dma_start3A_99 : memref<128x128xf32, #tpu.memory_space<vmem>>) offsets(%dma_start3A_102 : memref<128xi32, #tpu.memory_space<vmem>>) semaphore(%arg11 : memref<!tpu.dma_semaphore, #tpu.memory_space<semaphore_mem>>)
    %add3A_106 = arith.constant 1 : i32
    %add3A_107 = arith.addi %mul3A_18, %add3A_106 : i32
    %dma_wait3A_108 = arith.constant 1 : i32
    %dma_wait3A_109 = arith.constant 0 : i32
    %dma_wait3A_110 = arith.constant 0 : i32
    %dma_wait3A_111 = tpu.memref_slice %arg5[%dma_wait3A_108, %dma_wait3A_109, %dma_wait3A_110] : memref<3x2x128xi32, #tpu.memory_space<vmem>> -> memref<1x2x128xi32, #tpu.memory_space<vmem>>
    %dma_wait3A_112 = tpu.memref_squeeze %dma_wait3A_111 : memref<1x2x128xi32, #tpu.memory_space<vmem>> -> memref<2x128xi32, #tpu.memory_space<vmem>>
    %dma_wait3A_113 = arith.constant 0 : i32
    %dma_wait3A_114 = arith.constant 0 : i32
    %dma_wait3A_115 = tpu.memref_slice %arg3[%add3A_107, %dma_wait3A_113, %dma_wait3A_114] : memref<2560x2x128xi32, #tpu.memory_space<hbm>> -> memref<1x2x128xi32, #tpu.memory_space<hbm>>
    %dma_wait3A_116 = tpu.memref_squeeze %dma_wait3A_115 : memref<1x2x128xi32, #tpu.memory_space<hbm>> -> memref<2x128xi32, #tpu.memory_space<hbm>>
    %dma_wait3A_117 = arith.constant 0 : i32
    %dma_wait3A_118 = arith.constant 0 : i32
    %dma_wait3A_119 = tpu.memref_slice %arg5[%dma_wait3A_108, %dma_wait3A_117, %dma_wait3A_118] : memref<3x2x128xi32, #tpu.memory_space<vmem>> -> memref<1x2x128xi32, #tpu.memory_space<vmem>>
    %dma_wait3A_120 = tpu.memref_squeeze %dma_wait3A_119 : memref<1x2x128xi32, #tpu.memory_space<vmem>> -> memref<2x128xi32, #tpu.memory_space<vmem>>
    %dma_wait3A_121 = arith.constant 0 : i32
    %dma_wait3A_122 = arith.constant 0 : i32
    %dma_wait3A_123 = tpu.memref_slice %arg3[%add3A_107, %dma_wait3A_121, %dma_wait3A_122] : memref<2560x2x128xi32, #tpu.memory_space<hbm>> -> memref<1x2x128xi32, #tpu.memory_space<hbm>>
    %dma_wait3A_124 = tpu.memref_squeeze %dma_wait3A_123 : memref<1x2x128xi32, #tpu.memory_space<hbm>> -> memref<2x128xi32, #tpu.memory_space<hbm>>
    tpu.wait_dma2 semaphore(%arg9 : memref<!tpu.dma_semaphore, #tpu.memory_space<semaphore_mem>>) src(%dma_wait3A_124 : memref<2x128xi32, #tpu.memory_space<hbm>>) dst(%dma_wait3A_120 : memref<2x128xi32, #tpu.memory_space<vmem>>)
    %dma_start3A_125 = arith.constant 1 : i32
    %dma_start3A_126 = arith.constant 0 : i32
    %dma_start3A_127 = arith.constant 1 : i32
    %dma_start3A_128 = arith.constant 0 : i32
    %dma_start3A_129 = arith.constant 0 : i32
    %dma_start3A_130 = tpu.memref_slice %arg6[%dma_start3A_127, %dma_start3A_128, %dma_start3A_129] : memref<3x128x128xf32, #tpu.memory_space<vmem>> -> memref<1x128x128xf32, #tpu.memory_space<vmem>>
    %dma_start3A_131 = tpu.memref_squeeze %dma_start3A_130 : memref<1x128x128xf32, #tpu.memory_space<vmem>> -> memref<128x128xf32, #tpu.memory_space<vmem>>
    %dma_start3A_132 = arith.constant 0 : i32
    %dma_start3A_133 = tpu.memref_slice %arg5[%dma_start3A_125, %dma_start3A_126, %dma_start3A_132] : memref<3x2x128xi32, #tpu.memory_space<vmem>> -> memref<1x1x128xi32, #tpu.memory_space<vmem>>
    %dma_start3A_134 = tpu.memref_squeeze %dma_start3A_133 : memref<1x1x128xi32, #tpu.memory_space<vmem>> -> memref<128xi32, #tpu.memory_space<vmem>>
    %dma_start3A_135 = arith.constant 0 : i32
    %dma_start3A_136 = arith.constant 0 : i32
    %dma_start3A_137 = tpu.memref_slice %arg2[%dma_start3A_135, %dma_start3A_136] : memref<10000x128xf32, #tpu.memory_space<hbm>> -> memref<10000x128xf32, #tpu.memory_space<hbm>>
    tpu.enqueue_indirect_dma source(%dma_start3A_137 : memref<10000x128xf32, #tpu.memory_space<hbm>>) target(%dma_start3A_131 : memref<128x128xf32, #tpu.memory_space<vmem>>) offsets(%dma_start3A_134 : memref<128xi32, #tpu.memory_space<vmem>>) semaphore(%arg12 : memref<!tpu.dma_semaphore, #tpu.memory_space<semaphore_mem>>)
    %scan3A_138 = arith.constant 0 : i32
    %scan3A_139 = arith.constant 0 : i32
    %scan3A_140 = arith.constant 27 : i32
    %scan3A_141 = arith.addi %scan3A_139, %scan3A_140 : i32
    %scan3A_142 = arith.constant 1 : i32
    scf.for %scan3A_158 = %scan3A_139 to %scan3A_141 step %scan3A_142  : i32 {
      %mul3A_159 = arith.constant 3 : i32
      %mul3A_160 = arith.muli %scan3A_158, %mul3A_159 : i32
      %add3A_161 = arith.constant 0 : i32
      %add3A_162 = arith.addi %mul3A_160, %add3A_161 : i32
      %lt3A = arith.constant 80 : i32
      %lt3A_163 = arith.cmpi slt, %add3A_162, %lt3A : i32
      %convert_element_type3A = arith.extui %lt3A_163 : i1 to i32
      %cond3A = arith.constant 0 : i32
      %cond3A_164 = arith.cmpi ne, %convert_element_type3A, %cond3A : i32
      scf.if %cond3A_164 {
        %dma_wait3A_225 = arith.constant 0 : i32
        %dma_wait3A_226 = arith.constant 0 : i32
        %dma_wait3A_227 = arith.constant 0 : i32
        %dma_wait3A_228 = arith.constant 0 : i32
        %dma_wait3A_229 = arith.constant 0 : i32
        %dma_wait3A_230 = tpu.memref_slice %arg6[%dma_wait3A_227, %dma_wait3A_228, %dma_wait3A_229] : memref<3x128x128xf32, #tpu.memory_space<vmem>> -> memref<1x128x128xf32, #tpu.memory_space<vmem>>
        %dma_wait3A_231 = tpu.memref_squeeze %dma_wait3A_230 : memref<1x128x128xf32, #tpu.memory_space<vmem>> -> memref<128x128xf32, #tpu.memory_space<vmem>>
        %dma_wait3A_232 = arith.constant 0 : i32
        %dma_wait3A_233 = tpu.memref_slice %arg5[%dma_wait3A_225, %dma_wait3A_226, %dma_wait3A_232] : memref<3x2x128xi32, #tpu.memory_space<vmem>> -> memref<1x1x128xi32, #tpu.memory_space<vmem>>
        %dma_wait3A_234 = tpu.memref_squeeze %dma_wait3A_233 : memref<1x1x128xi32, #tpu.memory_space<vmem>> -> memref<128xi32, #tpu.memory_space<vmem>>
        %dma_wait3A_235 = arith.constant 0 : i32
        %dma_wait3A_236 = arith.constant 0 : i32
        %dma_wait3A_237 = tpu.memref_slice %arg2[%dma_wait3A_235, %dma_wait3A_236] : memref<10000x128xf32, #tpu.memory_space<hbm>> -> memref<10000x128xf32, #tpu.memory_space<hbm>>
        tpu.wait_indirect_dma semaphore(%arg11 : memref<!tpu.dma_semaphore, #tpu.memory_space<semaphore_mem>>) src(%dma_wait3A_237 : memref<10000x128xf32, #tpu.memory_space<hbm>>) dst(%dma_wait3A_231 : memref<128x128xf32, #tpu.memory_space<vmem>>)
        %run_scoped3A_238 = arith.constant 0 : i32
        %run_scoped3A_239 = arith.constant 0 : i32
        %run_scoped3A_240 = arith.constant 1 : i32
        "tpu.region"() ({
          %run_scoped3A_241 = tpu.sem_alloc : memref<!tpu.dma_semaphore, #tpu.memory_space<semaphore_mem>>
          %dma_start3A_242 = arith.constant 0 : i32
          %dma_start3A_243 = arith.constant 0 : i32
          %dma_start3A_244 = tpu.memref_slice %arg6[%run_scoped3A_238, %dma_start3A_242, %dma_start3A_243] : memref<3x128x128xf32, #tpu.memory_space<vmem>> -> memref<1x128x128xf32, #tpu.memory_space<vmem>>
          %dma_start3A_245 = tpu.memref_squeeze %dma_start3A_244 : memref<1x128x128xf32, #tpu.memory_space<vmem>> -> memref<128x128xf32, #tpu.memory_space<vmem>>
          %dma_start3A_246 = arith.constant 0 : i32
          %dma_start3A_247 = tpu.memref_slice %arg5[%run_scoped3A_239, %run_scoped3A_240, %dma_start3A_246] : memref<3x2x128xi32, #tpu.memory_space<vmem>> -> memref<1x1x128xi32, #tpu.memory_space<vmem>>
          %dma_start3A_248 = tpu.memref_squeeze %dma_start3A_247 : memref<1x1x128xi32, #tpu.memory_space<vmem>> -> memref<128xi32, #tpu.memory_space<vmem>>
          %dma_start3A_249 = arith.constant 0 : i32
          %dma_start3A_250 = arith.constant 0 : i32
          %dma_start3A_251 = tpu.memref_slice %arg7[%dma_start3A_249, %dma_start3A_250] : memref<10112x128xf32, #tpu.memory_space<vmem_shared>> -> memref<10112x128xf32, #tpu.memory_space<vmem_shared>>
          tpu.enqueue_indirect_dma source(%dma_start3A_245 : memref<128x128xf32, #tpu.memory_space<vmem>>) target(%dma_start3A_251 : memref<10112x128xf32, #tpu.memory_space<vmem_shared>>) offsets(%dma_start3A_248 : memref<128xi32, #tpu.memory_space<vmem>>) semaphore(%run_scoped3A_241 : memref<!tpu.dma_semaphore, #tpu.memory_space<semaphore_mem>>) {add = true}
          %dma_wait3A_252 = arith.constant 0 : i32
          %dma_wait3A_253 = arith.constant 0 : i32
          %dma_wait3A_254 = tpu.memref_slice %arg6[%run_scoped3A_238, %dma_wait3A_252, %dma_wait3A_253] : memref<3x128x128xf32, #tpu.memory_space<vmem>> -> memref<1x128x128xf32, #tpu.memory_space<vmem>>
          %dma_wait3A_255 = tpu.memref_squeeze %dma_wait3A_254 : memref<1x128x128xf32, #tpu.memory_space<vmem>> -> memref<128x128xf32, #tpu.memory_space<vmem>>
          %dma_wait3A_256 = arith.constant 0 : i32
          %dma_wait3A_257 = tpu.memref_slice %arg5[%run_scoped3A_239, %run_scoped3A_240, %dma_wait3A_256] : memref<3x2x128xi32, #tpu.memory_space<vmem>> -> memref<1x1x128xi32, #tpu.memory_space<vmem>>
          %dma_wait3A_258 = tpu.memref_squeeze %dma_wait3A_257 : memref<1x1x128xi32, #tpu.memory_space<vmem>> -> memref<128xi32, #tpu.memory_space<vmem>>
          %dma_wait3A_259 = arith.constant 0 : i32
          %dma_wait3A_260 = arith.constant 0 : i32
          %dma_wait3A_261 = tpu.memref_slice %arg7[%dma_wait3A_259, %dma_wait3A_260] : memref<10112x128xf32, #tpu.memory_space<vmem_shared>> -> memref<10112x128xf32, #tpu.memory_space<vmem_shared>>
          tpu.wait_indirect_dma semaphore(%run_scoped3A_241 : memref<!tpu.dma_semaphore, #tpu.memory_space<semaphore_mem>>) src(%dma_wait3A_255 : memref<128x128xf32, #tpu.memory_space<vmem>>) dst(%dma_wait3A_261 : memref<10112x128xf32, #tpu.memory_space<vmem_shared>>)
          tpu.yield
        }) : () -> ()
      } else {
      }
      %add3A_165 = arith.constant 3 : i32
      %add3A_166 = arith.addi %add3A_162, %add3A_165 : i32
      %lt3A_167 = arith.constant 80 : i32
      %lt3A_168 = arith.cmpi slt, %add3A_166, %lt3A_167 : i32
      %convert_element_type3A_169 = arith.extui %lt3A_168 : i1 to i32
      %cond3A_170 = arith.constant 0 : i32
      %cond3A_171 = arith.cmpi ne, %convert_element_type3A_169, %cond3A_170 : i32
      scf.if %cond3A_171 {
        %add3A_225 = arith.addi %mul3A_18, %add3A_166 : i32
        %dma_start3A_226 = arith.constant 0 : i32
        %dma_start3A_227 = arith.constant 0 : i32
        %dma_start3A_228 = arith.constant 0 : i32
        %dma_start3A_229 = tpu.memref_slice %arg5[%dma_start3A_226, %dma_start3A_227, %dma_start3A_228] : memref<3x2x128xi32, #tpu.memory_space<vmem>> -> memref<1x2x128xi32, #tpu.memory_space<vmem>>
        %dma_start3A_230 = tpu.memref_squeeze %dma_start3A_229 : memref<1x2x128xi32, #tpu.memory_space<vmem>> -> memref<2x128xi32, #tpu.memory_space<vmem>>
        %dma_start3A_231 = arith.constant 0 : i32
        %dma_start3A_232 = arith.constant 0 : i32
        %dma_start3A_233 = tpu.memref_slice %arg3[%add3A_225, %dma_start3A_231, %dma_start3A_232] : memref<2560x2x128xi32, #tpu.memory_space<hbm>> -> memref<1x2x128xi32, #tpu.memory_space<hbm>>
        %dma_start3A_234 = tpu.memref_squeeze %dma_start3A_233 : memref<1x2x128xi32, #tpu.memory_space<hbm>> -> memref<2x128xi32, #tpu.memory_space<hbm>>
        %dma_start3A_235 = arith.constant 0 : i32
        %dma_start3A_236 = arith.constant 0 : i32
        %dma_start3A_237 = tpu.memref_slice %arg5[%dma_start3A_226, %dma_start3A_235, %dma_start3A_236] : memref<3x2x128xi32, #tpu.memory_space<vmem>> -> memref<1x2x128xi32, #tpu.memory_space<vmem>>
        %dma_start3A_238 = tpu.memref_squeeze %dma_start3A_237 : memref<1x2x128xi32, #tpu.memory_space<vmem>> -> memref<2x128xi32, #tpu.memory_space<vmem>>
        %dma_start3A_239 = arith.constant 0 : i32
        %dma_start3A_240 = arith.constant 0 : i32
        %dma_start3A_241 = tpu.memref_slice %arg3[%add3A_225, %dma_start3A_239, %dma_start3A_240] : memref<2560x2x128xi32, #tpu.memory_space<hbm>> -> memref<1x2x128xi32, #tpu.memory_space<hbm>>
        %dma_start3A_242 = tpu.memref_squeeze %dma_start3A_241 : memref<1x2x128xi32, #tpu.memory_space<hbm>> -> memref<2x128xi32, #tpu.memory_space<hbm>>
        tpu.enqueue_dma source(%dma_start3A_242 : memref<2x128xi32, #tpu.memory_space<hbm>>) target(%dma_start3A_238 : memref<2x128xi32, #tpu.memory_space<vmem>>) target_semaphore(%arg8 : memref<!tpu.dma_semaphore, #tpu.memory_space<semaphore_mem>>)
      } else {
      }
      %add3A_172 = arith.constant 2 : i32
      %add3A_173 = arith.addi %add3A_162, %add3A_172 : i32
      %lt3A_174 = arith.constant 80 : i32
      %lt3A_175 = arith.cmpi slt, %add3A_173, %lt3A_174 : i32
      %convert_element_type3A_176 = arith.extui %lt3A_175 : i1 to i32
      %cond3A_177 = arith.constant 0 : i32
      %cond3A_178 = arith.cmpi ne, %convert_element_type3A_176, %cond3A_177 : i32
      scf.if %cond3A_178 {
        %add3A_225 = arith.addi %mul3A_18, %add3A_173 : i32
        %dma_wait3A_226 = arith.constant 2 : i32
        %dma_wait3A_227 = arith.constant 0 : i32
        %dma_wait3A_228 = arith.constant 0 : i32
        %dma_wait3A_229 = tpu.memref_slice %arg5[%dma_wait3A_226, %dma_wait3A_227, %dma_wait3A_228] : memref<3x2x128xi32, #tpu.memory_space<vmem>> -> memref<1x2x128xi32, #tpu.memory_space<vmem>>
        %dma_wait3A_230 = tpu.memref_squeeze %dma_wait3A_229 : memref<1x2x128xi32, #tpu.memory_space<vmem>> -> memref<2x128xi32, #tpu.memory_space<vmem>>
        %dma_wait3A_231 = arith.constant 0 : i32
        %dma_wait3A_232 = arith.constant 0 : i32
        %dma_wait3A_233 = tpu.memref_slice %arg3[%add3A_225, %dma_wait3A_231, %dma_wait3A_232] : memref<2560x2x128xi32, #tpu.memory_space<hbm>> -> memref<1x2x128xi32, #tpu.memory_space<hbm>>
        %dma_wait3A_234 = tpu.memref_squeeze %dma_wait3A_233 : memref<1x2x128xi32, #tpu.memory_space<hbm>> -> memref<2x128xi32, #tpu.memory_space<hbm>>
        %dma_wait3A_235 = arith.constant 0 : i32
        %dma_wait3A_236 = arith.constant 0 : i32
        %dma_wait3A_237 = tpu.memref_slice %arg5[%dma_wait3A_226, %dma_wait3A_235, %dma_wait3A_236] : memref<3x2x128xi32, #tpu.memory_space<vmem>> -> memref<1x2x128xi32, #tpu.memory_space<vmem>>
        %dma_wait3A_238 = tpu.memref_squeeze %dma_wait3A_237 : memref<1x2x128xi32, #tpu.memory_space<vmem>> -> memref<2x128xi32, #tpu.memory_space<vmem>>
        %dma_wait3A_239 = arith.constant 0 : i32
        %dma_wait3A_240 = arith.constant 0 : i32
        %dma_wait3A_241 = tpu.memref_slice %arg3[%add3A_225, %dma_wait3A_239, %dma_wait3A_240] : memref<2560x2x128xi32, #tpu.memory_space<hbm>> -> memref<1x2x128xi32, #tpu.memory_space<hbm>>
        %dma_wait3A_242 = tpu.memref_squeeze %dma_wait3A_241 : memref<1x2x128xi32, #tpu.memory_space<hbm>> -> memref<2x128xi32, #tpu.memory_space<hbm>>
        tpu.wait_dma2 semaphore(%arg10 : memref<!tpu.dma_semaphore, #tpu.memory_space<semaphore_mem>>) src(%dma_wait3A_242 : memref<2x128xi32, #tpu.memory_space<hbm>>) dst(%dma_wait3A_238 : memref<2x128xi32, #tpu.memory_space<vmem>>)
        %dma_start3A_243 = arith.constant 2 : i32
        %dma_start3A_244 = arith.constant 0 : i32
        %dma_start3A_245 = arith.constant 2 : i32
        %dma_start3A_246 = arith.constant 0 : i32
        %dma_start3A_247 = arith.constant 0 : i32
        %dma_start3A_248 = tpu.memref_slice %arg6[%dma_start3A_245, %dma_start3A_246, %dma_start3A_247] : memref<3x128x128xf32, #tpu.memory_space<vmem>> -> memref<1x128x128xf32, #tpu.memory_space<vmem>>
        %dma_start3A_249 = tpu.memref_squeeze %dma_start3A_248 : memref<1x128x128xf32, #tpu.memory_space<vmem>> -> memref<128x128xf32, #tpu.memory_space<vmem>>
        %dma_start3A_250 = arith.constant 0 : i32
        %dma_start3A_251 = tpu.memref_slice %arg5[%dma_start3A_243, %dma_start3A_244, %dma_start3A_250] : memref<3x2x128xi32, #tpu.memory_space<vmem>> -> memref<1x1x128xi32, #tpu.memory_space<vmem>>
        %dma_start3A_252 = tpu.memref_squeeze %dma_start3A_251 : memref<1x1x128xi32, #tpu.memory_space<vmem>> -> memref<128xi32, #tpu.memory_space<vmem>>
        %dma_start3A_253 = arith.constant 0 : i32
        %dma_start3A_254 = arith.constant 0 : i32
        %dma_start3A_255 = tpu.memref_slice %arg2[%dma_start3A_253, %dma_start3A_254] : memref<10000x128xf32, #tpu.memory_space<hbm>> -> memref<10000x128xf32, #tpu.memory_space<hbm>>
        tpu.enqueue_indirect_dma source(%dma_start3A_255 : memref<10000x128xf32, #tpu.memory_space<hbm>>) target(%dma_start3A_249 : memref<128x128xf32, #tpu.memory_space<vmem>>) offsets(%dma_start3A_252 : memref<128xi32, #tpu.memory_space<vmem>>) semaphore(%arg13 : memref<!tpu.dma_semaphore, #tpu.memory_space<semaphore_mem>>)
      } else {
      }
      %mul3A_179 = arith.constant 3 : i32
      %mul3A_180 = arith.muli %scan3A_158, %mul3A_179 : i32
      %add3A_181 = arith.constant 1 : i32
      %add3A_182 = arith.addi %mul3A_180, %add3A_181 : i32
      %lt3A_183 = arith.constant 80 : i32
      %lt3A_184 = arith.cmpi slt, %add3A_182, %lt3A_183 : i32
      %convert_element_type3A_185 = arith.extui %lt3A_184 : i1 to i32
      %cond3A_186 = arith.constant 0 : i32
      %cond3A_187 = arith.cmpi ne, %convert_element_type3A_185, %cond3A_186 : i32
      scf.if %cond3A_187 {
        %dma_wait3A_225 = arith.constant 1 : i32
        %dma_wait3A_226 = arith.constant 0 : i32
        %dma_wait3A_227 = arith.constant 1 : i32
        %dma_wait3A_228 = arith.constant 0 : i32
        %dma_wait3A_229 = arith.constant 0 : i32
        %dma_wait3A_230 = tpu.memref_slice %arg6[%dma_wait3A_227, %dma_wait3A_228, %dma_wait3A_229] : memref<3x128x128xf32, #tpu.memory_space<vmem>> -> memref<1x128x128xf32, #tpu.memory_space<vmem>>
        %dma_wait3A_231 = tpu.memref_squeeze %dma_wait3A_230 : memref<1x128x128xf32, #tpu.memory_space<vmem>> -> memref<128x128xf32, #tpu.memory_space<vmem>>
        %dma_wait3A_232 = arith.constant 0 : i32
        %dma_wait3A_233 = tpu.memref_slice %arg5[%dma_wait3A_225, %dma_wait3A_226, %dma_wait3A_232] : memref<3x2x128xi32, #tpu.memory_space<vmem>> -> memref<1x1x128xi32, #tpu.memory_space<vmem>>
        %dma_wait3A_234 = tpu.memref_squeeze %dma_wait3A_233 : memref<1x1x128xi32, #tpu.memory_space<vmem>> -> memref<128xi32, #tpu.memory_space<vmem>>
        %dma_wait3A_235 = arith.constant 0 : i32
        %dma_wait3A_236 = arith.constant 0 : i32
        %dma_wait3A_237 = tpu.memref_slice %arg2[%dma_wait3A_235, %dma_wait3A_236] : memref<10000x128xf32, #tpu.memory_space<hbm>> -> memref<10000x128xf32, #tpu.memory_space<hbm>>
        tpu.wait_indirect_dma semaphore(%arg12 : memref<!tpu.dma_semaphore, #tpu.memory_space<semaphore_mem>>) src(%dma_wait3A_237 : memref<10000x128xf32, #tpu.memory_space<hbm>>) dst(%dma_wait3A_231 : memref<128x128xf32, #tpu.memory_space<vmem>>)
        %run_scoped3A_238 = arith.constant 1 : i32
        %run_scoped3A_239 = arith.constant 1 : i32
        %run_scoped3A_240 = arith.constant 1 : i32
        "tpu.region"() ({
          %run_scoped3A_241 = tpu.sem_alloc : memref<!tpu.dma_semaphore, #tpu.memory_space<semaphore_mem>>
          %dma_start3A_242 = arith.constant 0 : i32
          %dma_start3A_243 = arith.constant 0 : i32
          %dma_start3A_244 = tpu.memref_slice %arg6[%run_scoped3A_238, %dma_start3A_242, %dma_start3A_243] : memref<3x128x128xf32, #tpu.memory_space<vmem>> -> memref<1x128x128xf32, #tpu.memory_space<vmem>>
          %dma_start3A_245 = tpu.memref_squeeze %dma_start3A_244 : memref<1x128x128xf32, #tpu.memory_space<vmem>> -> memref<128x128xf32, #tpu.memory_space<vmem>>
          %dma_start3A_246 = arith.constant 0 : i32
          %dma_start3A_247 = tpu.memref_slice %arg5[%run_scoped3A_239, %run_scoped3A_240, %dma_start3A_246] : memref<3x2x128xi32, #tpu.memory_space<vmem>> -> memref<1x1x128xi32, #tpu.memory_space<vmem>>
          %dma_start3A_248 = tpu.memref_squeeze %dma_start3A_247 : memref<1x1x128xi32, #tpu.memory_space<vmem>> -> memref<128xi32, #tpu.memory_space<vmem>>
          %dma_start3A_249 = arith.constant 0 : i32
          %dma_start3A_250 = arith.constant 0 : i32
          %dma_start3A_251 = tpu.memref_slice %arg7[%dma_start3A_249, %dma_start3A_250] : memref<10112x128xf32, #tpu.memory_space<vmem_shared>> -> memref<10112x128xf32, #tpu.memory_space<vmem_shared>>
          tpu.enqueue_indirect_dma source(%dma_start3A_245 : memref<128x128xf32, #tpu.memory_space<vmem>>) target(%dma_start3A_251 : memref<10112x128xf32, #tpu.memory_space<vmem_shared>>) offsets(%dma_start3A_248 : memref<128xi32, #tpu.memory_space<vmem>>) semaphore(%run_scoped3A_241 : memref<!tpu.dma_semaphore, #tpu.memory_space<semaphore_mem>>) {add = true}
          %dma_wait3A_252 = arith.constant 0 : i32
          %dma_wait3A_253 = arith.constant 0 : i32
          %dma_wait3A_254 = tpu.memref_slice %arg6[%run_scoped3A_238, %dma_wait3A_252, %dma_wait3A_253] : memref<3x128x128xf32, #tpu.memory_space<vmem>> -> memref<1x128x128xf32, #tpu.memory_space<vmem>>
          %dma_wait3A_255 = tpu.memref_squeeze %dma_wait3A_254 : memref<1x128x128xf32, #tpu.memory_space<vmem>> -> memref<128x128xf32, #tpu.memory_space<vmem>>
          %dma_wait3A_256 = arith.constant 0 : i32
          %dma_wait3A_257 = tpu.memref_slice %arg5[%run_scoped3A_239, %run_scoped3A_240, %dma_wait3A_256] : memref<3x2x128xi32, #tpu.memory_space<vmem>> -> memref<1x1x128xi32, #tpu.memory_space<vmem>>
          %dma_wait3A_258 = tpu.memref_squeeze %dma_wait3A_257 : memref<1x1x128xi32, #tpu.memory_space<vmem>> -> memref<128xi32, #tpu.memory_space<vmem>>
          %dma_wait3A_259 = arith.constant 0 : i32
          %dma_wait3A_260 = arith.constant 0 : i32
          %dma_wait3A_261 = tpu.memref_slice %arg7[%dma_wait3A_259, %dma_wait3A_260] : memref<10112x128xf32, #tpu.memory_space<vmem_shared>> -> memref<10112x128xf32, #tpu.memory_space<vmem_shared>>
          tpu.wait_indirect_dma semaphore(%run_scoped3A_241 : memref<!tpu.dma_semaphore, #tpu.memory_space<semaphore_mem>>) src(%dma_wait3A_255 : memref<128x128xf32, #tpu.memory_space<vmem>>) dst(%dma_wait3A_261 : memref<10112x128xf32, #tpu.memory_space<vmem_shared>>)
          tpu.yield
        }) : () -> ()
      } else {
      }
      %add3A_188 = arith.constant 3 : i32
      %add3A_189 = arith.addi %add3A_182, %add3A_188 : i32
      %lt3A_190 = arith.constant 80 : i32
      %lt3A_191 = arith.cmpi slt, %add3A_189, %lt3A_190 : i32
      %convert_element_type3A_192 = arith.extui %lt3A_191 : i1 to i32
      %cond3A_193 = arith.constant 0 : i32
      %cond3A_194 = arith.cmpi ne, %convert_element_type3A_192, %cond3A_193 : i32
      scf.if %cond3A_194 {
        %add3A_225 = arith.addi %mul3A_18, %add3A_189 : i32
        %dma_start3A_226 = arith.constant 1 : i32
        %dma_start3A_227 = arith.constant 0 : i32
        %dma_start3A_228 = arith.constant 0 : i32
        %dma_start3A_229 = tpu.memref_slice %arg5[%dma_start3A_226, %dma_start3A_227, %dma_start3A_228] : memref<3x2x128xi32, #tpu.memory_space<vmem>> -> memref<1x2x128xi32, #tpu.memory_space<vmem>>
        %dma_start3A_230 = tpu.memref_squeeze %dma_start3A_229 : memref<1x2x128xi32, #tpu.memory_space<vmem>> -> memref<2x128xi32, #tpu.memory_space<vmem>>
        %dma_start3A_231 = arith.constant 0 : i32
        %dma_start3A_232 = arith.constant 0 : i32
        %dma_start3A_233 = tpu.memref_slice %arg3[%add3A_225, %dma_start3A_231, %dma_start3A_232] : memref<2560x2x128xi32, #tpu.memory_space<hbm>> -> memref<1x2x128xi32, #tpu.memory_space<hbm>>
        %dma_start3A_234 = tpu.memref_squeeze %dma_start3A_233 : memref<1x2x128xi32, #tpu.memory_space<hbm>> -> memref<2x128xi32, #tpu.memory_space<hbm>>
        %dma_start3A_235 = arith.constant 0 : i32
        %dma_start3A_236 = arith.constant 0 : i32
        %dma_start3A_237 = tpu.memref_slice %arg5[%dma_start3A_226, %dma_start3A_235, %dma_start3A_236] : memref<3x2x128xi32, #tpu.memory_space<vmem>> -> memref<1x2x128xi32, #tpu.memory_space<vmem>>
        %dma_start3A_238 = tpu.memref_squeeze %dma_start3A_237 : memref<1x2x128xi32, #tpu.memory_space<vmem>> -> memref<2x128xi32, #tpu.memory_space<vmem>>
        %dma_start3A_239 = arith.constant 0 : i32
        %dma_start3A_240 = arith.constant 0 : i32
        %dma_start3A_241 = tpu.memref_slice %arg3[%add3A_225, %dma_start3A_239, %dma_start3A_240] : memref<2560x2x128xi32, #tpu.memory_space<hbm>> -> memref<1x2x128xi32, #tpu.memory_space<hbm>>
        %dma_start3A_242 = tpu.memref_squeeze %dma_start3A_241 : memref<1x2x128xi32, #tpu.memory_space<hbm>> -> memref<2x128xi32, #tpu.memory_space<hbm>>
        tpu.enqueue_dma source(%dma_start3A_242 : memref<2x128xi32, #tpu.memory_space<hbm>>) target(%dma_start3A_238 : memref<2x128xi32, #tpu.memory_space<vmem>>) target_semaphore(%arg9 : memref<!tpu.dma_semaphore, #tpu.memory_space<semaphore_mem>>)
      } else {
      }
      %add3A_195 = arith.constant 2 : i32
      %add3A_196 = arith.addi %add3A_182, %add3A_195 : i32
      %lt3A_197 = arith.constant 80 : i32
      %lt3A_198 = arith.cmpi slt, %add3A_196, %lt3A_197 : i32
      %convert_element_type3A_199 = arith.extui %lt3A_198 : i1 to i32
      %cond3A_200 = arith.constant 0 : i32
      %cond3A_201 = arith.cmpi ne, %convert_element_type3A_199, %cond3A_200 : i32
      scf.if %cond3A_201 {
        %add3A_225 = arith.addi %mul3A_18, %add3A_196 : i32
        %dma_wait3A_226 = arith.constant 0 : i32
        %dma_wait3A_227 = arith.constant 0 : i32
        %dma_wait3A_228 = arith.constant 0 : i32
        %dma_wait3A_229 = tpu.memref_slice %arg5[%dma_wait3A_226, %dma_wait3A_227, %dma_wait3A_228] : memref<3x2x128xi32, #tpu.memory_space<vmem>> -> memref<1x2x128xi32, #tpu.memory_space<vmem>>
        %dma_wait3A_230 = tpu.memref_squeeze %dma_wait3A_229 : memref<1x2x128xi32, #tpu.memory_space<vmem>> -> memref<2x128xi32, #tpu.memory_space<vmem>>
        %dma_wait3A_231 = arith.constant 0 : i32
        %dma_wait3A_232 = arith.constant 0 : i32
        %dma_wait3A_233 = tpu.memref_slice %arg3[%add3A_225, %dma_wait3A_231, %dma_wait3A_232] : memref<2560x2x128xi32, #tpu.memory_space<hbm>> -> memref<1x2x128xi32, #tpu.memory_space<hbm>>
        %dma_wait3A_234 = tpu.memref_squeeze %dma_wait3A_233 : memref<1x2x128xi32, #tpu.memory_space<hbm>> -> memref<2x128xi32, #tpu.memory_space<hbm>>
        %dma_wait3A_235 = arith.constant 0 : i32
        %dma_wait3A_236 = arith.constant 0 : i32
        %dma_wait3A_237 = tpu.memref_slice %arg5[%dma_wait3A_226, %dma_wait3A_235, %dma_wait3A_236] : memref<3x2x128xi32, #tpu.memory_space<vmem>> -> memref<1x2x128xi32, #tpu.memory_space<vmem>>
        %dma_wait3A_238 = tpu.memref_squeeze %dma_wait3A_237 : memref<1x2x128xi32, #tpu.memory_space<vmem>> -> memref<2x128xi32, #tpu.memory_space<vmem>>
        %dma_wait3A_239 = arith.constant 0 : i32
        %dma_wait3A_240 = arith.constant 0 : i32
        %dma_wait3A_241 = tpu.memref_slice %arg3[%add3A_225, %dma_wait3A_239, %dma_wait3A_240] : memref<2560x2x128xi32, #tpu.memory_space<hbm>> -> memref<1x2x128xi32, #tpu.memory_space<hbm>>
        %dma_wait3A_242 = tpu.memref_squeeze %dma_wait3A_241 : memref<1x2x128xi32, #tpu.memory_space<hbm>> -> memref<2x128xi32, #tpu.memory_space<hbm>>
        tpu.wait_dma2 semaphore(%arg8 : memref<!tpu.dma_semaphore, #tpu.memory_space<semaphore_mem>>) src(%dma_wait3A_242 : memref<2x128xi32, #tpu.memory_space<hbm>>) dst(%dma_wait3A_238 : memref<2x128xi32, #tpu.memory_space<vmem>>)
        %dma_start3A_243 = arith.constant 0 : i32
        %dma_start3A_244 = arith.constant 0 : i32
        %dma_start3A_245 = arith.constant 0 : i32
        %dma_start3A_246 = arith.constant 0 : i32
        %dma_start3A_247 = arith.constant 0 : i32
        %dma_start3A_248 = tpu.memref_slice %arg6[%dma_start3A_245, %dma_start3A_246, %dma_start3A_247] : memref<3x128x128xf32, #tpu.memory_space<vmem>> -> memref<1x128x128xf32, #tpu.memory_space<vmem>>
        %dma_start3A_249 = tpu.memref_squeeze %dma_start3A_248 : memref<1x128x128xf32, #tpu.memory_space<vmem>> -> memref<128x128xf32, #tpu.memory_space<vmem>>
        %dma_start3A_250 = arith.constant 0 : i32
        %dma_start3A_251 = tpu.memref_slice %arg5[%dma_start3A_243, %dma_start3A_244, %dma_start3A_250] : memref<3x2x128xi32, #tpu.memory_space<vmem>> -> memref<1x1x128xi32, #tpu.memory_space<vmem>>
        %dma_start3A_252 = tpu.memref_squeeze %dma_start3A_251 : memref<1x1x128xi32, #tpu.memory_space<vmem>> -> memref<128xi32, #tpu.memory_space<vmem>>
        %dma_start3A_253 = arith.constant 0 : i32
        %dma_start3A_254 = arith.constant 0 : i32
        %dma_start3A_255 = tpu.memref_slice %arg2[%dma_start3A_253, %dma_start3A_254] : memref<10000x128xf32, #tpu.memory_space<hbm>> -> memref<10000x128xf32, #tpu.memory_space<hbm>>
        tpu.enqueue_indirect_dma source(%dma_start3A_255 : memref<10000x128xf32, #tpu.memory_space<hbm>>) target(%dma_start3A_249 : memref<128x128xf32, #tpu.memory_space<vmem>>) offsets(%dma_start3A_252 : memref<128xi32, #tpu.memory_space<vmem>>) semaphore(%arg11 : memref<!tpu.dma_semaphore, #tpu.memory_space<semaphore_mem>>)
      } else {
      }
      %mul3A_202 = arith.constant 3 : i32
      %mul3A_203 = arith.muli %scan3A_158, %mul3A_202 : i32
      %add3A_204 = arith.constant 2 : i32
      %add3A_205 = arith.addi %mul3A_203, %add3A_204 : i32
      %lt3A_206 = arith.constant 80 : i32
      %lt3A_207 = arith.cmpi slt, %add3A_205, %lt3A_206 : i32
      %convert_element_type3A_208 = arith.extui %lt3A_207 : i1 to i32
      %cond3A_209 = arith.constant 0 : i32
      %cond3A_210 = arith.cmpi ne, %convert_element_type3A_208, %cond3A_209 : i32
      scf.if %cond3A_210 {
        %dma_wait3A_225 = arith.constant 2 : i32
        %dma_wait3A_226 = arith.constant 0 : i32
        %dma_wait3A_227 = arith.constant 2 : i32
        %dma_wait3A_228 = arith.constant 0 : i32
        %dma_wait3A_229 = arith.constant 0 : i32
        %dma_wait3A_230 = tpu.memref_slice %arg6[%dma_wait3A_227, %dma_wait3A_228, %dma_wait3A_229] : memref<3x128x128xf32, #tpu.memory_space<vmem>> -> memref<1x128x128xf32, #tpu.memory_space<vmem>>
        %dma_wait3A_231 = tpu.memref_squeeze %dma_wait3A_230 : memref<1x128x128xf32, #tpu.memory_space<vmem>> -> memref<128x128xf32, #tpu.memory_space<vmem>>
        %dma_wait3A_232 = arith.constant 0 : i32
        %dma_wait3A_233 = tpu.memref_slice %arg5[%dma_wait3A_225, %dma_wait3A_226, %dma_wait3A_232] : memref<3x2x128xi32, #tpu.memory_space<vmem>> -> memref<1x1x128xi32, #tpu.memory_space<vmem>>
        %dma_wait3A_234 = tpu.memref_squeeze %dma_wait3A_233 : memref<1x1x128xi32, #tpu.memory_space<vmem>> -> memref<128xi32, #tpu.memory_space<vmem>>
        %dma_wait3A_235 = arith.constant 0 : i32
        %dma_wait3A_236 = arith.constant 0 : i32
        %dma_wait3A_237 = tpu.memref_slice %arg2[%dma_wait3A_235, %dma_wait3A_236] : memref<10000x128xf32, #tpu.memory_space<hbm>> -> memref<10000x128xf32, #tpu.memory_space<hbm>>
        tpu.wait_indirect_dma semaphore(%arg13 : memref<!tpu.dma_semaphore, #tpu.memory_space<semaphore_mem>>) src(%dma_wait3A_237 : memref<10000x128xf32, #tpu.memory_space<hbm>>) dst(%dma_wait3A_231 : memref<128x128xf32, #tpu.memory_space<vmem>>)
        %run_scoped3A_238 = arith.constant 2 : i32
        %run_scoped3A_239 = arith.constant 2 : i32
        %run_scoped3A_240 = arith.constant 1 : i32
        "tpu.region"() ({
          %run_scoped3A_241 = tpu.sem_alloc : memref<!tpu.dma_semaphore, #tpu.memory_space<semaphore_mem>>
          %dma_start3A_242 = arith.constant 0 : i32
          %dma_start3A_243 = arith.constant 0 : i32
          %dma_start3A_244 = tpu.memref_slice %arg6[%run_scoped3A_238, %dma_start3A_242, %dma_start3A_243] : memref<3x128x128xf32, #tpu.memory_space<vmem>> -> memref<1x128x128xf32, #tpu.memory_space<vmem>>
          %dma_start3A_245 = tpu.memref_squeeze %dma_start3A_244 : memref<1x128x128xf32, #tpu.memory_space<vmem>> -> memref<128x128xf32, #tpu.memory_space<vmem>>
          %dma_start3A_246 = arith.constant 0 : i32
          %dma_start3A_247 = tpu.memref_slice %arg5[%run_scoped3A_239, %run_scoped3A_240, %dma_start3A_246] : memref<3x2x128xi32, #tpu.memory_space<vmem>> -> memref<1x1x128xi32, #tpu.memory_space<vmem>>
          %dma_start3A_248 = tpu.memref_squeeze %dma_start3A_247 : memref<1x1x128xi32, #tpu.memory_space<vmem>> -> memref<128xi32, #tpu.memory_space<vmem>>
          %dma_start3A_249 = arith.constant 0 : i32
          %dma_start3A_250 = arith.constant 0 : i32
          %dma_start3A_251 = tpu.memref_slice %arg7[%dma_start3A_249, %dma_start3A_250] : memref<10112x128xf32, #tpu.memory_space<vmem_shared>> -> memref<10112x128xf32, #tpu.memory_space<vmem_shared>>
          tpu.enqueue_indirect_dma source(%dma_start3A_245 : memref<128x128xf32, #tpu.memory_space<vmem>>) target(%dma_start3A_251 : memref<10112x128xf32, #tpu.memory_space<vmem_shared>>) offsets(%dma_start3A_248 : memref<128xi32, #tpu.memory_space<vmem>>) semaphore(%run_scoped3A_241 : memref<!tpu.dma_semaphore, #tpu.memory_space<semaphore_mem>>) {add = true}
          %dma_wait3A_252 = arith.constant 0 : i32
          %dma_wait3A_253 = arith.constant 0 : i32
          %dma_wait3A_254 = tpu.memref_slice %arg6[%run_scoped3A_238, %dma_wait3A_252, %dma_wait3A_253] : memref<3x128x128xf32, #tpu.memory_space<vmem>> -> memref<1x128x128xf32, #tpu.memory_space<vmem>>
          %dma_wait3A_255 = tpu.memref_squeeze %dma_wait3A_254 : memref<1x128x128xf32, #tpu.memory_space<vmem>> -> memref<128x128xf32, #tpu.memory_space<vmem>>
          %dma_wait3A_256 = arith.constant 0 : i32
          %dma_wait3A_257 = tpu.memref_slice %arg5[%run_scoped3A_239, %run_scoped3A_240, %dma_wait3A_256] : memref<3x2x128xi32, #tpu.memory_space<vmem>> -> memref<1x1x128xi32, #tpu.memory_space<vmem>>
          %dma_wait3A_258 = tpu.memref_squeeze %dma_wait3A_257 : memref<1x1x128xi32, #tpu.memory_space<vmem>> -> memref<128xi32, #tpu.memory_space<vmem>>
          %dma_wait3A_259 = arith.constant 0 : i32
          %dma_wait3A_260 = arith.constant 0 : i32
          %dma_wait3A_261 = tpu.memref_slice %arg7[%dma_wait3A_259, %dma_wait3A_260] : memref<10112x128xf32, #tpu.memory_space<vmem_shared>> -> memref<10112x128xf32, #tpu.memory_space<vmem_shared>>
          tpu.wait_indirect_dma semaphore(%run_scoped3A_241 : memref<!tpu.dma_semaphore, #tpu.memory_space<semaphore_mem>>) src(%dma_wait3A_255 : memref<128x128xf32, #tpu.memory_space<vmem>>) dst(%dma_wait3A_261 : memref<10112x128xf32, #tpu.memory_space<vmem_shared>>)
          tpu.yield
        }) : () -> ()
      } else {
      }
      %add3A_211 = arith.constant 3 : i32
      %add3A_212 = arith.addi %add3A_205, %add3A_211 : i32
      %lt3A_213 = arith.constant 80 : i32
      %lt3A_214 = arith.cmpi slt, %add3A_212, %lt3A_213 : i32
      %convert_element_type3A_215 = arith.extui %lt3A_214 : i1 to i32
      %cond3A_216 = arith.constant 0 : i32
      %cond3A_217 = arith.cmpi ne, %convert_element_type3A_215, %cond3A_216 : i32
      scf.if %cond3A_217 {
        %add3A_225 = arith.addi %mul3A_18, %add3A_212 : i32
        %dma_start3A_226 = arith.constant 2 : i32
        %dma_start3A_227 = arith.constant 0 : i32
        %dma_start3A_228 = arith.constant 0 : i32
        %dma_start3A_229 = tpu.memref_slice %arg5[%dma_start3A_226, %dma_start3A_227, %dma_start3A_228] : memref<3x2x128xi32, #tpu.memory_space<vmem>> -> memref<1x2x128xi32, #tpu.memory_space<vmem>>
        %dma_start3A_230 = tpu.memref_squeeze %dma_start3A_229 : memref<1x2x128xi32, #tpu.memory_space<vmem>> -> memref<2x128xi32, #tpu.memory_space<vmem>>
        %dma_start3A_231 = arith.constant 0 : i32
        %dma_start3A_232 = arith.constant 0 : i32
        %dma_start3A_233 = tpu.memref_slice %arg3[%add3A_225, %dma_start3A_231, %dma_start3A_232] : memref<2560x2x128xi32, #tpu.memory_space<hbm>> -> memref<1x2x128xi32, #tpu.memory_space<hbm>>
        %dma_start3A_234 = tpu.memref_squeeze %dma_start3A_233 : memref<1x2x128xi32, #tpu.memory_space<hbm>> -> memref<2x128xi32, #tpu.memory_space<hbm>>
        %dma_start3A_235 = arith.constant 0 : i32
        %dma_start3A_236 = arith.constant 0 : i32
        %dma_start3A_237 = tpu.memref_slice %arg5[%dma_start3A_226, %dma_start3A_235, %dma_start3A_236] : memref<3x2x128xi32, #tpu.memory_space<vmem>> -> memref<1x2x128xi32, #tpu.memory_space<vmem>>
        %dma_start3A_238 = tpu.memref_squeeze %dma_start3A_237 : memref<1x2x128xi32, #tpu.memory_space<vmem>> -> memref<2x128xi32, #tpu.memory_space<vmem>>
        %dma_start3A_239 = arith.constant 0 : i32
        %dma_start3A_240 = arith.constant 0 : i32
        %dma_start3A_241 = tpu.memref_slice %arg3[%add3A_225, %dma_start3A_239, %dma_start3A_240] : memref<2560x2x128xi32, #tpu.memory_space<hbm>> -> memref<1x2x128xi32, #tpu.memory_space<hbm>>
        %dma_start3A_242 = tpu.memref_squeeze %dma_start3A_241 : memref<1x2x128xi32, #tpu.memory_space<hbm>> -> memref<2x128xi32, #tpu.memory_space<hbm>>
        tpu.enqueue_dma source(%dma_start3A_242 : memref<2x128xi32, #tpu.memory_space<hbm>>) target(%dma_start3A_238 : memref<2x128xi32, #tpu.memory_space<vmem>>) target_semaphore(%arg10 : memref<!tpu.dma_semaphore, #tpu.memory_space<semaphore_mem>>)
      } else {
      }
      %add3A_218 = arith.constant 2 : i32
      %add3A_219 = arith.addi %add3A_205, %add3A_218 : i32
      %lt3A_220 = arith.constant 80 : i32
      %lt3A_221 = arith.cmpi slt, %add3A_219, %lt3A_220 : i32
      %convert_element_type3A_222 = arith.extui %lt3A_221 : i1 to i32
      %cond3A_223 = arith.constant 0 : i32
      %cond3A_224 = arith.cmpi ne, %convert_element_type3A_222, %cond3A_223 : i32
      scf.if %cond3A_224 {
        %add3A_225 = arith.addi %mul3A_18, %add3A_219 : i32
        %dma_wait3A_226 = arith.constant 1 : i32
        %dma_wait3A_227 = arith.constant 0 : i32
        %dma_wait3A_228 = arith.constant 0 : i32
        %dma_wait3A_229 = tpu.memref_slice %arg5[%dma_wait3A_226, %dma_wait3A_227, %dma_wait3A_228] : memref<3x2x128xi32, #tpu.memory_space<vmem>> -> memref<1x2x128xi32, #tpu.memory_space<vmem>>
        %dma_wait3A_230 = tpu.memref_squeeze %dma_wait3A_229 : memref<1x2x128xi32, #tpu.memory_space<vmem>> -> memref<2x128xi32, #tpu.memory_space<vmem>>
        %dma_wait3A_231 = arith.constant 0 : i32
        %dma_wait3A_232 = arith.constant 0 : i32
        %dma_wait3A_233 = tpu.memref_slice %arg3[%add3A_225, %dma_wait3A_231, %dma_wait3A_232] : memref<2560x2x128xi32, #tpu.memory_space<hbm>> -> memref<1x2x128xi32, #tpu.memory_space<hbm>>
        %dma_wait3A_234 = tpu.memref_squeeze %dma_wait3A_233 : memref<1x2x128xi32, #tpu.memory_space<hbm>> -> memref<2x128xi32, #tpu.memory_space<hbm>>
        %dma_wait3A_235 = arith.constant 0 : i32
        %dma_wait3A_236 = arith.constant 0 : i32
        %dma_wait3A_237 = tpu.memref_slice %arg5[%dma_wait3A_226, %dma_wait3A_235, %dma_wait3A_236] : memref<3x2x128xi32, #tpu.memory_space<vmem>> -> memref<1x2x128xi32, #tpu.memory_space<vmem>>
        %dma_wait3A_238 = tpu.memref_squeeze %dma_wait3A_237 : memref<1x2x128xi32, #tpu.memory_space<vmem>> -> memref<2x128xi32, #tpu.memory_space<vmem>>
        %dma_wait3A_239 = arith.constant 0 : i32
        %dma_wait3A_240 = arith.constant 0 : i32
        %dma_wait3A_241 = tpu.memref_slice %arg3[%add3A_225, %dma_wait3A_239, %dma_wait3A_240] : memref<2560x2x128xi32, #tpu.memory_space<hbm>> -> memref<1x2x128xi32, #tpu.memory_space<hbm>>
        %dma_wait3A_242 = tpu.memref_squeeze %dma_wait3A_241 : memref<1x2x128xi32, #tpu.memory_space<hbm>> -> memref<2x128xi32, #tpu.memory_space<hbm>>
        tpu.wait_dma2 semaphore(%arg9 : memref<!tpu.dma_semaphore, #tpu.memory_space<semaphore_mem>>) src(%dma_wait3A_242 : memref<2x128xi32, #tpu.memory_space<hbm>>) dst(%dma_wait3A_238 : memref<2x128xi32, #tpu.memory_space<vmem>>)
        %dma_start3A_243 = arith.constant 1 : i32
        %dma_start3A_244 = arith.constant 0 : i32
        %dma_start3A_245 = arith.constant 1 : i32
        %dma_start3A_246 = arith.constant 0 : i32
        %dma_start3A_247 = arith.constant 0 : i32
        %dma_start3A_248 = tpu.memref_slice %arg6[%dma_start3A_245, %dma_start3A_246, %dma_start3A_247] : memref<3x128x128xf32, #tpu.memory_space<vmem>> -> memref<1x128x128xf32, #tpu.memory_space<vmem>>
        %dma_start3A_249 = tpu.memref_squeeze %dma_start3A_248 : memref<1x128x128xf32, #tpu.memory_space<vmem>> -> memref<128x128xf32, #tpu.memory_space<vmem>>
        %dma_start3A_250 = arith.constant 0 : i32
        %dma_start3A_251 = tpu.memref_slice %arg5[%dma_start3A_243, %dma_start3A_244, %dma_start3A_250] : memref<3x2x128xi32, #tpu.memory_space<vmem>> -> memref<1x1x128xi32, #tpu.memory_space<vmem>>
        %dma_start3A_252 = tpu.memref_squeeze %dma_start3A_251 : memref<1x1x128xi32, #tpu.memory_space<vmem>> -> memref<128xi32, #tpu.memory_space<vmem>>
        %dma_start3A_253 = arith.constant 0 : i32
        %dma_start3A_254 = arith.constant 0 : i32
        %dma_start3A_255 = tpu.memref_slice %arg2[%dma_start3A_253, %dma_start3A_254] : memref<10000x128xf32, #tpu.memory_space<hbm>> -> memref<10000x128xf32, #tpu.memory_space<hbm>>
        tpu.enqueue_indirect_dma source(%dma_start3A_255 : memref<10000x128xf32, #tpu.memory_space<hbm>>) target(%dma_start3A_249 : memref<128x128xf32, #tpu.memory_space<vmem>>) offsets(%dma_start3A_252 : memref<128xi32, #tpu.memory_space<vmem>>) semaphore(%arg12 : memref<!tpu.dma_semaphore, #tpu.memory_space<semaphore_mem>>)
      } else {
      }
    }
    %scan3A_143 = arith.constant 27 : i32
    %barrier3A_144 = arith.constant 0 : index
    tpu.barrier barrier_id(%barrier3A_144)
    %scan3A_145 = arith.constant 0 : i32
    %scan3A_146 = arith.constant 0 : i32
    %scan3A_147 = arith.constant 4 : i32
    %scan3A_148 = arith.addi %scan3A_146, %scan3A_147 : i32
    %scan3A_149 = arith.constant 1 : i32
    scf.for %scan3A_158 = %scan3A_146 to %scan3A_148 step %scan3A_149  : i32 {
      %mul3A_159 = arith.constant 128 : i32
      %mul3A_160 = arith.muli %scan3A_158, %mul3A_159 : i32
      %add3A_161 = arith.addi %mul3A_8, %mul3A_160 : i32
      %run_scoped3A_162 = arith.constant 0 : i32
      "tpu.region"() ({
        %run_scoped3A_167 = tpu.sem_alloc : memref<!tpu.dma_semaphore, #tpu.memory_space<semaphore_mem>>
        %dma_start3A_168 = arith.constant 0 : i32
        %dma_start3A_169 = arith.constant 0 : i32
        %dma_start3A_170 = tpu.memref_slice %arg6[%run_scoped3A_162, %dma_start3A_168, %dma_start3A_169] : memref<3x128x128xf32, #tpu.memory_space<vmem>> -> memref<1x128x128xf32, #tpu.memory_space<vmem>>
        %dma_start3A_171 = tpu.memref_squeeze %dma_start3A_170 : memref<1x128x128xf32, #tpu.memory_space<vmem>> -> memref<128x128xf32, #tpu.memory_space<vmem>>
        %dma_start3A_172 = arith.constant 0 : i32
        %dma_start3A_173 = tpu.memref_slice %arg7[%add3A_161, %dma_start3A_172] : memref<10112x128xf32, #tpu.memory_space<vmem_shared>> -> memref<128x128xf32, #tpu.memory_space<vmem_shared>>
        %dma_start3A_174 = arith.constant 0 : i32
        %dma_start3A_175 = arith.constant 0 : i32
        %dma_start3A_176 = tpu.memref_slice %arg6[%run_scoped3A_162, %dma_start3A_174, %dma_start3A_175] : memref<3x128x128xf32, #tpu.memory_space<vmem>> -> memref<1x128x128xf32, #tpu.memory_space<vmem>>
        %dma_start3A_177 = tpu.memref_squeeze %dma_start3A_176 : memref<1x128x128xf32, #tpu.memory_space<vmem>> -> memref<128x128xf32, #tpu.memory_space<vmem>>
        %dma_start3A_178 = arith.constant 0 : i32
        %dma_start3A_179 = tpu.memref_slice %arg7[%add3A_161, %dma_start3A_178] : memref<10112x128xf32, #tpu.memory_space<vmem_shared>> -> memref<128x128xf32, #tpu.memory_space<vmem_shared>>
        tpu.enqueue_dma source(%dma_start3A_179 : memref<128x128xf32, #tpu.memory_space<vmem_shared>>) target(%dma_start3A_177 : memref<128x128xf32, #tpu.memory_space<vmem>>) target_semaphore(%run_scoped3A_167 : memref<!tpu.dma_semaphore, #tpu.memory_space<semaphore_mem>>)
        %dma_wait3A_180 = arith.constant 0 : i32
        %dma_wait3A_181 = arith.constant 0 : i32
        %dma_wait3A_182 = tpu.memref_slice %arg6[%run_scoped3A_162, %dma_wait3A_180, %dma_wait3A_181] : memref<3x128x128xf32, #tpu.memory_space<vmem>> -> memref<1x128x128xf32, #tpu.memory_space<vmem>>
        %dma_wait3A_183 = tpu.memref_squeeze %dma_wait3A_182 : memref<1x128x128xf32, #tpu.memory_space<vmem>> -> memref<128x128xf32, #tpu.memory_space<vmem>>
        %dma_wait3A_184 = arith.constant 0 : i32
        %dma_wait3A_185 = tpu.memref_slice %arg7[%add3A_161, %dma_wait3A_184] : memref<10112x128xf32, #tpu.memory_space<vmem_shared>> -> memref<128x128xf32, #tpu.memory_space<vmem_shared>>
        %dma_wait3A_186 = arith.constant 0 : i32
        %dma_wait3A_187 = arith.constant 0 : i32
        %dma_wait3A_188 = tpu.memref_slice %arg6[%run_scoped3A_162, %dma_wait3A_186, %dma_wait3A_187] : memref<3x128x128xf32, #tpu.memory_space<vmem>> -> memref<1x128x128xf32, #tpu.memory_space<vmem>>
        %dma_wait3A_189 = tpu.memref_squeeze %dma_wait3A_188 : memref<1x128x128xf32, #tpu.memory_space<vmem>> -> memref<128x128xf32, #tpu.memory_space<vmem>>
        %dma_wait3A_190 = arith.constant 0 : i32
        %dma_wait3A_191 = tpu.memref_slice %arg7[%add3A_161, %dma_wait3A_190] : memref<10112x128xf32, #tpu.memory_space<vmem_shared>> -> memref<128x128xf32, #tpu.memory_space<vmem_shared>>
        tpu.wait_dma2 semaphore(%run_scoped3A_167 : memref<!tpu.dma_semaphore, #tpu.memory_space<semaphore_mem>>) src(%dma_wait3A_191 : memref<128x128xf32, #tpu.memory_space<vmem_shared>>) dst(%dma_wait3A_189 : memref<128x128xf32, #tpu.memory_space<vmem>>)
        tpu.yield
      }) : () -> ()
      %mul3A_163 = arith.constant 10112 : i32
      %mul3A_164 = arith.muli %arg0, %mul3A_163 : i32
      %add3A_165 = arith.addi %mul3A_164, %add3A_161 : i32
      %run_scoped3A_166 = arith.constant 0 : i32
      "tpu.region"() ({
        %run_scoped3A_167 = tpu.sem_alloc : memref<!tpu.dma_semaphore, #tpu.memory_space<semaphore_mem>>
        %dma_start3A_168 = arith.constant 0 : i32
        %dma_start3A_169 = arith.constant 0 : i32
        %dma_start3A_170 = tpu.memref_slice %arg6[%run_scoped3A_166, %dma_start3A_168, %dma_start3A_169] : memref<3x128x128xf32, #tpu.memory_space<vmem>> -> memref<1x128x128xf32, #tpu.memory_space<vmem>>
        %dma_start3A_171 = tpu.memref_squeeze %dma_start3A_170 : memref<1x128x128xf32, #tpu.memory_space<vmem>> -> memref<128x128xf32, #tpu.memory_space<vmem>>
        %dma_start3A_172 = arith.constant 0 : i32
        %dma_start3A_173 = tpu.memref_slice %arg4[%add3A_165, %dma_start3A_172] : memref<20224x128xf32, #tpu.memory_space<hbm>> -> memref<128x128xf32, #tpu.memory_space<hbm>>
        %dma_start3A_174 = arith.constant 0 : i32
        %dma_start3A_175 = tpu.memref_slice %arg4[%add3A_165, %dma_start3A_174] : memref<20224x128xf32, #tpu.memory_space<hbm>> -> memref<128x128xf32, #tpu.memory_space<hbm>>
        %dma_start3A_176 = arith.constant 0 : i32
        %dma_start3A_177 = arith.constant 0 : i32
        %dma_start3A_178 = tpu.memref_slice %arg6[%run_scoped3A_166, %dma_start3A_176, %dma_start3A_177] : memref<3x128x128xf32, #tpu.memory_space<vmem>> -> memref<1x128x128xf32, #tpu.memory_space<vmem>>
        %dma_start3A_179 = tpu.memref_squeeze %dma_start3A_178 : memref<1x128x128xf32, #tpu.memory_space<vmem>> -> memref<128x128xf32, #tpu.memory_space<vmem>>
        tpu.enqueue_dma source(%dma_start3A_179 : memref<128x128xf32, #tpu.memory_space<vmem>>) target(%dma_start3A_175 : memref<128x128xf32, #tpu.memory_space<hbm>>) target_semaphore(%run_scoped3A_167 : memref<!tpu.dma_semaphore, #tpu.memory_space<semaphore_mem>>)
        %dma_wait3A_180 = arith.constant 0 : i32
        %dma_wait3A_181 = arith.constant 0 : i32
        %dma_wait3A_182 = tpu.memref_slice %arg6[%run_scoped3A_166, %dma_wait3A_180, %dma_wait3A_181] : memref<3x128x128xf32, #tpu.memory_space<vmem>> -> memref<1x128x128xf32, #tpu.memory_space<vmem>>
        %dma_wait3A_183 = tpu.memref_squeeze %dma_wait3A_182 : memref<1x128x128xf32, #tpu.memory_space<vmem>> -> memref<128x128xf32, #tpu.memory_space<vmem>>
        %dma_wait3A_184 = arith.constant 0 : i32
        %dma_wait3A_185 = tpu.memref_slice %arg4[%add3A_165, %dma_wait3A_184] : memref<20224x128xf32, #tpu.memory_space<hbm>> -> memref<128x128xf32, #tpu.memory_space<hbm>>
        %dma_wait3A_186 = arith.constant 0 : i32
        %dma_wait3A_187 = tpu.memref_slice %arg4[%add3A_165, %dma_wait3A_186] : memref<20224x128xf32, #tpu.memory_space<hbm>> -> memref<128x128xf32, #tpu.memory_space<hbm>>
        %dma_wait3A_188 = arith.constant 0 : i32
        %dma_wait3A_189 = arith.constant 0 : i32
        %dma_wait3A_190 = tpu.memref_slice %arg6[%run_scoped3A_166, %dma_wait3A_188, %dma_wait3A_189] : memref<3x128x128xf32, #tpu.memory_space<vmem>> -> memref<1x128x128xf32, #tpu.memory_space<vmem>>
        %dma_wait3A_191 = tpu.memref_squeeze %dma_wait3A_190 : memref<1x128x128xf32, #tpu.memory_space<vmem>> -> memref<128x128xf32, #tpu.memory_space<vmem>>
        tpu.wait_dma2 semaphore(%run_scoped3A_167 : memref<!tpu.dma_semaphore, #tpu.memory_space<semaphore_mem>>) src(%dma_wait3A_191 : memref<128x128xf32, #tpu.memory_space<vmem>>) dst(%dma_wait3A_187 : memref<128x128xf32, #tpu.memory_space<hbm>>)
        tpu.yield
      }) : () -> ()
    }
    %scan3A_150 = arith.constant 4 : i32
    %add3A_151 = arith.constant 512 : i32
    %add3A_152 = arith.addi %mul3A_8, %add3A_151 : i32
    %run_scoped3A_153 = arith.constant 0 : i32
    "tpu.region"() ({
      %run_scoped3A_158 = tpu.sem_alloc : memref<!tpu.dma_semaphore, #tpu.memory_space<semaphore_mem>>
      %dma_start3A_159 = arith.constant 0 : i32
      %dma_start3A_160 = arith.constant 0 : i32
      %dma_start3A_161 = tpu.memref_slice %arg6[%run_scoped3A_153, %dma_start3A_159, %dma_start3A_160] : memref<3x128x128xf32, #tpu.memory_space<vmem>> -> memref<1x120x128xf32, #tpu.memory_space<vmem>>
      %dma_start3A_162 = tpu.memref_squeeze %dma_start3A_161 : memref<1x120x128xf32, #tpu.memory_space<vmem>> -> memref<120x128xf32, #tpu.memory_space<vmem>>
      %dma_start3A_163 = arith.constant 0 : i32
      %dma_start3A_164 = tpu.memref_slice %arg7[%add3A_152, %dma_start3A_163] : memref<10112x128xf32, #tpu.memory_space<vmem_shared>> -> memref<120x128xf32, #tpu.memory_space<vmem_shared>>
      %dma_start3A_165 = arith.constant 0 : i32
      %dma_start3A_166 = arith.constant 0 : i32
      %dma_start3A_167 = tpu.memref_slice %arg6[%run_scoped3A_153, %dma_start3A_165, %dma_start3A_166] : memref<3x128x128xf32, #tpu.memory_space<vmem>> -> memref<1x120x128xf32, #tpu.memory_space<vmem>>
      %dma_start3A_168 = tpu.memref_squeeze %dma_start3A_167 : memref<1x120x128xf32, #tpu.memory_space<vmem>> -> memref<120x128xf32, #tpu.memory_space<vmem>>
      %dma_start3A_169 = arith.constant 0 : i32
      %dma_start3A_170 = tpu.memref_slice %arg7[%add3A_152, %dma_start3A_169] : memref<10112x128xf32, #tpu.memory_space<vmem_shared>> -> memref<120x128xf32, #tpu.memory_space<vmem_shared>>
      tpu.enqueue_dma source(%dma_start3A_170 : memref<120x128xf32, #tpu.memory_space<vmem_shared>>) target(%dma_start3A_168 : memref<120x128xf32, #tpu.memory_space<vmem>>) target_semaphore(%run_scoped3A_158 : memref<!tpu.dma_semaphore, #tpu.memory_space<semaphore_mem>>)
      %dma_wait3A_171 = arith.constant 0 : i32
      %dma_wait3A_172 = arith.constant 0 : i32
      %dma_wait3A_173 = tpu.memref_slice %arg6[%run_scoped3A_153, %dma_wait3A_171, %dma_wait3A_172] : memref<3x128x128xf32, #tpu.memory_space<vmem>> -> memref<1x120x128xf32, #tpu.memory_space<vmem>>
      %dma_wait3A_174 = tpu.memref_squeeze %dma_wait3A_173 : memref<1x120x128xf32, #tpu.memory_space<vmem>> -> memref<120x128xf32, #tpu.memory_space<vmem>>
      %dma_wait3A_175 = arith.constant 0 : i32
      %dma_wait3A_176 = tpu.memref_slice %arg7[%add3A_152, %dma_wait3A_175] : memref<10112x128xf32, #tpu.memory_space<vmem_shared>> -> memref<120x128xf32, #tpu.memory_space<vmem_shared>>
      %dma_wait3A_177 = arith.constant 0 : i32
      %dma_wait3A_178 = arith.constant 0 : i32
      %dma_wait3A_179 = tpu.memref_slice %arg6[%run_scoped3A_153, %dma_wait3A_177, %dma_wait3A_178] : memref<3x128x128xf32, #tpu.memory_space<vmem>> -> memref<1x120x128xf32, #tpu.memory_space<vmem>>
      %dma_wait3A_180 = tpu.memref_squeeze %dma_wait3A_179 : memref<1x120x128xf32, #tpu.memory_space<vmem>> -> memref<120x128xf32, #tpu.memory_space<vmem>>
      %dma_wait3A_181 = arith.constant 0 : i32
      %dma_wait3A_182 = tpu.memref_slice %arg7[%add3A_152, %dma_wait3A_181] : memref<10112x128xf32, #tpu.memory_space<vmem_shared>> -> memref<120x128xf32, #tpu.memory_space<vmem_shared>>
      tpu.wait_dma2 semaphore(%run_scoped3A_158 : memref<!tpu.dma_semaphore, #tpu.memory_space<semaphore_mem>>) src(%dma_wait3A_182 : memref<120x128xf32, #tpu.memory_space<vmem_shared>>) dst(%dma_wait3A_180 : memref<120x128xf32, #tpu.memory_space<vmem>>)
      tpu.yield
    }) : () -> ()
    %mul3A_154 = arith.constant 10112 : i32
    %mul3A_155 = arith.muli %arg0, %mul3A_154 : i32
    %add3A_156 = arith.addi %mul3A_155, %add3A_152 : i32
    %run_scoped3A_157 = arith.constant 0 : i32
    "tpu.region"() ({
      %run_scoped3A_158 = tpu.sem_alloc : memref<!tpu.dma_semaphore, #tpu.memory_space<semaphore_mem>>
      %dma_start3A_159 = arith.constant 0 : i32
      %dma_start3A_160 = arith.constant 0 : i32
      %dma_start3A_161 = tpu.memref_slice %arg6[%run_scoped3A_157, %dma_start3A_159, %dma_start3A_160] : memref<3x128x128xf32, #tpu.memory_space<vmem>> -> memref<1x120x128xf32, #tpu.memory_space<vmem>>
      %dma_start3A_162 = tpu.memref_squeeze %dma_start3A_161 : memref<1x120x128xf32, #tpu.memory_space<vmem>> -> memref<120x128xf32, #tpu.memory_space<vmem>>
      %dma_start3A_163 = arith.constant 0 : i32
      %dma_start3A_164 = tpu.memref_slice %arg4[%add3A_156, %dma_start3A_163] : memref<20224x128xf32, #tpu.memory_space<hbm>> -> memref<120x128xf32, #tpu.memory_space<hbm>>
      %dma_start3A_165 = arith.constant 0 : i32
      %dma_start3A_166 = tpu.memref_slice %arg4[%add3A_156, %dma_start3A_165] : memref<20224x128xf32, #tpu.memory_space<hbm>> -> memref<120x128xf32, #tpu.memory_space<hbm>>
      %dma_start3A_167 = arith.constant 0 : i32
      %dma_start3A_168 = arith.constant 0 : i32
      %dma_start3A_169 = tpu.memref_slice %arg6[%run_scoped3A_157, %dma_start3A_167, %dma_start3A_168] : memref<3x128x128xf32, #tpu.memory_space<vmem>> -> memref<1x120x128xf32, #tpu.memory_space<vmem>>
      %dma_start3A_170 = tpu.memref_squeeze %dma_start3A_169 : memref<1x120x128xf32, #tpu.memory_space<vmem>> -> memref<120x128xf32, #tpu.memory_space<vmem>>
      tpu.enqueue_dma source(%dma_start3A_170 : memref<120x128xf32, #tpu.memory_space<vmem>>) target(%dma_start3A_166 : memref<120x128xf32, #tpu.memory_space<hbm>>) target_semaphore(%run_scoped3A_158 : memref<!tpu.dma_semaphore, #tpu.memory_space<semaphore_mem>>)
      %dma_wait3A_171 = arith.constant 0 : i32
      %dma_wait3A_172 = arith.constant 0 : i32
      %dma_wait3A_173 = tpu.memref_slice %arg6[%run_scoped3A_157, %dma_wait3A_171, %dma_wait3A_172] : memref<3x128x128xf32, #tpu.memory_space<vmem>> -> memref<1x120x128xf32, #tpu.memory_space<vmem>>
      %dma_wait3A_174 = tpu.memref_squeeze %dma_wait3A_173 : memref<1x120x128xf32, #tpu.memory_space<vmem>> -> memref<120x128xf32, #tpu.memory_space<vmem>>
      %dma_wait3A_175 = arith.constant 0 : i32
      %dma_wait3A_176 = tpu.memref_slice %arg4[%add3A_156, %dma_wait3A_175] : memref<20224x128xf32, #tpu.memory_space<hbm>> -> memref<120x128xf32, #tpu.memory_space<hbm>>
      %dma_wait3A_177 = arith.constant 0 : i32
      %dma_wait3A_178 = tpu.memref_slice %arg4[%add3A_156, %dma_wait3A_177] : memref<20224x128xf32, #tpu.memory_space<hbm>> -> memref<120x128xf32, #tpu.memory_space<hbm>>
      %dma_wait3A_179 = arith.constant 0 : i32
      %dma_wait3A_180 = arith.constant 0 : i32
      %dma_wait3A_181 = tpu.memref_slice %arg6[%run_scoped3A_157, %dma_wait3A_179, %dma_wait3A_180] : memref<3x128x128xf32, #tpu.memory_space<vmem>> -> memref<1x120x128xf32, #tpu.memory_space<vmem>>
      %dma_wait3A_182 = tpu.memref_squeeze %dma_wait3A_181 : memref<1x120x128xf32, #tpu.memory_space<vmem>> -> memref<120x128xf32, #tpu.memory_space<vmem>>
      tpu.wait_dma2 semaphore(%run_scoped3A_158 : memref<!tpu.dma_semaphore, #tpu.memory_space<semaphore_mem>>) src(%dma_wait3A_182 : memref<120x128xf32, #tpu.memory_space<vmem>>) dst(%dma_wait3A_178 : memref<120x128xf32, #tpu.memory_space<hbm>>)
      tpu.yield
    }) : () -> ()
    return
  }
}

#map = affine_map<(d0, d1) -> (0, 0)>
#map1 = affine_map<(d0, d1) -> (0)>
module attributes {stable_mosaic.version = 14 : i64} {
  func.func @_deg_kernel(%arg0: i32, %arg1: i32, %arg2: memref<2560x128xi32, #tpu.memory_space<hbm>>, %arg3: memref<20480xf32, #tpu.memory_space<hbm>>, %arg4: memref<80x128xi32, #tpu.memory_space<vmem>>, %arg5: memref<128xf32, #tpu.memory_space<vmem>>, %arg6: memref<640xf32, #tpu.memory_space<vmem>>, %arg7: memref<10240xf32, #tpu.memory_space<vmem_shared>>) attributes {dimension_semantics = [#tpu.dimension_semantics<core_parallel>, #tpu.dimension_semantics<subcore_parallel>], iteration_bounds = array<i64: 2, 16>, scalar_prefetch = 0 : i64, scratch_operands = 4 : i64, tpu.core_type = #tpu.core_type<sc_vector_subcore>, window_params = [{transform_indices = #map}, {transform_indices = #map1}]} {
    %mul3A = arith.constant 2 : i32
    %mul3A_0 = arith.muli %arg1, %mul3A : i32
    %add3A = arith.addi %mul3A_0, %arg0 : i32
    %broadcast_in_dim3A = arith.constant 1.000000e+00 : f32
    %broadcast_in_dim3A_1 = vector.broadcast %broadcast_in_dim3A : f32 to vector<16xf32>
    %broadcast_in_dim3A_2 = arith.constant 0.000000e+00 : f32
    %broadcast_in_dim3A_3 = vector.broadcast %broadcast_in_dim3A_2 : f32 to vector<16xf32>
    %scan3A = arith.constant 0 : i32
    %scan3A_4 = arith.constant 0 : i32
    %scan3A_5 = arith.constant 8 : i32
    %scan3A_6 = arith.addi %scan3A_4, %scan3A_5 : i32
    %scan3A_7 = arith.constant 1 : i32
    scf.for %scan3A_30 = %scan3A_4 to %scan3A_6 step %scan3A_7  : i32 {
      %mul3A_31 = arith.constant 16 : i32
      %mul3A_32 = arith.muli %scan3A_30, %mul3A_31 : i32
      %swap3A = arith.index_cast %mul3A_32 : i32 to index
      %swap3A_33 = tpu.vector_load %arg5[%swap3A] {strides = array<i32>} : memref<128xf32, #tpu.memory_space<vmem>>, vector<16xf32>,
      %swap3A_34 = vector.shape_cast %swap3A_33 : vector<16xf32> to vector<16xf32>
      %swap3A_35 = vector.shape_cast %broadcast_in_dim3A_1 : vector<16xf32> to vector<16xf32>
      tpu.vector_store %arg5[%swap3A], %swap3A_35 {strides = array<i32>} : memref<128xf32, #tpu.memory_space<vmem>>, vector<16xf32>,
    }
    %scan3A_8 = arith.constant 8 : i32
    %scan3A_9 = arith.constant 0 : i32
    %scan3A_10 = arith.constant 0 : i32
    %scan3A_11 = arith.constant 40 : i32
    %scan3A_12 = arith.addi %scan3A_10, %scan3A_11 : i32
    %scan3A_13 = arith.constant 1 : i32
    scf.for %scan3A_30 = %scan3A_10 to %scan3A_12 step %scan3A_13  : i32 {
      %mul3A_31 = arith.constant 16 : i32
      %mul3A_32 = arith.muli %scan3A_30, %mul3A_31 : i32
      %swap3A = arith.index_cast %mul3A_32 : i32 to index
      %swap3A_33 = tpu.vector_load %arg6[%swap3A] {strides = array<i32>} : memref<640xf32, #tpu.memory_space<vmem>>, vector<16xf32>,
      %swap3A_34 = vector.shape_cast %swap3A_33 : vector<16xf32> to vector<16xf32>
      %swap3A_35 = vector.shape_cast %broadcast_in_dim3A_3 : vector<16xf32> to vector<16xf32>
      tpu.vector_store %arg6[%swap3A], %swap3A_35 {strides = array<i32>} : memref<640xf32, #tpu.memory_space<vmem>>, vector<16xf32>,
    }
    %scan3A_14 = arith.constant 40 : i32
    %mul3A_15 = arith.constant 640 : i32
    %mul3A_16 = arith.muli %arg1, %mul3A_15 : i32
    %multiple_of3A = tpu.assume_multiple %mul3A_16, 8 : i32
    "tpu.region"() ({
      %run_scoped3A = tpu.sem_alloc : memref<!tpu.dma_semaphore, #tpu.memory_space<semaphore_mem>>
      %dma_start3A = tpu.memref_slice %arg7[%multiple_of3A] : memref<10240xf32, #tpu.memory_space<vmem_shared>> -> memref<640xf32, #tpu.memory_space<vmem_shared>>
      %dma_start3A_30 = tpu.memref_slice %arg7[%multiple_of3A] : memref<10240xf32, #tpu.memory_space<vmem_shared>> -> memref<640xf32, #tpu.memory_space<vmem_shared>>
      tpu.enqueue_dma source(%arg6 : memref<640xf32, #tpu.memory_space<vmem>>) target(%dma_start3A_30 : memref<640xf32, #tpu.memory_space<vmem_shared>>) target_semaphore(%run_scoped3A : memref<!tpu.dma_semaphore, #tpu.memory_space<semaphore_mem>>)
      %dma_wait3A = tpu.memref_slice %arg7[%multiple_of3A] : memref<10240xf32, #tpu.memory_space<vmem_shared>> -> memref<640xf32, #tpu.memory_space<vmem_shared>>
      %dma_wait3A_31 = tpu.memref_slice %arg7[%multiple_of3A] : memref<10240xf32, #tpu.memory_space<vmem_shared>> -> memref<640xf32, #tpu.memory_space<vmem_shared>>
      tpu.wait_dma2 semaphore(%run_scoped3A : memref<!tpu.dma_semaphore, #tpu.memory_space<semaphore_mem>>) src(%arg6 : memref<640xf32, #tpu.memory_space<vmem>>) dst(%dma_wait3A_31 : memref<640xf32, #tpu.memory_space<vmem_shared>>)
      tpu.yield
    }) : () -> ()
    %barrier3A = arith.constant 0 : index
    tpu.barrier barrier_id(%barrier3A)
    %mul3A_17 = arith.constant 80 : i32
    %mul3A_18 = arith.muli %add3A, %mul3A_17 : i32
    "tpu.region"() ({
      %run_scoped3A = tpu.sem_alloc : memref<!tpu.dma_semaphore, #tpu.memory_space<semaphore_mem>>
      %dma_start3A = arith.constant 0 : i32
      %dma_start3A_30 = tpu.memref_slice %arg2[%mul3A_18, %dma_start3A] : memref<2560x128xi32, #tpu.memory_space<hbm>> -> memref<80x128xi32, #tpu.memory_space<hbm>>
      %dma_start3A_31 = arith.constant 0 : i32
      %dma_start3A_32 = tpu.memref_slice %arg2[%mul3A_18, %dma_start3A_31] : memref<2560x128xi32, #tpu.memory_space<hbm>> -> memref<80x128xi32, #tpu.memory_space<hbm>>
      tpu.enqueue_dma source(%dma_start3A_32 : memref<80x128xi32, #tpu.memory_space<hbm>>) target(%arg4 : memref<80x128xi32, #tpu.memory_space<vmem>>) target_semaphore(%run_scoped3A : memref<!tpu.dma_semaphore, #tpu.memory_space<semaphore_mem>>)
      %dma_wait3A = arith.constant 0 : i32
      %dma_wait3A_33 = tpu.memref_slice %arg2[%mul3A_18, %dma_wait3A] : memref<2560x128xi32, #tpu.memory_space<hbm>> -> memref<80x128xi32, #tpu.memory_space<hbm>>
      %dma_wait3A_34 = arith.constant 0 : i32
      %dma_wait3A_35 = tpu.memref_slice %arg2[%mul3A_18, %dma_wait3A_34] : memref<2560x128xi32, #tpu.memory_space<hbm>> -> memref<80x128xi32, #tpu.memory_space<hbm>>
      tpu.wait_dma2 semaphore(%run_scoped3A : memref<!tpu.dma_semaphore, #tpu.memory_space<semaphore_mem>>) src(%dma_wait3A_35 : memref<80x128xi32, #tpu.memory_space<hbm>>) dst(%arg4 : memref<80x128xi32, #tpu.memory_space<vmem>>)
      tpu.yield
    }) : () -> ()
    %scan3A_19 = arith.constant 0 : i32
    %scan3A_20 = arith.constant 0 : i32
    %scan3A_21 = arith.constant 80 : i32
    %scan3A_22 = arith.addi %scan3A_20, %scan3A_21 : i32
    %scan3A_23 = arith.constant 1 : i32
    scf.for %scan3A_30 = %scan3A_20 to %scan3A_22 step %scan3A_23  : i32 {
      "tpu.region"() ({
        %run_scoped3A = tpu.sem_alloc : memref<!tpu.dma_semaphore, #tpu.memory_space<semaphore_mem>>
        %dma_start3A = arith.constant 0 : i32
        %dma_start3A_31 = tpu.memref_slice %arg4[%scan3A_30, %dma_start3A] : memref<80x128xi32, #tpu.memory_space<vmem>> -> memref<1x128xi32, #tpu.memory_space<vmem>>
        %dma_start3A_32 = tpu.memref_squeeze %dma_start3A_31 : memref<1x128xi32, #tpu.memory_space<vmem>> -> memref<128xi32, #tpu.memory_space<vmem>>
        %dma_start3A_33 = arith.constant 0 : i32
        %dma_start3A_34 = tpu.memref_slice %arg7[%dma_start3A_33] : memref<10240xf32, #tpu.memory_space<vmem_shared>> -> memref<10240xf32, #tpu.memory_space<vmem_shared>>
        tpu.enqueue_indirect_dma source(%arg5 : memref<128xf32, #tpu.memory_space<vmem>>) target(%dma_start3A_34 : memref<10240xf32, #tpu.memory_space<vmem_shared>>) offsets(%dma_start3A_32 : memref<128xi32, #tpu.memory_space<vmem>>) semaphore(%run_scoped3A : memref<!tpu.dma_semaphore, #tpu.memory_space<semaphore_mem>>) {add = true}
        %dma_wait3A = arith.constant 0 : i32
        %dma_wait3A_35 = tpu.memref_slice %arg4[%scan3A_30, %dma_wait3A] : memref<80x128xi32, #tpu.memory_space<vmem>> -> memref<1x128xi32, #tpu.memory_space<vmem>>
        %dma_wait3A_36 = tpu.memref_squeeze %dma_wait3A_35 : memref<1x128xi32, #tpu.memory_space<vmem>> -> memref<128xi32, #tpu.memory_space<vmem>>
        %dma_wait3A_37 = arith.constant 0 : i32
        %dma_wait3A_38 = tpu.memref_slice %arg7[%dma_wait3A_37] : memref<10240xf32, #tpu.memory_space<vmem_shared>> -> memref<10240xf32, #tpu.memory_space<vmem_shared>>
        tpu.wait_indirect_dma semaphore(%run_scoped3A : memref<!tpu.dma_semaphore, #tpu.memory_space<semaphore_mem>>) src(%arg5 : memref<128xf32, #tpu.memory_space<vmem>>) dst(%dma_wait3A_38 : memref<10240xf32, #tpu.memory_space<vmem_shared>>)
        tpu.yield
      }) : () -> ()
    }
    %scan3A_24 = arith.constant 80 : i32
    %barrier3A_25 = arith.constant 0 : index
    tpu.barrier barrier_id(%barrier3A_25)
    "tpu.region"() ({
      %run_scoped3A = tpu.sem_alloc : memref<!tpu.dma_semaphore, #tpu.memory_space<semaphore_mem>>
      %dma_start3A = tpu.memref_slice %arg7[%multiple_of3A] : memref<10240xf32, #tpu.memory_space<vmem_shared>> -> memref<640xf32, #tpu.memory_space<vmem_shared>>
      %dma_start3A_30 = tpu.memref_slice %arg7[%multiple_of3A] : memref<10240xf32, #tpu.memory_space<vmem_shared>> -> memref<640xf32, #tpu.memory_space<vmem_shared>>
      tpu.enqueue_dma source(%dma_start3A_30 : memref<640xf32, #tpu.memory_space<vmem_shared>>) target(%arg6 : memref<640xf32, #tpu.memory_space<vmem>>) target_semaphore(%run_scoped3A : memref<!tpu.dma_semaphore, #tpu.memory_space<semaphore_mem>>)
      %dma_wait3A = tpu.memref_slice %arg7[%multiple_of3A] : memref<10240xf32, #tpu.memory_space<vmem_shared>> -> memref<640xf32, #tpu.memory_space<vmem_shared>>
      %dma_wait3A_31 = tpu.memref_slice %arg7[%multiple_of3A] : memref<10240xf32, #tpu.memory_space<vmem_shared>> -> memref<640xf32, #tpu.memory_space<vmem_shared>>
      tpu.wait_dma2 semaphore(%run_scoped3A : memref<!tpu.dma_semaphore, #tpu.memory_space<semaphore_mem>>) src(%dma_wait3A_31 : memref<640xf32, #tpu.memory_space<vmem_shared>>) dst(%arg6 : memref<640xf32, #tpu.memory_space<vmem>>)
      tpu.yield
    }) : () -> ()
    %mul3A_26 = arith.constant 10240 : i32
    %mul3A_27 = arith.muli %arg0, %mul3A_26 : i32
    %add3A_28 = arith.addi %mul3A_27, %multiple_of3A : i32
    %multiple_of3A_29 = tpu.assume_multiple %add3A_28, 8 : i32
    "tpu.region"() ({
      %run_scoped3A = tpu.sem_alloc : memref<!tpu.dma_semaphore, #tpu.memory_space<semaphore_mem>>
      %dma_start3A = tpu.memref_slice %arg3[%multiple_of3A_29] : memref<20480xf32, #tpu.memory_space<hbm>> -> memref<640xf32, #tpu.memory_space<hbm>>
      %dma_start3A_30 = tpu.memref_slice %arg3[%multiple_of3A_29] : memref<20480xf32, #tpu.memory_space<hbm>> -> memref<640xf32, #tpu.memory_space<hbm>>
      tpu.enqueue_dma source(%arg6 : memref<640xf32, #tpu.memory_space<vmem>>) target(%dma_start3A_30 : memref<640xf32, #tpu.memory_space<hbm>>) target_semaphore(%run_scoped3A : memref<!tpu.dma_semaphore, #tpu.memory_space<semaphore_mem>>)
      %dma_wait3A = tpu.memref_slice %arg3[%multiple_of3A_29] : memref<20480xf32, #tpu.memory_space<hbm>> -> memref<640xf32, #tpu.memory_space<hbm>>
      %dma_wait3A_31 = tpu.memref_slice %arg3[%multiple_of3A_29] : memref<20480xf32, #tpu.memory_space<hbm>> -> memref<640xf32, #tpu.memory_space<hbm>>
      tpu.wait_dma2 semaphore(%run_scoped3A : memref<!tpu.dma_semaphore, #tpu.memory_space<semaphore_mem>>) src(%arg6 : memref<640xf32, #tpu.memory_space<vmem>>) dst(%dma_wait3A_31 : memref<640xf32, #tpu.memory_space<hbm>>)
      tpu.yield
    }) : () -> ()
    return
  }
}

#map = affine_map<(d0, d1) -> (0, 0)>
#map1 = affine_map<(d0, d1) -> (0, 0, 0)>
module attributes {stable_mosaic.version = 14 : i64} {
  func.func @_scatter_kernel(%arg0: i32, %arg1: i32, %arg2: memref<10000x128xf32, #tpu.memory_space<hbm>>, %arg3: memref<2560x2x128xi32, #tpu.memory_space<hbm>>, %arg4: memref<20224x128xf32, #tpu.memory_space<hbm>>, %arg5: memref<3x2x128xi32, #tpu.memory_space<vmem>>, %arg6: memref<3x128x128xf32, #tpu.memory_space<vmem>>, %arg7: memref<10112x128xf32, #tpu.memory_space<vmem_shared>>, %arg8: memref<!tpu.dma_semaphore, #tpu.memory_space<semaphore_mem>>, %arg9: memref<!tpu.dma_semaphore, #tpu.memory_space<semaphore_mem>>, %arg10: memref<!tpu.dma_semaphore, #tpu.memory_space<semaphore_mem>>, %arg11: memref<!tpu.dma_semaphore, #tpu.memory_space<semaphore_mem>>, %arg12: memref<!tpu.dma_semaphore, #tpu.memory_space<semaphore_mem>>, %arg13: memref<!tpu.dma_semaphore, #tpu.memory_space<semaphore_mem>>) attributes {dimension_semantics = [#tpu.dimension_semantics<core_parallel>, #tpu.dimension_semantics<subcore_parallel>], iteration_bounds = array<i64: 2, 16>, scalar_prefetch = 0 : i64, scratch_operands = 9 : i64, tpu.core_type = #tpu.core_type<sc_vector_subcore>, window_params = [{transform_indices = #map}, {transform_indices = #map1}, {transform_indices = #map}]} {
    %mul3A = arith.constant 2 : i32
    %mul3A_0 = arith.muli %arg1, %mul3A : i32
    %add3A = arith.addi %mul3A_0, %arg0 : i32
    %broadcast_in_dim3A = arith.constant 0.000000e+00 : f32
    %broadcast_in_dim3A_1 = vector.broadcast %broadcast_in_dim3A : f32 to vector<16xf32>
    %scan3A = arith.constant 0 : i32
    %scan3A_2 = arith.constant 0 : i32
    %scan3A_3 = arith.constant 128 : i32
    %scan3A_4 = arith.addi %scan3A_2, %scan3A_3 : i32
    %scan3A_5 = arith.constant 1 : i32
    scf.for %scan3A_158 = %scan3A_2 to %scan3A_4 step %scan3A_5  : i32 {
      %swap3A = arith.constant 0 : i32
      %swap3A_159 = arith.index_cast %swap3A : i32 to index
      %swap3A_160 = arith.index_cast %scan3A_158 : i32 to index
      %swap3A_161 = arith.constant 0 : index
      %swap3A_162 = tpu.vector_load %arg6[%swap3A_159, %swap3A_160, %swap3A_161] {strides = array<i32>} : memref<3x128x128xf32, #tpu.memory_space<vmem>>, vector<1x1x16xf32>,
      %swap3A_163 = vector.shape_cast %swap3A_162 : vector<1x1x16xf32> to vector<16xf32>
      %swap3A_164 = vector.shape_cast %broadcast_in_dim3A_1 : vector<16xf32> to vector<1x1x16xf32>
      tpu.vector_store %arg6[%swap3A_159, %swap3A_160, %swap3A_161], %swap3A_164 {strides = array<i32>} : memref<3x128x128xf32, #tpu.memory_space<vmem>>, vector<1x1x16xf32>,
      %swap3A_165 = arith.constant 0 : i32
      %swap3A_166 = arith.index_cast %swap3A_165 : i32 to index
      %swap3A_167 = arith.index_cast %scan3A_158 : i32 to index
      %swap3A_168 = arith.constant 16 : index
      %swap3A_169 = tpu.vector_load %arg6[%swap3A_166, %swap3A_167, %swap3A_168] {strides = array<i32>} : memref<3x128x128xf32, #tpu.memory_space<vmem>>, vector<1x1x16xf32>,
      %swap3A_170 = vector.shape_cast %swap3A_169 : vector<1x1x16xf32> to vector<16xf32>
      %swap3A_171 = vector.shape_cast %broadcast_in_dim3A_1 : vector<16xf32> to vector<1x1x16xf32>
      tpu.vector_store %arg6[%swap3A_166, %swap3A_167, %swap3A_168], %swap3A_171 {strides = array<i32>} : memref<3x128x128xf32, #tpu.memory_space<vmem>>, vector<1x1x16xf32>,
      %swap3A_172 = arith.constant 0 : i32
      %swap3A_173 = arith.index_cast %swap3A_172 : i32 to index
      %swap3A_174 = arith.index_cast %scan3A_158 : i32 to index
      %swap3A_175 = arith.constant 32 : index
      %swap3A_176 = tpu.vector_load %arg6[%swap3A_173, %swap3A_174, %swap3A_175] {strides = array<i32>} : memref<3x128x128xf32, #tpu.memory_space<vmem>>, vector<1x1x16xf32>,
      %swap3A_177 = vector.shape_cast %swap3A_176 : vector<1x1x16xf32> to vector<16xf32>
      %swap3A_178 = vector.shape_cast %broadcast_in_dim3A_1 : vector<16xf32> to vector<1x1x16xf32>
      tpu.vector_store %arg6[%swap3A_173, %swap3A_174, %swap3A_175], %swap3A_178 {strides = array<i32>} : memref<3x128x128xf32, #tpu.memory_space<vmem>>, vector<1x1x16xf32>,
      %swap3A_179 = arith.constant 0 : i32
      %swap3A_180 = arith.index_cast %swap3A_179 : i32 to index
      %swap3A_181 = arith.index_cast %scan3A_158 : i32 to index
      %swap3A_182 = arith.constant 48 : index
      %swap3A_183 = tpu.vector_load %arg6[%swap3A_180, %swap3A_181, %swap3A_182] {strides = array<i32>} : memref<3x128x128xf32, #tpu.memory_space<vmem>>, vector<1x1x16xf32>,
      %swap3A_184 = vector.shape_cast %swap3A_183 : vector<1x1x16xf32> to vector<16xf32>
      %swap3A_185 = vector.shape_cast %broadcast_in_dim3A_1 : vector<16xf32> to vector<1x1x16xf32>
      tpu.vector_store %arg6[%swap3A_180, %swap3A_181, %swap3A_182], %swap3A_185 {strides = array<i32>} : memref<3x128x128xf32, #tpu.memory_space<vmem>>, vector<1x1x16xf32>,
      %swap3A_186 = arith.constant 0 : i32
      %swap3A_187 = arith.index_cast %swap3A_186 : i32 to index
      %swap3A_188 = arith.index_cast %scan3A_158 : i32 to index
      %swap3A_189 = arith.constant 64 : index
      %swap3A_190 = tpu.vector_load %arg6[%swap3A_187, %swap3A_188, %swap3A_189] {strides = array<i32>} : memref<3x128x128xf32, #tpu.memory_space<vmem>>, vector<1x1x16xf32>,
      %swap3A_191 = vector.shape_cast %swap3A_190 : vector<1x1x16xf32> to vector<16xf32>
      %swap3A_192 = vector.shape_cast %broadcast_in_dim3A_1 : vector<16xf32> to vector<1x1x16xf32>
      tpu.vector_store %arg6[%swap3A_187, %swap3A_188, %swap3A_189], %swap3A_192 {strides = array<i32>} : memref<3x128x128xf32, #tpu.memory_space<vmem>>, vector<1x1x16xf32>,
      %swap3A_193 = arith.constant 0 : i32
      %swap3A_194 = arith.index_cast %swap3A_193 : i32 to index
      %swap3A_195 = arith.index_cast %scan3A_158 : i32 to index
      %swap3A_196 = arith.constant 80 : index
      %swap3A_197 = tpu.vector_load %arg6[%swap3A_194, %swap3A_195, %swap3A_196] {strides = array<i32>} : memref<3x128x128xf32, #tpu.memory_space<vmem>>, vector<1x1x16xf32>,
      %swap3A_198 = vector.shape_cast %swap3A_197 : vector<1x1x16xf32> to vector<16xf32>
      %swap3A_199 = vector.shape_cast %broadcast_in_dim3A_1 : vector<16xf32> to vector<1x1x16xf32>
      tpu.vector_store %arg6[%swap3A_194, %swap3A_195, %swap3A_196], %swap3A_199 {strides = array<i32>} : memref<3x128x128xf32, #tpu.memory_space<vmem>>, vector<1x1x16xf32>,
      %swap3A_200 = arith.constant 0 : i32
      %swap3A_201 = arith.index_cast %swap3A_200 : i32 to index
      %swap3A_202 = arith.index_cast %scan3A_158 : i32 to index
      %swap3A_203 = arith.constant 96 : index
      %swap3A_204 = tpu.vector_load %arg6[%swap3A_201, %swap3A_202, %swap3A_203] {strides = array<i32>} : memref<3x128x128xf32, #tpu.memory_space<vmem>>, vector<1x1x16xf32>,
      %swap3A_205 = vector.shape_cast %swap3A_204 : vector<1x1x16xf32> to vector<16xf32>
      %swap3A_206 = vector.shape_cast %broadcast_in_dim3A_1 : vector<16xf32> to vector<1x1x16xf32>
      tpu.vector_store %arg6[%swap3A_201, %swap3A_202, %swap3A_203], %swap3A_206 {strides = array<i32>} : memref<3x128x128xf32, #tpu.memory_space<vmem>>, vector<1x1x16xf32>,
      %swap3A_207 = arith.constant 0 : i32
      %swap3A_208 = arith.index_cast %swap3A_207 : i32 to index
      %swap3A_209 = arith.index_cast %scan3A_158 : i32 to index
      %swap3A_210 = arith.constant 112 : index
      %swap3A_211 = tpu.vector_load %arg6[%swap3A_208, %swap3A_209, %swap3A_210] {strides = array<i32>} : memref<3x128x128xf32, #tpu.memory_space<vmem>>, vector<1x1x16xf32>,
      %swap3A_212 = vector.shape_cast %swap3A_211 : vector<1x1x16xf32> to vector<16xf32>
      %swap3A_213 = vector.shape_cast %broadcast_in_dim3A_1 : vector<16xf32> to vector<1x1x16xf32>
      tpu.vector_store %arg6[%swap3A_208, %swap3A_209, %swap3A_210], %swap3A_213 {strides = array<i32>} : memref<3x128x128xf32, #tpu.memory_space<vmem>>, vector<1x1x16xf32>,
    }
    %scan3A_6 = arith.constant 128 : i32
    %mul3A_7 = arith.constant 632 : i32
    %mul3A_8 = arith.muli %arg1, %mul3A_7 : i32
    %scan3A_9 = arith.constant 0 : i32
    %scan3A_10 = arith.constant 0 : i32
    %scan3A_11 = arith.constant 4 : i32
    %scan3A_12 = arith.addi %scan3A_10, %scan3A_11 : i32
    %scan3A_13 = arith.constant 1 : i32
    scf.for %scan3A_158 = %scan3A_10 to %scan3A_12 step %scan3A_13  : i32 {
      %mul3A_159 = arith.constant 128 : i32
      %mul3A_160 = arith.muli %scan3A_158, %mul3A_159 : i32
      %add3A_161 = arith.addi %mul3A_8, %mul3A_160 : i32
      %run_scoped3A_162 = arith.constant 0 : i32
      "tpu.region"() ({
        %run_scoped3A_163 = tpu.sem_alloc : memref<!tpu.dma_semaphore, #tpu.memory_space<semaphore_mem>>
        %dma_start3A_164 = arith.constant 0 : i32
        %dma_start3A_165 = arith.constant 0 : i32
        %dma_start3A_166 = tpu.memref_slice %arg6[%run_scoped3A_162, %dma_start3A_164, %dma_start3A_165] : memref<3x128x128xf32, #tpu.memory_space<vmem>> -> memref<1x128x128xf32, #tpu.memory_space<vmem>>
        %dma_start3A_167 = tpu.memref_squeeze %dma_start3A_166 : memref<1x128x128xf32, #tpu.memory_space<vmem>> -> memref<128x128xf32, #tpu.memory_space<vmem>>
        %dma_start3A_168 = arith.constant 0 : i32
        %dma_start3A_169 = tpu.memref_slice %arg7[%add3A_161, %dma_start3A_168] : memref<10112x128xf32, #tpu.memory_space<vmem_shared>> -> memref<128x128xf32, #tpu.memory_space<vmem_shared>>
        %dma_start3A_170 = arith.constant 0 : i32
        %dma_start3A_171 = tpu.memref_slice %arg7[%add3A_161, %dma_start3A_170] : memref<10112x128xf32, #tpu.memory_space<vmem_shared>> -> memref<128x128xf32, #tpu.memory_space<vmem_shared>>
        %dma_start3A_172 = arith.constant 0 : i32
        %dma_start3A_173 = arith.constant 0 : i32
        %dma_start3A_174 = tpu.memref_slice %arg6[%run_scoped3A_162, %dma_start3A_172, %dma_start3A_173] : memref<3x128x128xf32, #tpu.memory_space<vmem>> -> memref<1x128x128xf32, #tpu.memory_space<vmem>>
        %dma_start3A_175 = tpu.memref_squeeze %dma_start3A_174 : memref<1x128x128xf32, #tpu.memory_space<vmem>> -> memref<128x128xf32, #tpu.memory_space<vmem>>
        tpu.enqueue_dma source(%dma_start3A_175 : memref<128x128xf32, #tpu.memory_space<vmem>>) target(%dma_start3A_171 : memref<128x128xf32, #tpu.memory_space<vmem_shared>>) target_semaphore(%run_scoped3A_163 : memref<!tpu.dma_semaphore, #tpu.memory_space<semaphore_mem>>)
        %dma_wait3A_176 = arith.constant 0 : i32
        %dma_wait3A_177 = arith.constant 0 : i32
        %dma_wait3A_178 = tpu.memref_slice %arg6[%run_scoped3A_162, %dma_wait3A_176, %dma_wait3A_177] : memref<3x128x128xf32, #tpu.memory_space<vmem>> -> memref<1x128x128xf32, #tpu.memory_space<vmem>>
        %dma_wait3A_179 = tpu.memref_squeeze %dma_wait3A_178 : memref<1x128x128xf32, #tpu.memory_space<vmem>> -> memref<128x128xf32, #tpu.memory_space<vmem>>
        %dma_wait3A_180 = arith.constant 0 : i32
        %dma_wait3A_181 = tpu.memref_slice %arg7[%add3A_161, %dma_wait3A_180] : memref<10112x128xf32, #tpu.memory_space<vmem_shared>> -> memref<128x128xf32, #tpu.memory_space<vmem_shared>>
        %dma_wait3A_182 = arith.constant 0 : i32
        %dma_wait3A_183 = tpu.memref_slice %arg7[%add3A_161, %dma_wait3A_182] : memref<10112x128xf32, #tpu.memory_space<vmem_shared>> -> memref<128x128xf32, #tpu.memory_space<vmem_shared>>
        %dma_wait3A_184 = arith.constant 0 : i32
        %dma_wait3A_185 = arith.constant 0 : i32
        %dma_wait3A_186 = tpu.memref_slice %arg6[%run_scoped3A_162, %dma_wait3A_184, %dma_wait3A_185] : memref<3x128x128xf32, #tpu.memory_space<vmem>> -> memref<1x128x128xf32, #tpu.memory_space<vmem>>
        %dma_wait3A_187 = tpu.memref_squeeze %dma_wait3A_186 : memref<1x128x128xf32, #tpu.memory_space<vmem>> -> memref<128x128xf32, #tpu.memory_space<vmem>>
        tpu.wait_dma2 semaphore(%run_scoped3A_163 : memref<!tpu.dma_semaphore, #tpu.memory_space<semaphore_mem>>) src(%dma_wait3A_187 : memref<128x128xf32, #tpu.memory_space<vmem>>) dst(%dma_wait3A_183 : memref<128x128xf32, #tpu.memory_space<vmem_shared>>)
        tpu.yield
      }) : () -> ()
    }
    %scan3A_14 = arith.constant 4 : i32
    %add3A_15 = arith.constant 512 : i32
    %add3A_16 = arith.addi %mul3A_8, %add3A_15 : i32
    %run_scoped3A = arith.constant 0 : i32
    "tpu.region"() ({
      %run_scoped3A_158 = tpu.sem_alloc : memref<!tpu.dma_semaphore, #tpu.memory_space<semaphore_mem>>
      %dma_start3A_159 = arith.constant 0 : i32
      %dma_start3A_160 = arith.constant 0 : i32
      %dma_start3A_161 = tpu.memref_slice %arg6[%run_scoped3A, %dma_start3A_159, %dma_start3A_160] : memref<3x128x128xf32, #tpu.memory_space<vmem>> -> memref<1x120x128xf32, #tpu.memory_space<vmem>>
      %dma_start3A_162 = tpu.memref_squeeze %dma_start3A_161 : memref<1x120x128xf32, #tpu.memory_space<vmem>> -> memref<120x128xf32, #tpu.memory_space<vmem>>
      %dma_start3A_163 = arith.constant 0 : i32
      %dma_start3A_164 = tpu.memref_slice %arg7[%add3A_16, %dma_start3A_163] : memref<10112x128xf32, #tpu.memory_space<vmem_shared>> -> memref<120x128xf32, #tpu.memory_space<vmem_shared>>
      %dma_start3A_165 = arith.constant 0 : i32
      %dma_start3A_166 = tpu.memref_slice %arg7[%add3A_16, %dma_start3A_165] : memref<10112x128xf32, #tpu.memory_space<vmem_shared>> -> memref<120x128xf32, #tpu.memory_space<vmem_shared>>
      %dma_start3A_167 = arith.constant 0 : i32
      %dma_start3A_168 = arith.constant 0 : i32
      %dma_start3A_169 = tpu.memref_slice %arg6[%run_scoped3A, %dma_start3A_167, %dma_start3A_168] : memref<3x128x128xf32, #tpu.memory_space<vmem>> -> memref<1x120x128xf32, #tpu.memory_space<vmem>>
      %dma_start3A_170 = tpu.memref_squeeze %dma_start3A_169 : memref<1x120x128xf32, #tpu.memory_space<vmem>> -> memref<120x128xf32, #tpu.memory_space<vmem>>
      tpu.enqueue_dma source(%dma_start3A_170 : memref<120x128xf32, #tpu.memory_space<vmem>>) target(%dma_start3A_166 : memref<120x128xf32, #tpu.memory_space<vmem_shared>>) target_semaphore(%run_scoped3A_158 : memref<!tpu.dma_semaphore, #tpu.memory_space<semaphore_mem>>)
      %dma_wait3A_171 = arith.constant 0 : i32
      %dma_wait3A_172 = arith.constant 0 : i32
      %dma_wait3A_173 = tpu.memref_slice %arg6[%run_scoped3A, %dma_wait3A_171, %dma_wait3A_172] : memref<3x128x128xf32, #tpu.memory_space<vmem>> -> memref<1x120x128xf32, #tpu.memory_space<vmem>>
      %dma_wait3A_174 = tpu.memref_squeeze %dma_wait3A_173 : memref<1x120x128xf32, #tpu.memory_space<vmem>> -> memref<120x128xf32, #tpu.memory_space<vmem>>
      %dma_wait3A_175 = arith.constant 0 : i32
      %dma_wait3A_176 = tpu.memref_slice %arg7[%add3A_16, %dma_wait3A_175] : memref<10112x128xf32, #tpu.memory_space<vmem_shared>> -> memref<120x128xf32, #tpu.memory_space<vmem_shared>>
      %dma_wait3A_177 = arith.constant 0 : i32
      %dma_wait3A_178 = tpu.memref_slice %arg7[%add3A_16, %dma_wait3A_177] : memref<10112x128xf32, #tpu.memory_space<vmem_shared>> -> memref<120x128xf32, #tpu.memory_space<vmem_shared>>
      %dma_wait3A_179 = arith.constant 0 : i32
      %dma_wait3A_180 = arith.constant 0 : i32
      %dma_wait3A_181 = tpu.memref_slice %arg6[%run_scoped3A, %dma_wait3A_179, %dma_wait3A_180] : memref<3x128x128xf32, #tpu.memory_space<vmem>> -> memref<1x120x128xf32, #tpu.memory_space<vmem>>
      %dma_wait3A_182 = tpu.memref_squeeze %dma_wait3A_181 : memref<1x120x128xf32, #tpu.memory_space<vmem>> -> memref<120x128xf32, #tpu.memory_space<vmem>>
      tpu.wait_dma2 semaphore(%run_scoped3A_158 : memref<!tpu.dma_semaphore, #tpu.memory_space<semaphore_mem>>) src(%dma_wait3A_182 : memref<120x128xf32, #tpu.memory_space<vmem>>) dst(%dma_wait3A_178 : memref<120x128xf32, #tpu.memory_space<vmem_shared>>)
      tpu.yield
    }) : () -> ()
    %barrier3A = arith.constant 0 : index
    tpu.barrier barrier_id(%barrier3A)
    %mul3A_17 = arith.constant 80 : i32
    %mul3A_18 = arith.muli %add3A, %mul3A_17 : i32
    %add3A_19 = arith.constant 0 : i32
    %add3A_20 = arith.addi %mul3A_18, %add3A_19 : i32
    %dma_start3A = arith.constant 0 : i32
    %dma_start3A_21 = arith.constant 0 : i32
    %dma_start3A_22 = arith.constant 0 : i32
    %dma_start3A_23 = tpu.memref_slice %arg5[%dma_start3A, %dma_start3A_21, %dma_start3A_22] : memref<3x2x128xi32, #tpu.memory_space<vmem>> -> memref<1x2x128xi32, #tpu.memory_space<vmem>>
    %dma_start3A_24 = tpu.memref_squeeze %dma_start3A_23 : memref<1x2x128xi32, #tpu.memory_space<vmem>> -> memref<2x128xi32, #tpu.memory_space<vmem>>
    %dma_start3A_25 = arith.constant 0 : i32
    %dma_start3A_26 = arith.constant 0 : i32
    %dma_start3A_27 = tpu.memref_slice %arg3[%add3A_20, %dma_start3A_25, %dma_start3A_26] : memref<2560x2x128xi32, #tpu.memory_space<hbm>> -> memref<1x2x128xi32, #tpu.memory_space<hbm>>
    %dma_start3A_28 = tpu.memref_squeeze %dma_start3A_27 : memref<1x2x128xi32, #tpu.memory_space<hbm>> -> memref<2x128xi32, #tpu.memory_space<hbm>>
    %dma_start3A_29 = arith.constant 0 : i32
    %dma_start3A_30 = arith.constant 0 : i32
    %dma_start3A_31 = tpu.memref_slice %arg5[%dma_start3A, %dma_start3A_29, %dma_start3A_30] : memref<3x2x128xi32, #tpu.memory_space<vmem>> -> memref<1x2x128xi32, #tpu.memory_space<vmem>>
    %dma_start3A_32 = tpu.memref_squeeze %dma_start3A_31 : memref<1x2x128xi32, #tpu.memory_space<vmem>> -> memref<2x128xi32, #tpu.memory_space<vmem>>
    %dma_start3A_33 = arith.constant 0 : i32
    %dma_start3A_34 = arith.constant 0 : i32
    %dma_start3A_35 = tpu.memref_slice %arg3[%add3A_20, %dma_start3A_33, %dma_start3A_34] : memref<2560x2x128xi32, #tpu.memory_space<hbm>> -> memref<1x2x128xi32, #tpu.memory_space<hbm>>
    %dma_start3A_36 = tpu.memref_squeeze %dma_start3A_35 : memref<1x2x128xi32, #tpu.memory_space<hbm>> -> memref<2x128xi32, #tpu.memory_space<hbm>>
    tpu.enqueue_dma source(%dma_start3A_36 : memref<2x128xi32, #tpu.memory_space<hbm>>) target(%dma_start3A_32 : memref<2x128xi32, #tpu.memory_space<vmem>>) target_semaphore(%arg8 : memref<!tpu.dma_semaphore, #tpu.memory_space<semaphore_mem>>)
    %add3A_37 = arith.constant 1 : i32
    %add3A_38 = arith.addi %mul3A_18, %add3A_37 : i32
    %dma_start3A_39 = arith.constant 1 : i32
    %dma_start3A_40 = arith.constant 0 : i32
    %dma_start3A_41 = arith.constant 0 : i32
    %dma_start3A_42 = tpu.memref_slice %arg5[%dma_start3A_39, %dma_start3A_40, %dma_start3A_41] : memref<3x2x128xi32, #tpu.memory_space<vmem>> -> memref<1x2x128xi32, #tpu.memory_space<vmem>>
    %dma_start3A_43 = tpu.memref_squeeze %dma_start3A_42 : memref<1x2x128xi32, #tpu.memory_space<vmem>> -> memref<2x128xi32, #tpu.memory_space<vmem>>
    %dma_start3A_44 = arith.constant 0 : i32
    %dma_start3A_45 = arith.constant 0 : i32
    %dma_start3A_46 = tpu.memref_slice %arg3[%add3A_38, %dma_start3A_44, %dma_start3A_45] : memref<2560x2x128xi32, #tpu.memory_space<hbm>> -> memref<1x2x128xi32, #tpu.memory_space<hbm>>
    %dma_start3A_47 = tpu.memref_squeeze %dma_start3A_46 : memref<1x2x128xi32, #tpu.memory_space<hbm>> -> memref<2x128xi32, #tpu.memory_space<hbm>>
    %dma_start3A_48 = arith.constant 0 : i32
    %dma_start3A_49 = arith.constant 0 : i32
    %dma_start3A_50 = tpu.memref_slice %arg5[%dma_start3A_39, %dma_start3A_48, %dma_start3A_49] : memref<3x2x128xi32, #tpu.memory_space<vmem>> -> memref<1x2x128xi32, #tpu.memory_space<vmem>>
    %dma_start3A_51 = tpu.memref_squeeze %dma_start3A_50 : memref<1x2x128xi32, #tpu.memory_space<vmem>> -> memref<2x128xi32, #tpu.memory_space<vmem>>
    %dma_start3A_52 = arith.constant 0 : i32
    %dma_start3A_53 = arith.constant 0 : i32
    %dma_start3A_54 = tpu.memref_slice %arg3[%add3A_38, %dma_start3A_52, %dma_start3A_53] : memref<2560x2x128xi32, #tpu.memory_space<hbm>> -> memref<1x2x128xi32, #tpu.memory_space<hbm>>
    %dma_start3A_55 = tpu.memref_squeeze %dma_start3A_54 : memref<1x2x128xi32, #tpu.memory_space<hbm>> -> memref<2x128xi32, #tpu.memory_space<hbm>>
    tpu.enqueue_dma source(%dma_start3A_55 : memref<2x128xi32, #tpu.memory_space<hbm>>) target(%dma_start3A_51 : memref<2x128xi32, #tpu.memory_space<vmem>>) target_semaphore(%arg9 : memref<!tpu.dma_semaphore, #tpu.memory_space<semaphore_mem>>)
    %add3A_56 = arith.constant 2 : i32
    %add3A_57 = arith.addi %mul3A_18, %add3A_56 : i32
    %dma_start3A_58 = arith.constant 2 : i32
    %dma_start3A_59 = arith.constant 0 : i32
    %dma_start3A_60 = arith.constant 0 : i32
    %dma_start3A_61 = tpu.memref_slice %arg5[%dma_start3A_58, %dma_start3A_59, %dma_start3A_60] : memref<3x2x128xi32, #tpu.memory_space<vmem>> -> memref<1x2x128xi32, #tpu.memory_space<vmem>>
    %dma_start3A_62 = tpu.memref_squeeze %dma_start3A_61 : memref<1x2x128xi32, #tpu.memory_space<vmem>> -> memref<2x128xi32, #tpu.memory_space<vmem>>
    %dma_start3A_63 = arith.constant 0 : i32
    %dma_start3A_64 = arith.constant 0 : i32
    %dma_start3A_65 = tpu.memref_slice %arg3[%add3A_57, %dma_start3A_63, %dma_start3A_64] : memref<2560x2x128xi32, #tpu.memory_space<hbm>> -> memref<1x2x128xi32, #tpu.memory_space<hbm>>
    %dma_start3A_66 = tpu.memref_squeeze %dma_start3A_65 : memref<1x2x128xi32, #tpu.memory_space<hbm>> -> memref<2x128xi32, #tpu.memory_space<hbm>>
    %dma_start3A_67 = arith.constant 0 : i32
    %dma_start3A_68 = arith.constant 0 : i32
    %dma_start3A_69 = tpu.memref_slice %arg5[%dma_start3A_58, %dma_start3A_67, %dma_start3A_68] : memref<3x2x128xi32, #tpu.memory_space<vmem>> -> memref<1x2x128xi32, #tpu.memory_space<vmem>>
    %dma_start3A_70 = tpu.memref_squeeze %dma_start3A_69 : memref<1x2x128xi32, #tpu.memory_space<vmem>> -> memref<2x128xi32, #tpu.memory_space<vmem>>
    %dma_start3A_71 = arith.constant 0 : i32
    %dma_start3A_72 = arith.constant 0 : i32
    %dma_start3A_73 = tpu.memref_slice %arg3[%add3A_57, %dma_start3A_71, %dma_start3A_72] : memref<2560x2x128xi32, #tpu.memory_space<hbm>> -> memref<1x2x128xi32, #tpu.memory_space<hbm>>
    %dma_start3A_74 = tpu.memref_squeeze %dma_start3A_73 : memref<1x2x128xi32, #tpu.memory_space<hbm>> -> memref<2x128xi32, #tpu.memory_space<hbm>>
    tpu.enqueue_dma source(%dma_start3A_74 : memref<2x128xi32, #tpu.memory_space<hbm>>) target(%dma_start3A_70 : memref<2x128xi32, #tpu.memory_space<vmem>>) target_semaphore(%arg10 : memref<!tpu.dma_semaphore, #tpu.memory_space<semaphore_mem>>)
    %add3A_75 = arith.constant 0 : i32
    %add3A_76 = arith.addi %mul3A_18, %add3A_75 : i32
    %dma_wait3A = arith.constant 0 : i32
    %dma_wait3A_77 = arith.constant 0 : i32
    %dma_wait3A_78 = arith.constant 0 : i32
    %dma_wait3A_79 = tpu.memref_slice %arg5[%dma_wait3A, %dma_wait3A_77, %dma_wait3A_78] : memref<3x2x128xi32, #tpu.memory_space<vmem>> -> memref<1x2x128xi32, #tpu.memory_space<vmem>>
    %dma_wait3A_80 = tpu.memref_squeeze %dma_wait3A_79 : memref<1x2x128xi32, #tpu.memory_space<vmem>> -> memref<2x128xi32, #tpu.memory_space<vmem>>
    %dma_wait3A_81 = arith.constant 0 : i32
    %dma_wait3A_82 = arith.constant 0 : i32
    %dma_wait3A_83 = tpu.memref_slice %arg3[%add3A_76, %dma_wait3A_81, %dma_wait3A_82] : memref<2560x2x128xi32, #tpu.memory_space<hbm>> -> memref<1x2x128xi32, #tpu.memory_space<hbm>>
    %dma_wait3A_84 = tpu.memref_squeeze %dma_wait3A_83 : memref<1x2x128xi32, #tpu.memory_space<hbm>> -> memref<2x128xi32, #tpu.memory_space<hbm>>
    %dma_wait3A_85 = arith.constant 0 : i32
    %dma_wait3A_86 = arith.constant 0 : i32
    %dma_wait3A_87 = tpu.memref_slice %arg5[%dma_wait3A, %dma_wait3A_85, %dma_wait3A_86] : memref<3x2x128xi32, #tpu.memory_space<vmem>> -> memref<1x2x128xi32, #tpu.memory_space<vmem>>
    %dma_wait3A_88 = tpu.memref_squeeze %dma_wait3A_87 : memref<1x2x128xi32, #tpu.memory_space<vmem>> -> memref<2x128xi32, #tpu.memory_space<vmem>>
    %dma_wait3A_89 = arith.constant 0 : i32
    %dma_wait3A_90 = arith.constant 0 : i32
    %dma_wait3A_91 = tpu.memref_slice %arg3[%add3A_76, %dma_wait3A_89, %dma_wait3A_90] : memref<2560x2x128xi32, #tpu.memory_space<hbm>> -> memref<1x2x128xi32, #tpu.memory_space<hbm>>
    %dma_wait3A_92 = tpu.memref_squeeze %dma_wait3A_91 : memref<1x2x128xi32, #tpu.memory_space<hbm>> -> memref<2x128xi32, #tpu.memory_space<hbm>>
    tpu.wait_dma2 semaphore(%arg8 : memref<!tpu.dma_semaphore, #tpu.memory_space<semaphore_mem>>) src(%dma_wait3A_92 : memref<2x128xi32, #tpu.memory_space<hbm>>) dst(%dma_wait3A_88 : memref<2x128xi32, #tpu.memory_space<vmem>>)
    %dma_start3A_93 = arith.constant 0 : i32
    %dma_start3A_94 = arith.constant 0 : i32
    %dma_start3A_95 = arith.constant 0 : i32
    %dma_start3A_96 = arith.constant 0 : i32
    %dma_start3A_97 = arith.constant 0 : i32
    %dma_start3A_98 = tpu.memref_slice %arg6[%dma_start3A_95, %dma_start3A_96, %dma_start3A_97] : memref<3x128x128xf32, #tpu.memory_space<vmem>> -> memref<1x128x128xf32, #tpu.memory_space<vmem>>
    %dma_start3A_99 = tpu.memref_squeeze %dma_start3A_98 : memref<1x128x128xf32, #tpu.memory_space<vmem>> -> memref<128x128xf32, #tpu.memory_space<vmem>>
    %dma_start3A_100 = arith.constant 0 : i32
    %dma_start3A_101 = tpu.memref_slice %arg5[%dma_start3A_93, %dma_start3A_94, %dma_start3A_100] : memref<3x2x128xi32, #tpu.memory_space<vmem>> -> memref<1x1x128xi32, #tpu.memory_space<vmem>>
    %dma_start3A_102 = tpu.memref_squeeze %dma_start3A_101 : memref<1x1x128xi32, #tpu.memory_space<vmem>> -> memref<128xi32, #tpu.memory_space<vmem>>
    %dma_start3A_103 = arith.constant 0 : i32
    %dma_start3A_104 = arith.constant 0 : i32
    %dma_start3A_105 = tpu.memref_slice %arg2[%dma_start3A_103, %dma_start3A_104] : memref<10000x128xf32, #tpu.memory_space<hbm>> -> memref<10000x128xf32, #tpu.memory_space<hbm>>
    tpu.enqueue_indirect_dma source(%dma_start3A_105 : memref<10000x128xf32, #tpu.memory_space<hbm>>) target(%dma_start3A_99 : memref<128x128xf32, #tpu.memory_space<vmem>>) offsets(%dma_start3A_102 : memref<128xi32, #tpu.memory_space<vmem>>) semaphore(%arg11 : memref<!tpu.dma_semaphore, #tpu.memory_space<semaphore_mem>>)
    %add3A_106 = arith.constant 1 : i32
    %add3A_107 = arith.addi %mul3A_18, %add3A_106 : i32
    %dma_wait3A_108 = arith.constant 1 : i32
    %dma_wait3A_109 = arith.constant 0 : i32
    %dma_wait3A_110 = arith.constant 0 : i32
    %dma_wait3A_111 = tpu.memref_slice %arg5[%dma_wait3A_108, %dma_wait3A_109, %dma_wait3A_110] : memref<3x2x128xi32, #tpu.memory_space<vmem>> -> memref<1x2x128xi32, #tpu.memory_space<vmem>>
    %dma_wait3A_112 = tpu.memref_squeeze %dma_wait3A_111 : memref<1x2x128xi32, #tpu.memory_space<vmem>> -> memref<2x128xi32, #tpu.memory_space<vmem>>
    %dma_wait3A_113 = arith.constant 0 : i32
    %dma_wait3A_114 = arith.constant 0 : i32
    %dma_wait3A_115 = tpu.memref_slice %arg3[%add3A_107, %dma_wait3A_113, %dma_wait3A_114] : memref<2560x2x128xi32, #tpu.memory_space<hbm>> -> memref<1x2x128xi32, #tpu.memory_space<hbm>>
    %dma_wait3A_116 = tpu.memref_squeeze %dma_wait3A_115 : memref<1x2x128xi32, #tpu.memory_space<hbm>> -> memref<2x128xi32, #tpu.memory_space<hbm>>
    %dma_wait3A_117 = arith.constant 0 : i32
    %dma_wait3A_118 = arith.constant 0 : i32
    %dma_wait3A_119 = tpu.memref_slice %arg5[%dma_wait3A_108, %dma_wait3A_117, %dma_wait3A_118] : memref<3x2x128xi32, #tpu.memory_space<vmem>> -> memref<1x2x128xi32, #tpu.memory_space<vmem>>
    %dma_wait3A_120 = tpu.memref_squeeze %dma_wait3A_119 : memref<1x2x128xi32, #tpu.memory_space<vmem>> -> memref<2x128xi32, #tpu.memory_space<vmem>>
    %dma_wait3A_121 = arith.constant 0 : i32
    %dma_wait3A_122 = arith.constant 0 : i32
    %dma_wait3A_123 = tpu.memref_slice %arg3[%add3A_107, %dma_wait3A_121, %dma_wait3A_122] : memref<2560x2x128xi32, #tpu.memory_space<hbm>> -> memref<1x2x128xi32, #tpu.memory_space<hbm>>
    %dma_wait3A_124 = tpu.memref_squeeze %dma_wait3A_123 : memref<1x2x128xi32, #tpu.memory_space<hbm>> -> memref<2x128xi32, #tpu.memory_space<hbm>>
    tpu.wait_dma2 semaphore(%arg9 : memref<!tpu.dma_semaphore, #tpu.memory_space<semaphore_mem>>) src(%dma_wait3A_124 : memref<2x128xi32, #tpu.memory_space<hbm>>) dst(%dma_wait3A_120 : memref<2x128xi32, #tpu.memory_space<vmem>>)
    %dma_start3A_125 = arith.constant 1 : i32
    %dma_start3A_126 = arith.constant 0 : i32
    %dma_start3A_127 = arith.constant 1 : i32
    %dma_start3A_128 = arith.constant 0 : i32
    %dma_start3A_129 = arith.constant 0 : i32
    %dma_start3A_130 = tpu.memref_slice %arg6[%dma_start3A_127, %dma_start3A_128, %dma_start3A_129] : memref<3x128x128xf32, #tpu.memory_space<vmem>> -> memref<1x128x128xf32, #tpu.memory_space<vmem>>
    %dma_start3A_131 = tpu.memref_squeeze %dma_start3A_130 : memref<1x128x128xf32, #tpu.memory_space<vmem>> -> memref<128x128xf32, #tpu.memory_space<vmem>>
    %dma_start3A_132 = arith.constant 0 : i32
    %dma_start3A_133 = tpu.memref_slice %arg5[%dma_start3A_125, %dma_start3A_126, %dma_start3A_132] : memref<3x2x128xi32, #tpu.memory_space<vmem>> -> memref<1x1x128xi32, #tpu.memory_space<vmem>>
    %dma_start3A_134 = tpu.memref_squeeze %dma_start3A_133 : memref<1x1x128xi32, #tpu.memory_space<vmem>> -> memref<128xi32, #tpu.memory_space<vmem>>
    %dma_start3A_135 = arith.constant 0 : i32
    %dma_start3A_136 = arith.constant 0 : i32
    %dma_start3A_137 = tpu.memref_slice %arg2[%dma_start3A_135, %dma_start3A_136] : memref<10000x128xf32, #tpu.memory_space<hbm>> -> memref<10000x128xf32, #tpu.memory_space<hbm>>
    tpu.enqueue_indirect_dma source(%dma_start3A_137 : memref<10000x128xf32, #tpu.memory_space<hbm>>) target(%dma_start3A_131 : memref<128x128xf32, #tpu.memory_space<vmem>>) offsets(%dma_start3A_134 : memref<128xi32, #tpu.memory_space<vmem>>) semaphore(%arg12 : memref<!tpu.dma_semaphore, #tpu.memory_space<semaphore_mem>>)
    %scan3A_138 = arith.constant 0 : i32
    %scan3A_139 = arith.constant 0 : i32
    %scan3A_140 = arith.constant 27 : i32
    %scan3A_141 = arith.addi %scan3A_139, %scan3A_140 : i32
    %scan3A_142 = arith.constant 1 : i32
    scf.for %scan3A_158 = %scan3A_139 to %scan3A_141 step %scan3A_142  : i32 {
      %mul3A_159 = arith.constant 3 : i32
      %mul3A_160 = arith.muli %scan3A_158, %mul3A_159 : i32
      %add3A_161 = arith.constant 0 : i32
      %add3A_162 = arith.addi %mul3A_160, %add3A_161 : i32
      %lt3A = arith.constant 80 : i32
      %lt3A_163 = arith.cmpi slt, %add3A_162, %lt3A : i32
      %convert_element_type3A = arith.extui %lt3A_163 : i1 to i32
      %cond3A = arith.constant 0 : i32
      %cond3A_164 = arith.cmpi ne, %convert_element_type3A, %cond3A : i32
      scf.if %cond3A_164 {
        %dma_wait3A_225 = arith.constant 0 : i32
        %dma_wait3A_226 = arith.constant 0 : i32
        %dma_wait3A_227 = arith.constant 0 : i32
        %dma_wait3A_228 = arith.constant 0 : i32
        %dma_wait3A_229 = arith.constant 0 : i32
        %dma_wait3A_230 = tpu.memref_slice %arg6[%dma_wait3A_227, %dma_wait3A_228, %dma_wait3A_229] : memref<3x128x128xf32, #tpu.memory_space<vmem>> -> memref<1x128x128xf32, #tpu.memory_space<vmem>>
        %dma_wait3A_231 = tpu.memref_squeeze %dma_wait3A_230 : memref<1x128x128xf32, #tpu.memory_space<vmem>> -> memref<128x128xf32, #tpu.memory_space<vmem>>
        %dma_wait3A_232 = arith.constant 0 : i32
        %dma_wait3A_233 = tpu.memref_slice %arg5[%dma_wait3A_225, %dma_wait3A_226, %dma_wait3A_232] : memref<3x2x128xi32, #tpu.memory_space<vmem>> -> memref<1x1x128xi32, #tpu.memory_space<vmem>>
        %dma_wait3A_234 = tpu.memref_squeeze %dma_wait3A_233 : memref<1x1x128xi32, #tpu.memory_space<vmem>> -> memref<128xi32, #tpu.memory_space<vmem>>
        %dma_wait3A_235 = arith.constant 0 : i32
        %dma_wait3A_236 = arith.constant 0 : i32
        %dma_wait3A_237 = tpu.memref_slice %arg2[%dma_wait3A_235, %dma_wait3A_236] : memref<10000x128xf32, #tpu.memory_space<hbm>> -> memref<10000x128xf32, #tpu.memory_space<hbm>>
        tpu.wait_indirect_dma semaphore(%arg11 : memref<!tpu.dma_semaphore, #tpu.memory_space<semaphore_mem>>) src(%dma_wait3A_237 : memref<10000x128xf32, #tpu.memory_space<hbm>>) dst(%dma_wait3A_231 : memref<128x128xf32, #tpu.memory_space<vmem>>)
        %run_scoped3A_238 = arith.constant 0 : i32
        %run_scoped3A_239 = arith.constant 0 : i32
        %run_scoped3A_240 = arith.constant 1 : i32
        "tpu.region"() ({
          %run_scoped3A_241 = tpu.sem_alloc : memref<!tpu.dma_semaphore, #tpu.memory_space<semaphore_mem>>
          %dma_start3A_242 = arith.constant 0 : i32
          %dma_start3A_243 = arith.constant 0 : i32
          %dma_start3A_244 = tpu.memref_slice %arg6[%run_scoped3A_238, %dma_start3A_242, %dma_start3A_243] : memref<3x128x128xf32, #tpu.memory_space<vmem>> -> memref<1x128x128xf32, #tpu.memory_space<vmem>>
          %dma_start3A_245 = tpu.memref_squeeze %dma_start3A_244 : memref<1x128x128xf32, #tpu.memory_space<vmem>> -> memref<128x128xf32, #tpu.memory_space<vmem>>
          %dma_start3A_246 = arith.constant 0 : i32
          %dma_start3A_247 = tpu.memref_slice %arg5[%run_scoped3A_239, %run_scoped3A_240, %dma_start3A_246] : memref<3x2x128xi32, #tpu.memory_space<vmem>> -> memref<1x1x128xi32, #tpu.memory_space<vmem>>
          %dma_start3A_248 = tpu.memref_squeeze %dma_start3A_247 : memref<1x1x128xi32, #tpu.memory_space<vmem>> -> memref<128xi32, #tpu.memory_space<vmem>>
          %dma_start3A_249 = arith.constant 0 : i32
          %dma_start3A_250 = arith.constant 0 : i32
          %dma_start3A_251 = tpu.memref_slice %arg7[%dma_start3A_249, %dma_start3A_250] : memref<10112x128xf32, #tpu.memory_space<vmem_shared>> -> memref<10112x128xf32, #tpu.memory_space<vmem_shared>>
          tpu.enqueue_indirect_dma source(%dma_start3A_245 : memref<128x128xf32, #tpu.memory_space<vmem>>) target(%dma_start3A_251 : memref<10112x128xf32, #tpu.memory_space<vmem_shared>>) offsets(%dma_start3A_248 : memref<128xi32, #tpu.memory_space<vmem>>) semaphore(%run_scoped3A_241 : memref<!tpu.dma_semaphore, #tpu.memory_space<semaphore_mem>>) {add = true}
          %dma_wait3A_252 = arith.constant 0 : i32
          %dma_wait3A_253 = arith.constant 0 : i32
          %dma_wait3A_254 = tpu.memref_slice %arg6[%run_scoped3A_238, %dma_wait3A_252, %dma_wait3A_253] : memref<3x128x128xf32, #tpu.memory_space<vmem>> -> memref<1x128x128xf32, #tpu.memory_space<vmem>>
          %dma_wait3A_255 = tpu.memref_squeeze %dma_wait3A_254 : memref<1x128x128xf32, #tpu.memory_space<vmem>> -> memref<128x128xf32, #tpu.memory_space<vmem>>
          %dma_wait3A_256 = arith.constant 0 : i32
          %dma_wait3A_257 = tpu.memref_slice %arg5[%run_scoped3A_239, %run_scoped3A_240, %dma_wait3A_256] : memref<3x2x128xi32, #tpu.memory_space<vmem>> -> memref<1x1x128xi32, #tpu.memory_space<vmem>>
          %dma_wait3A_258 = tpu.memref_squeeze %dma_wait3A_257 : memref<1x1x128xi32, #tpu.memory_space<vmem>> -> memref<128xi32, #tpu.memory_space<vmem>>
          %dma_wait3A_259 = arith.constant 0 : i32
          %dma_wait3A_260 = arith.constant 0 : i32
          %dma_wait3A_261 = tpu.memref_slice %arg7[%dma_wait3A_259, %dma_wait3A_260] : memref<10112x128xf32, #tpu.memory_space<vmem_shared>> -> memref<10112x128xf32, #tpu.memory_space<vmem_shared>>
          tpu.wait_indirect_dma semaphore(%run_scoped3A_241 : memref<!tpu.dma_semaphore, #tpu.memory_space<semaphore_mem>>) src(%dma_wait3A_255 : memref<128x128xf32, #tpu.memory_space<vmem>>) dst(%dma_wait3A_261 : memref<10112x128xf32, #tpu.memory_space<vmem_shared>>)
          tpu.yield
        }) : () -> ()
      } else {
      }
      %add3A_165 = arith.constant 3 : i32
      %add3A_166 = arith.addi %add3A_162, %add3A_165 : i32
      %lt3A_167 = arith.constant 80 : i32
      %lt3A_168 = arith.cmpi slt, %add3A_166, %lt3A_167 : i32
      %convert_element_type3A_169 = arith.extui %lt3A_168 : i1 to i32
      %cond3A_170 = arith.constant 0 : i32
      %cond3A_171 = arith.cmpi ne, %convert_element_type3A_169, %cond3A_170 : i32
      scf.if %cond3A_171 {
        %add3A_225 = arith.addi %mul3A_18, %add3A_166 : i32
        %dma_start3A_226 = arith.constant 0 : i32
        %dma_start3A_227 = arith.constant 0 : i32
        %dma_start3A_228 = arith.constant 0 : i32
        %dma_start3A_229 = tpu.memref_slice %arg5[%dma_start3A_226, %dma_start3A_227, %dma_start3A_228] : memref<3x2x128xi32, #tpu.memory_space<vmem>> -> memref<1x2x128xi32, #tpu.memory_space<vmem>>
        %dma_start3A_230 = tpu.memref_squeeze %dma_start3A_229 : memref<1x2x128xi32, #tpu.memory_space<vmem>> -> memref<2x128xi32, #tpu.memory_space<vmem>>
        %dma_start3A_231 = arith.constant 0 : i32
        %dma_start3A_232 = arith.constant 0 : i32
        %dma_start3A_233 = tpu.memref_slice %arg3[%add3A_225, %dma_start3A_231, %dma_start3A_232] : memref<2560x2x128xi32, #tpu.memory_space<hbm>> -> memref<1x2x128xi32, #tpu.memory_space<hbm>>
        %dma_start3A_234 = tpu.memref_squeeze %dma_start3A_233 : memref<1x2x128xi32, #tpu.memory_space<hbm>> -> memref<2x128xi32, #tpu.memory_space<hbm>>
        %dma_start3A_235 = arith.constant 0 : i32
        %dma_start3A_236 = arith.constant 0 : i32
        %dma_start3A_237 = tpu.memref_slice %arg5[%dma_start3A_226, %dma_start3A_235, %dma_start3A_236] : memref<3x2x128xi32, #tpu.memory_space<vmem>> -> memref<1x2x128xi32, #tpu.memory_space<vmem>>
        %dma_start3A_238 = tpu.memref_squeeze %dma_start3A_237 : memref<1x2x128xi32, #tpu.memory_space<vmem>> -> memref<2x128xi32, #tpu.memory_space<vmem>>
        %dma_start3A_239 = arith.constant 0 : i32
        %dma_start3A_240 = arith.constant 0 : i32
        %dma_start3A_241 = tpu.memref_slice %arg3[%add3A_225, %dma_start3A_239, %dma_start3A_240] : memref<2560x2x128xi32, #tpu.memory_space<hbm>> -> memref<1x2x128xi32, #tpu.memory_space<hbm>>
        %dma_start3A_242 = tpu.memref_squeeze %dma_start3A_241 : memref<1x2x128xi32, #tpu.memory_space<hbm>> -> memref<2x128xi32, #tpu.memory_space<hbm>>
        tpu.enqueue_dma source(%dma_start3A_242 : memref<2x128xi32, #tpu.memory_space<hbm>>) target(%dma_start3A_238 : memref<2x128xi32, #tpu.memory_space<vmem>>) target_semaphore(%arg8 : memref<!tpu.dma_semaphore, #tpu.memory_space<semaphore_mem>>)
      } else {
      }
      %add3A_172 = arith.constant 2 : i32
      %add3A_173 = arith.addi %add3A_162, %add3A_172 : i32
      %lt3A_174 = arith.constant 80 : i32
      %lt3A_175 = arith.cmpi slt, %add3A_173, %lt3A_174 : i32
      %convert_element_type3A_176 = arith.extui %lt3A_175 : i1 to i32
      %cond3A_177 = arith.constant 0 : i32
      %cond3A_178 = arith.cmpi ne, %convert_element_type3A_176, %cond3A_177 : i32
      scf.if %cond3A_178 {
        %add3A_225 = arith.addi %mul3A_18, %add3A_173 : i32
        %dma_wait3A_226 = arith.constant 2 : i32
        %dma_wait3A_227 = arith.constant 0 : i32
        %dma_wait3A_228 = arith.constant 0 : i32
        %dma_wait3A_229 = tpu.memref_slice %arg5[%dma_wait3A_226, %dma_wait3A_227, %dma_wait3A_228] : memref<3x2x128xi32, #tpu.memory_space<vmem>> -> memref<1x2x128xi32, #tpu.memory_space<vmem>>
        %dma_wait3A_230 = tpu.memref_squeeze %dma_wait3A_229 : memref<1x2x128xi32, #tpu.memory_space<vmem>> -> memref<2x128xi32, #tpu.memory_space<vmem>>
        %dma_wait3A_231 = arith.constant 0 : i32
        %dma_wait3A_232 = arith.constant 0 : i32
        %dma_wait3A_233 = tpu.memref_slice %arg3[%add3A_225, %dma_wait3A_231, %dma_wait3A_232] : memref<2560x2x128xi32, #tpu.memory_space<hbm>> -> memref<1x2x128xi32, #tpu.memory_space<hbm>>
        %dma_wait3A_234 = tpu.memref_squeeze %dma_wait3A_233 : memref<1x2x128xi32, #tpu.memory_space<hbm>> -> memref<2x128xi32, #tpu.memory_space<hbm>>
        %dma_wait3A_235 = arith.constant 0 : i32
        %dma_wait3A_236 = arith.constant 0 : i32
        %dma_wait3A_237 = tpu.memref_slice %arg5[%dma_wait3A_226, %dma_wait3A_235, %dma_wait3A_236] : memref<3x2x128xi32, #tpu.memory_space<vmem>> -> memref<1x2x128xi32, #tpu.memory_space<vmem>>
        %dma_wait3A_238 = tpu.memref_squeeze %dma_wait3A_237 : memref<1x2x128xi32, #tpu.memory_space<vmem>> -> memref<2x128xi32, #tpu.memory_space<vmem>>
        %dma_wait3A_239 = arith.constant 0 : i32
        %dma_wait3A_240 = arith.constant 0 : i32
        %dma_wait3A_241 = tpu.memref_slice %arg3[%add3A_225, %dma_wait3A_239, %dma_wait3A_240] : memref<2560x2x128xi32, #tpu.memory_space<hbm>> -> memref<1x2x128xi32, #tpu.memory_space<hbm>>
        %dma_wait3A_242 = tpu.memref_squeeze %dma_wait3A_241 : memref<1x2x128xi32, #tpu.memory_space<hbm>> -> memref<2x128xi32, #tpu.memory_space<hbm>>
        tpu.wait_dma2 semaphore(%arg10 : memref<!tpu.dma_semaphore, #tpu.memory_space<semaphore_mem>>) src(%dma_wait3A_242 : memref<2x128xi32, #tpu.memory_space<hbm>>) dst(%dma_wait3A_238 : memref<2x128xi32, #tpu.memory_space<vmem>>)
        %dma_start3A_243 = arith.constant 2 : i32
        %dma_start3A_244 = arith.constant 0 : i32
        %dma_start3A_245 = arith.constant 2 : i32
        %dma_start3A_246 = arith.constant 0 : i32
        %dma_start3A_247 = arith.constant 0 : i32
        %dma_start3A_248 = tpu.memref_slice %arg6[%dma_start3A_245, %dma_start3A_246, %dma_start3A_247] : memref<3x128x128xf32, #tpu.memory_space<vmem>> -> memref<1x128x128xf32, #tpu.memory_space<vmem>>
        %dma_start3A_249 = tpu.memref_squeeze %dma_start3A_248 : memref<1x128x128xf32, #tpu.memory_space<vmem>> -> memref<128x128xf32, #tpu.memory_space<vmem>>
        %dma_start3A_250 = arith.constant 0 : i32
        %dma_start3A_251 = tpu.memref_slice %arg5[%dma_start3A_243, %dma_start3A_244, %dma_start3A_250] : memref<3x2x128xi32, #tpu.memory_space<vmem>> -> memref<1x1x128xi32, #tpu.memory_space<vmem>>
        %dma_start3A_252 = tpu.memref_squeeze %dma_start3A_251 : memref<1x1x128xi32, #tpu.memory_space<vmem>> -> memref<128xi32, #tpu.memory_space<vmem>>
        %dma_start3A_253 = arith.constant 0 : i32
        %dma_start3A_254 = arith.constant 0 : i32
        %dma_start3A_255 = tpu.memref_slice %arg2[%dma_start3A_253, %dma_start3A_254] : memref<10000x128xf32, #tpu.memory_space<hbm>> -> memref<10000x128xf32, #tpu.memory_space<hbm>>
        tpu.enqueue_indirect_dma source(%dma_start3A_255 : memref<10000x128xf32, #tpu.memory_space<hbm>>) target(%dma_start3A_249 : memref<128x128xf32, #tpu.memory_space<vmem>>) offsets(%dma_start3A_252 : memref<128xi32, #tpu.memory_space<vmem>>) semaphore(%arg13 : memref<!tpu.dma_semaphore, #tpu.memory_space<semaphore_mem>>)
      } else {
      }
      %mul3A_179 = arith.constant 3 : i32
      %mul3A_180 = arith.muli %scan3A_158, %mul3A_179 : i32
      %add3A_181 = arith.constant 1 : i32
      %add3A_182 = arith.addi %mul3A_180, %add3A_181 : i32
      %lt3A_183 = arith.constant 80 : i32
      %lt3A_184 = arith.cmpi slt, %add3A_182, %lt3A_183 : i32
      %convert_element_type3A_185 = arith.extui %lt3A_184 : i1 to i32
      %cond3A_186 = arith.constant 0 : i32
      %cond3A_187 = arith.cmpi ne, %convert_element_type3A_185, %cond3A_186 : i32
      scf.if %cond3A_187 {
        %dma_wait3A_225 = arith.constant 1 : i32
        %dma_wait3A_226 = arith.constant 0 : i32
        %dma_wait3A_227 = arith.constant 1 : i32
        %dma_wait3A_228 = arith.constant 0 : i32
        %dma_wait3A_229 = arith.constant 0 : i32
        %dma_wait3A_230 = tpu.memref_slice %arg6[%dma_wait3A_227, %dma_wait3A_228, %dma_wait3A_229] : memref<3x128x128xf32, #tpu.memory_space<vmem>> -> memref<1x128x128xf32, #tpu.memory_space<vmem>>
        %dma_wait3A_231 = tpu.memref_squeeze %dma_wait3A_230 : memref<1x128x128xf32, #tpu.memory_space<vmem>> -> memref<128x128xf32, #tpu.memory_space<vmem>>
        %dma_wait3A_232 = arith.constant 0 : i32
        %dma_wait3A_233 = tpu.memref_slice %arg5[%dma_wait3A_225, %dma_wait3A_226, %dma_wait3A_232] : memref<3x2x128xi32, #tpu.memory_space<vmem>> -> memref<1x1x128xi32, #tpu.memory_space<vmem>>
        %dma_wait3A_234 = tpu.memref_squeeze %dma_wait3A_233 : memref<1x1x128xi32, #tpu.memory_space<vmem>> -> memref<128xi32, #tpu.memory_space<vmem>>
        %dma_wait3A_235 = arith.constant 0 : i32
        %dma_wait3A_236 = arith.constant 0 : i32
        %dma_wait3A_237 = tpu.memref_slice %arg2[%dma_wait3A_235, %dma_wait3A_236] : memref<10000x128xf32, #tpu.memory_space<hbm>> -> memref<10000x128xf32, #tpu.memory_space<hbm>>
        tpu.wait_indirect_dma semaphore(%arg12 : memref<!tpu.dma_semaphore, #tpu.memory_space<semaphore_mem>>) src(%dma_wait3A_237 : memref<10000x128xf32, #tpu.memory_space<hbm>>) dst(%dma_wait3A_231 : memref<128x128xf32, #tpu.memory_space<vmem>>)
        %run_scoped3A_238 = arith.constant 1 : i32
        %run_scoped3A_239 = arith.constant 1 : i32
        %run_scoped3A_240 = arith.constant 1 : i32
        "tpu.region"() ({
          %run_scoped3A_241 = tpu.sem_alloc : memref<!tpu.dma_semaphore, #tpu.memory_space<semaphore_mem>>
          %dma_start3A_242 = arith.constant 0 : i32
          %dma_start3A_243 = arith.constant 0 : i32
          %dma_start3A_244 = tpu.memref_slice %arg6[%run_scoped3A_238, %dma_start3A_242, %dma_start3A_243] : memref<3x128x128xf32, #tpu.memory_space<vmem>> -> memref<1x128x128xf32, #tpu.memory_space<vmem>>
          %dma_start3A_245 = tpu.memref_squeeze %dma_start3A_244 : memref<1x128x128xf32, #tpu.memory_space<vmem>> -> memref<128x128xf32, #tpu.memory_space<vmem>>
          %dma_start3A_246 = arith.constant 0 : i32
          %dma_start3A_247 = tpu.memref_slice %arg5[%run_scoped3A_239, %run_scoped3A_240, %dma_start3A_246] : memref<3x2x128xi32, #tpu.memory_space<vmem>> -> memref<1x1x128xi32, #tpu.memory_space<vmem>>
          %dma_start3A_248 = tpu.memref_squeeze %dma_start3A_247 : memref<1x1x128xi32, #tpu.memory_space<vmem>> -> memref<128xi32, #tpu.memory_space<vmem>>
          %dma_start3A_249 = arith.constant 0 : i32
          %dma_start3A_250 = arith.constant 0 : i32
          %dma_start3A_251 = tpu.memref_slice %arg7[%dma_start3A_249, %dma_start3A_250] : memref<10112x128xf32, #tpu.memory_space<vmem_shared>> -> memref<10112x128xf32, #tpu.memory_space<vmem_shared>>
          tpu.enqueue_indirect_dma source(%dma_start3A_245 : memref<128x128xf32, #tpu.memory_space<vmem>>) target(%dma_start3A_251 : memref<10112x128xf32, #tpu.memory_space<vmem_shared>>) offsets(%dma_start3A_248 : memref<128xi32, #tpu.memory_space<vmem>>) semaphore(%run_scoped3A_241 : memref<!tpu.dma_semaphore, #tpu.memory_space<semaphore_mem>>) {add = true}
          %dma_wait3A_252 = arith.constant 0 : i32
          %dma_wait3A_253 = arith.constant 0 : i32
          %dma_wait3A_254 = tpu.memref_slice %arg6[%run_scoped3A_238, %dma_wait3A_252, %dma_wait3A_253] : memref<3x128x128xf32, #tpu.memory_space<vmem>> -> memref<1x128x128xf32, #tpu.memory_space<vmem>>
          %dma_wait3A_255 = tpu.memref_squeeze %dma_wait3A_254 : memref<1x128x128xf32, #tpu.memory_space<vmem>> -> memref<128x128xf32, #tpu.memory_space<vmem>>
          %dma_wait3A_256 = arith.constant 0 : i32
          %dma_wait3A_257 = tpu.memref_slice %arg5[%run_scoped3A_239, %run_scoped3A_240, %dma_wait3A_256] : memref<3x2x128xi32, #tpu.memory_space<vmem>> -> memref<1x1x128xi32, #tpu.memory_space<vmem>>
          %dma_wait3A_258 = tpu.memref_squeeze %dma_wait3A_257 : memref<1x1x128xi32, #tpu.memory_space<vmem>> -> memref<128xi32, #tpu.memory_space<vmem>>
          %dma_wait3A_259 = arith.constant 0 : i32
          %dma_wait3A_260 = arith.constant 0 : i32
          %dma_wait3A_261 = tpu.memref_slice %arg7[%dma_wait3A_259, %dma_wait3A_260] : memref<10112x128xf32, #tpu.memory_space<vmem_shared>> -> memref<10112x128xf32, #tpu.memory_space<vmem_shared>>
          tpu.wait_indirect_dma semaphore(%run_scoped3A_241 : memref<!tpu.dma_semaphore, #tpu.memory_space<semaphore_mem>>) src(%dma_wait3A_255 : memref<128x128xf32, #tpu.memory_space<vmem>>) dst(%dma_wait3A_261 : memref<10112x128xf32, #tpu.memory_space<vmem_shared>>)
          tpu.yield
        }) : () -> ()
      } else {
      }
      %add3A_188 = arith.constant 3 : i32
      %add3A_189 = arith.addi %add3A_182, %add3A_188 : i32
      %lt3A_190 = arith.constant 80 : i32
      %lt3A_191 = arith.cmpi slt, %add3A_189, %lt3A_190 : i32
      %convert_element_type3A_192 = arith.extui %lt3A_191 : i1 to i32
      %cond3A_193 = arith.constant 0 : i32
      %cond3A_194 = arith.cmpi ne, %convert_element_type3A_192, %cond3A_193 : i32
      scf.if %cond3A_194 {
        %add3A_225 = arith.addi %mul3A_18, %add3A_189 : i32
        %dma_start3A_226 = arith.constant 1 : i32
        %dma_start3A_227 = arith.constant 0 : i32
        %dma_start3A_228 = arith.constant 0 : i32
        %dma_start3A_229 = tpu.memref_slice %arg5[%dma_start3A_226, %dma_start3A_227, %dma_start3A_228] : memref<3x2x128xi32, #tpu.memory_space<vmem>> -> memref<1x2x128xi32, #tpu.memory_space<vmem>>
        %dma_start3A_230 = tpu.memref_squeeze %dma_start3A_229 : memref<1x2x128xi32, #tpu.memory_space<vmem>> -> memref<2x128xi32, #tpu.memory_space<vmem>>
        %dma_start3A_231 = arith.constant 0 : i32
        %dma_start3A_232 = arith.constant 0 : i32
        %dma_start3A_233 = tpu.memref_slice %arg3[%add3A_225, %dma_start3A_231, %dma_start3A_232] : memref<2560x2x128xi32, #tpu.memory_space<hbm>> -> memref<1x2x128xi32, #tpu.memory_space<hbm>>
        %dma_start3A_234 = tpu.memref_squeeze %dma_start3A_233 : memref<1x2x128xi32, #tpu.memory_space<hbm>> -> memref<2x128xi32, #tpu.memory_space<hbm>>
        %dma_start3A_235 = arith.constant 0 : i32
        %dma_start3A_236 = arith.constant 0 : i32
        %dma_start3A_237 = tpu.memref_slice %arg5[%dma_start3A_226, %dma_start3A_235, %dma_start3A_236] : memref<3x2x128xi32, #tpu.memory_space<vmem>> -> memref<1x2x128xi32, #tpu.memory_space<vmem>>
        %dma_start3A_238 = tpu.memref_squeeze %dma_start3A_237 : memref<1x2x128xi32, #tpu.memory_space<vmem>> -> memref<2x128xi32, #tpu.memory_space<vmem>>
        %dma_start3A_239 = arith.constant 0 : i32
        %dma_start3A_240 = arith.constant 0 : i32
        %dma_start3A_241 = tpu.memref_slice %arg3[%add3A_225, %dma_start3A_239, %dma_start3A_240] : memref<2560x2x128xi32, #tpu.memory_space<hbm>> -> memref<1x2x128xi32, #tpu.memory_space<hbm>>
        %dma_start3A_242 = tpu.memref_squeeze %dma_start3A_241 : memref<1x2x128xi32, #tpu.memory_space<hbm>> -> memref<2x128xi32, #tpu.memory_space<hbm>>
        tpu.enqueue_dma source(%dma_start3A_242 : memref<2x128xi32, #tpu.memory_space<hbm>>) target(%dma_start3A_238 : memref<2x128xi32, #tpu.memory_space<vmem>>) target_semaphore(%arg9 : memref<!tpu.dma_semaphore, #tpu.memory_space<semaphore_mem>>)
      } else {
      }
      %add3A_195 = arith.constant 2 : i32
      %add3A_196 = arith.addi %add3A_182, %add3A_195 : i32
      %lt3A_197 = arith.constant 80 : i32
      %lt3A_198 = arith.cmpi slt, %add3A_196, %lt3A_197 : i32
      %convert_element_type3A_199 = arith.extui %lt3A_198 : i1 to i32
      %cond3A_200 = arith.constant 0 : i32
      %cond3A_201 = arith.cmpi ne, %convert_element_type3A_199, %cond3A_200 : i32
      scf.if %cond3A_201 {
        %add3A_225 = arith.addi %mul3A_18, %add3A_196 : i32
        %dma_wait3A_226 = arith.constant 0 : i32
        %dma_wait3A_227 = arith.constant 0 : i32
        %dma_wait3A_228 = arith.constant 0 : i32
        %dma_wait3A_229 = tpu.memref_slice %arg5[%dma_wait3A_226, %dma_wait3A_227, %dma_wait3A_228] : memref<3x2x128xi32, #tpu.memory_space<vmem>> -> memref<1x2x128xi32, #tpu.memory_space<vmem>>
        %dma_wait3A_230 = tpu.memref_squeeze %dma_wait3A_229 : memref<1x2x128xi32, #tpu.memory_space<vmem>> -> memref<2x128xi32, #tpu.memory_space<vmem>>
        %dma_wait3A_231 = arith.constant 0 : i32
        %dma_wait3A_232 = arith.constant 0 : i32
        %dma_wait3A_233 = tpu.memref_slice %arg3[%add3A_225, %dma_wait3A_231, %dma_wait3A_232] : memref<2560x2x128xi32, #tpu.memory_space<hbm>> -> memref<1x2x128xi32, #tpu.memory_space<hbm>>
        %dma_wait3A_234 = tpu.memref_squeeze %dma_wait3A_233 : memref<1x2x128xi32, #tpu.memory_space<hbm>> -> memref<2x128xi32, #tpu.memory_space<hbm>>
        %dma_wait3A_235 = arith.constant 0 : i32
        %dma_wait3A_236 = arith.constant 0 : i32
        %dma_wait3A_237 = tpu.memref_slice %arg5[%dma_wait3A_226, %dma_wait3A_235, %dma_wait3A_236] : memref<3x2x128xi32, #tpu.memory_space<vmem>> -> memref<1x2x128xi32, #tpu.memory_space<vmem>>
        %dma_wait3A_238 = tpu.memref_squeeze %dma_wait3A_237 : memref<1x2x128xi32, #tpu.memory_space<vmem>> -> memref<2x128xi32, #tpu.memory_space<vmem>>
        %dma_wait3A_239 = arith.constant 0 : i32
        %dma_wait3A_240 = arith.constant 0 : i32
        %dma_wait3A_241 = tpu.memref_slice %arg3[%add3A_225, %dma_wait3A_239, %dma_wait3A_240] : memref<2560x2x128xi32, #tpu.memory_space<hbm>> -> memref<1x2x128xi32, #tpu.memory_space<hbm>>
        %dma_wait3A_242 = tpu.memref_squeeze %dma_wait3A_241 : memref<1x2x128xi32, #tpu.memory_space<hbm>> -> memref<2x128xi32, #tpu.memory_space<hbm>>
        tpu.wait_dma2 semaphore(%arg8 : memref<!tpu.dma_semaphore, #tpu.memory_space<semaphore_mem>>) src(%dma_wait3A_242 : memref<2x128xi32, #tpu.memory_space<hbm>>) dst(%dma_wait3A_238 : memref<2x128xi32, #tpu.memory_space<vmem>>)
        %dma_start3A_243 = arith.constant 0 : i32
        %dma_start3A_244 = arith.constant 0 : i32
        %dma_start3A_245 = arith.constant 0 : i32
        %dma_start3A_246 = arith.constant 0 : i32
        %dma_start3A_247 = arith.constant 0 : i32
        %dma_start3A_248 = tpu.memref_slice %arg6[%dma_start3A_245, %dma_start3A_246, %dma_start3A_247] : memref<3x128x128xf32, #tpu.memory_space<vmem>> -> memref<1x128x128xf32, #tpu.memory_space<vmem>>
        %dma_start3A_249 = tpu.memref_squeeze %dma_start3A_248 : memref<1x128x128xf32, #tpu.memory_space<vmem>> -> memref<128x128xf32, #tpu.memory_space<vmem>>
        %dma_start3A_250 = arith.constant 0 : i32
        %dma_start3A_251 = tpu.memref_slice %arg5[%dma_start3A_243, %dma_start3A_244, %dma_start3A_250] : memref<3x2x128xi32, #tpu.memory_space<vmem>> -> memref<1x1x128xi32, #tpu.memory_space<vmem>>
        %dma_start3A_252 = tpu.memref_squeeze %dma_start3A_251 : memref<1x1x128xi32, #tpu.memory_space<vmem>> -> memref<128xi32, #tpu.memory_space<vmem>>
        %dma_start3A_253 = arith.constant 0 : i32
        %dma_start3A_254 = arith.constant 0 : i32
        %dma_start3A_255 = tpu.memref_slice %arg2[%dma_start3A_253, %dma_start3A_254] : memref<10000x128xf32, #tpu.memory_space<hbm>> -> memref<10000x128xf32, #tpu.memory_space<hbm>>
        tpu.enqueue_indirect_dma source(%dma_start3A_255 : memref<10000x128xf32, #tpu.memory_space<hbm>>) target(%dma_start3A_249 : memref<128x128xf32, #tpu.memory_space<vmem>>) offsets(%dma_start3A_252 : memref<128xi32, #tpu.memory_space<vmem>>) semaphore(%arg11 : memref<!tpu.dma_semaphore, #tpu.memory_space<semaphore_mem>>)
      } else {
      }
      %mul3A_202 = arith.constant 3 : i32
      %mul3A_203 = arith.muli %scan3A_158, %mul3A_202 : i32
      %add3A_204 = arith.constant 2 : i32
      %add3A_205 = arith.addi %mul3A_203, %add3A_204 : i32
      %lt3A_206 = arith.constant 80 : i32
      %lt3A_207 = arith.cmpi slt, %add3A_205, %lt3A_206 : i32
      %convert_element_type3A_208 = arith.extui %lt3A_207 : i1 to i32
      %cond3A_209 = arith.constant 0 : i32
      %cond3A_210 = arith.cmpi ne, %convert_element_type3A_208, %cond3A_209 : i32
      scf.if %cond3A_210 {
        %dma_wait3A_225 = arith.constant 2 : i32
        %dma_wait3A_226 = arith.constant 0 : i32
        %dma_wait3A_227 = arith.constant 2 : i32
        %dma_wait3A_228 = arith.constant 0 : i32
        %dma_wait3A_229 = arith.constant 0 : i32
        %dma_wait3A_230 = tpu.memref_slice %arg6[%dma_wait3A_227, %dma_wait3A_228, %dma_wait3A_229] : memref<3x128x128xf32, #tpu.memory_space<vmem>> -> memref<1x128x128xf32, #tpu.memory_space<vmem>>
        %dma_wait3A_231 = tpu.memref_squeeze %dma_wait3A_230 : memref<1x128x128xf32, #tpu.memory_space<vmem>> -> memref<128x128xf32, #tpu.memory_space<vmem>>
        %dma_wait3A_232 = arith.constant 0 : i32
        %dma_wait3A_233 = tpu.memref_slice %arg5[%dma_wait3A_225, %dma_wait3A_226, %dma_wait3A_232] : memref<3x2x128xi32, #tpu.memory_space<vmem>> -> memref<1x1x128xi32, #tpu.memory_space<vmem>>
        %dma_wait3A_234 = tpu.memref_squeeze %dma_wait3A_233 : memref<1x1x128xi32, #tpu.memory_space<vmem>> -> memref<128xi32, #tpu.memory_space<vmem>>
        %dma_wait3A_235 = arith.constant 0 : i32
        %dma_wait3A_236 = arith.constant 0 : i32
        %dma_wait3A_237 = tpu.memref_slice %arg2[%dma_wait3A_235, %dma_wait3A_236] : memref<10000x128xf32, #tpu.memory_space<hbm>> -> memref<10000x128xf32, #tpu.memory_space<hbm>>
        tpu.wait_indirect_dma semaphore(%arg13 : memref<!tpu.dma_semaphore, #tpu.memory_space<semaphore_mem>>) src(%dma_wait3A_237 : memref<10000x128xf32, #tpu.memory_space<hbm>>) dst(%dma_wait3A_231 : memref<128x128xf32, #tpu.memory_space<vmem>>)
        %run_scoped3A_238 = arith.constant 2 : i32
        %run_scoped3A_239 = arith.constant 2 : i32
        %run_scoped3A_240 = arith.constant 1 : i32
        "tpu.region"() ({
          %run_scoped3A_241 = tpu.sem_alloc : memref<!tpu.dma_semaphore, #tpu.memory_space<semaphore_mem>>
          %dma_start3A_242 = arith.constant 0 : i32
          %dma_start3A_243 = arith.constant 0 : i32
          %dma_start3A_244 = tpu.memref_slice %arg6[%run_scoped3A_238, %dma_start3A_242, %dma_start3A_243] : memref<3x128x128xf32, #tpu.memory_space<vmem>> -> memref<1x128x128xf32, #tpu.memory_space<vmem>>
          %dma_start3A_245 = tpu.memref_squeeze %dma_start3A_244 : memref<1x128x128xf32, #tpu.memory_space<vmem>> -> memref<128x128xf32, #tpu.memory_space<vmem>>
          %dma_start3A_246 = arith.constant 0 : i32
          %dma_start3A_247 = tpu.memref_slice %arg5[%run_scoped3A_239, %run_scoped3A_240, %dma_start3A_246] : memref<3x2x128xi32, #tpu.memory_space<vmem>> -> memref<1x1x128xi32, #tpu.memory_space<vmem>>
          %dma_start3A_248 = tpu.memref_squeeze %dma_start3A_247 : memref<1x1x128xi32, #tpu.memory_space<vmem>> -> memref<128xi32, #tpu.memory_space<vmem>>
          %dma_start3A_249 = arith.constant 0 : i32
          %dma_start3A_250 = arith.constant 0 : i32
          %dma_start3A_251 = tpu.memref_slice %arg7[%dma_start3A_249, %dma_start3A_250] : memref<10112x128xf32, #tpu.memory_space<vmem_shared>> -> memref<10112x128xf32, #tpu.memory_space<vmem_shared>>
          tpu.enqueue_indirect_dma source(%dma_start3A_245 : memref<128x128xf32, #tpu.memory_space<vmem>>) target(%dma_start3A_251 : memref<10112x128xf32, #tpu.memory_space<vmem_shared>>) offsets(%dma_start3A_248 : memref<128xi32, #tpu.memory_space<vmem>>) semaphore(%run_scoped3A_241 : memref<!tpu.dma_semaphore, #tpu.memory_space<semaphore_mem>>) {add = true}
          %dma_wait3A_252 = arith.constant 0 : i32
          %dma_wait3A_253 = arith.constant 0 : i32
          %dma_wait3A_254 = tpu.memref_slice %arg6[%run_scoped3A_238, %dma_wait3A_252, %dma_wait3A_253] : memref<3x128x128xf32, #tpu.memory_space<vmem>> -> memref<1x128x128xf32, #tpu.memory_space<vmem>>
          %dma_wait3A_255 = tpu.memref_squeeze %dma_wait3A_254 : memref<1x128x128xf32, #tpu.memory_space<vmem>> -> memref<128x128xf32, #tpu.memory_space<vmem>>
          %dma_wait3A_256 = arith.constant 0 : i32
          %dma_wait3A_257 = tpu.memref_slice %arg5[%run_scoped3A_239, %run_scoped3A_240, %dma_wait3A_256] : memref<3x2x128xi32, #tpu.memory_space<vmem>> -> memref<1x1x128xi32, #tpu.memory_space<vmem>>
          %dma_wait3A_258 = tpu.memref_squeeze %dma_wait3A_257 : memref<1x1x128xi32, #tpu.memory_space<vmem>> -> memref<128xi32, #tpu.memory_space<vmem>>
          %dma_wait3A_259 = arith.constant 0 : i32
          %dma_wait3A_260 = arith.constant 0 : i32
          %dma_wait3A_261 = tpu.memref_slice %arg7[%dma_wait3A_259, %dma_wait3A_260] : memref<10112x128xf32, #tpu.memory_space<vmem_shared>> -> memref<10112x128xf32, #tpu.memory_space<vmem_shared>>
          tpu.wait_indirect_dma semaphore(%run_scoped3A_241 : memref<!tpu.dma_semaphore, #tpu.memory_space<semaphore_mem>>) src(%dma_wait3A_255 : memref<128x128xf32, #tpu.memory_space<vmem>>) dst(%dma_wait3A_261 : memref<10112x128xf32, #tpu.memory_space<vmem_shared>>)
          tpu.yield
        }) : () -> ()
      } else {
      }
      %add3A_211 = arith.constant 3 : i32
      %add3A_212 = arith.addi %add3A_205, %add3A_211 : i32
      %lt3A_213 = arith.constant 80 : i32
      %lt3A_214 = arith.cmpi slt, %add3A_212, %lt3A_213 : i32
      %convert_element_type3A_215 = arith.extui %lt3A_214 : i1 to i32
      %cond3A_216 = arith.constant 0 : i32
      %cond3A_217 = arith.cmpi ne, %convert_element_type3A_215, %cond3A_216 : i32
      scf.if %cond3A_217 {
        %add3A_225 = arith.addi %mul3A_18, %add3A_212 : i32
        %dma_start3A_226 = arith.constant 2 : i32
        %dma_start3A_227 = arith.constant 0 : i32
        %dma_start3A_228 = arith.constant 0 : i32
        %dma_start3A_229 = tpu.memref_slice %arg5[%dma_start3A_226, %dma_start3A_227, %dma_start3A_228] : memref<3x2x128xi32, #tpu.memory_space<vmem>> -> memref<1x2x128xi32, #tpu.memory_space<vmem>>
        %dma_start3A_230 = tpu.memref_squeeze %dma_start3A_229 : memref<1x2x128xi32, #tpu.memory_space<vmem>> -> memref<2x128xi32, #tpu.memory_space<vmem>>
        %dma_start3A_231 = arith.constant 0 : i32
        %dma_start3A_232 = arith.constant 0 : i32
        %dma_start3A_233 = tpu.memref_slice %arg3[%add3A_225, %dma_start3A_231, %dma_start3A_232] : memref<2560x2x128xi32, #tpu.memory_space<hbm>> -> memref<1x2x128xi32, #tpu.memory_space<hbm>>
        %dma_start3A_234 = tpu.memref_squeeze %dma_start3A_233 : memref<1x2x128xi32, #tpu.memory_space<hbm>> -> memref<2x128xi32, #tpu.memory_space<hbm>>
        %dma_start3A_235 = arith.constant 0 : i32
        %dma_start3A_236 = arith.constant 0 : i32
        %dma_start3A_237 = tpu.memref_slice %arg5[%dma_start3A_226, %dma_start3A_235, %dma_start3A_236] : memref<3x2x128xi32, #tpu.memory_space<vmem>> -> memref<1x2x128xi32, #tpu.memory_space<vmem>>
        %dma_start3A_238 = tpu.memref_squeeze %dma_start3A_237 : memref<1x2x128xi32, #tpu.memory_space<vmem>> -> memref<2x128xi32, #tpu.memory_space<vmem>>
        %dma_start3A_239 = arith.constant 0 : i32
        %dma_start3A_240 = arith.constant 0 : i32
        %dma_start3A_241 = tpu.memref_slice %arg3[%add3A_225, %dma_start3A_239, %dma_start3A_240] : memref<2560x2x128xi32, #tpu.memory_space<hbm>> -> memref<1x2x128xi32, #tpu.memory_space<hbm>>
        %dma_start3A_242 = tpu.memref_squeeze %dma_start3A_241 : memref<1x2x128xi32, #tpu.memory_space<hbm>> -> memref<2x128xi32, #tpu.memory_space<hbm>>
        tpu.enqueue_dma source(%dma_start3A_242 : memref<2x128xi32, #tpu.memory_space<hbm>>) target(%dma_start3A_238 : memref<2x128xi32, #tpu.memory_space<vmem>>) target_semaphore(%arg10 : memref<!tpu.dma_semaphore, #tpu.memory_space<semaphore_mem>>)
      } else {
      }
      %add3A_218 = arith.constant 2 : i32
      %add3A_219 = arith.addi %add3A_205, %add3A_218 : i32
      %lt3A_220 = arith.constant 80 : i32
      %lt3A_221 = arith.cmpi slt, %add3A_219, %lt3A_220 : i32
      %convert_element_type3A_222 = arith.extui %lt3A_221 : i1 to i32
      %cond3A_223 = arith.constant 0 : i32
      %cond3A_224 = arith.cmpi ne, %convert_element_type3A_222, %cond3A_223 : i32
      scf.if %cond3A_224 {
        %add3A_225 = arith.addi %mul3A_18, %add3A_219 : i32
        %dma_wait3A_226 = arith.constant 1 : i32
        %dma_wait3A_227 = arith.constant 0 : i32
        %dma_wait3A_228 = arith.constant 0 : i32
        %dma_wait3A_229 = tpu.memref_slice %arg5[%dma_wait3A_226, %dma_wait3A_227, %dma_wait3A_228] : memref<3x2x128xi32, #tpu.memory_space<vmem>> -> memref<1x2x128xi32, #tpu.memory_space<vmem>>
        %dma_wait3A_230 = tpu.memref_squeeze %dma_wait3A_229 : memref<1x2x128xi32, #tpu.memory_space<vmem>> -> memref<2x128xi32, #tpu.memory_space<vmem>>
        %dma_wait3A_231 = arith.constant 0 : i32
        %dma_wait3A_232 = arith.constant 0 : i32
        %dma_wait3A_233 = tpu.memref_slice %arg3[%add3A_225, %dma_wait3A_231, %dma_wait3A_232] : memref<2560x2x128xi32, #tpu.memory_space<hbm>> -> memref<1x2x128xi32, #tpu.memory_space<hbm>>
        %dma_wait3A_234 = tpu.memref_squeeze %dma_wait3A_233 : memref<1x2x128xi32, #tpu.memory_space<hbm>> -> memref<2x128xi32, #tpu.memory_space<hbm>>
        %dma_wait3A_235 = arith.constant 0 : i32
        %dma_wait3A_236 = arith.constant 0 : i32
        %dma_wait3A_237 = tpu.memref_slice %arg5[%dma_wait3A_226, %dma_wait3A_235, %dma_wait3A_236] : memref<3x2x128xi32, #tpu.memory_space<vmem>> -> memref<1x2x128xi32, #tpu.memory_space<vmem>>
        %dma_wait3A_238 = tpu.memref_squeeze %dma_wait3A_237 : memref<1x2x128xi32, #tpu.memory_space<vmem>> -> memref<2x128xi32, #tpu.memory_space<vmem>>
        %dma_wait3A_239 = arith.constant 0 : i32
        %dma_wait3A_240 = arith.constant 0 : i32
        %dma_wait3A_241 = tpu.memref_slice %arg3[%add3A_225, %dma_wait3A_239, %dma_wait3A_240] : memref<2560x2x128xi32, #tpu.memory_space<hbm>> -> memref<1x2x128xi32, #tpu.memory_space<hbm>>
        %dma_wait3A_242 = tpu.memref_squeeze %dma_wait3A_241 : memref<1x2x128xi32, #tpu.memory_space<hbm>> -> memref<2x128xi32, #tpu.memory_space<hbm>>
        tpu.wait_dma2 semaphore(%arg9 : memref<!tpu.dma_semaphore, #tpu.memory_space<semaphore_mem>>) src(%dma_wait3A_242 : memref<2x128xi32, #tpu.memory_space<hbm>>) dst(%dma_wait3A_238 : memref<2x128xi32, #tpu.memory_space<vmem>>)
        %dma_start3A_243 = arith.constant 1 : i32
        %dma_start3A_244 = arith.constant 0 : i32
        %dma_start3A_245 = arith.constant 1 : i32
        %dma_start3A_246 = arith.constant 0 : i32
        %dma_start3A_247 = arith.constant 0 : i32
        %dma_start3A_248 = tpu.memref_slice %arg6[%dma_start3A_245, %dma_start3A_246, %dma_start3A_247] : memref<3x128x128xf32, #tpu.memory_space<vmem>> -> memref<1x128x128xf32, #tpu.memory_space<vmem>>
        %dma_start3A_249 = tpu.memref_squeeze %dma_start3A_248 : memref<1x128x128xf32, #tpu.memory_space<vmem>> -> memref<128x128xf32, #tpu.memory_space<vmem>>
        %dma_start3A_250 = arith.constant 0 : i32
        %dma_start3A_251 = tpu.memref_slice %arg5[%dma_start3A_243, %dma_start3A_244, %dma_start3A_250] : memref<3x2x128xi32, #tpu.memory_space<vmem>> -> memref<1x1x128xi32, #tpu.memory_space<vmem>>
        %dma_start3A_252 = tpu.memref_squeeze %dma_start3A_251 : memref<1x1x128xi32, #tpu.memory_space<vmem>> -> memref<128xi32, #tpu.memory_space<vmem>>
        %dma_start3A_253 = arith.constant 0 : i32
        %dma_start3A_254 = arith.constant 0 : i32
        %dma_start3A_255 = tpu.memref_slice %arg2[%dma_start3A_253, %dma_start3A_254] : memref<10000x128xf32, #tpu.memory_space<hbm>> -> memref<10000x128xf32, #tpu.memory_space<hbm>>
        tpu.enqueue_indirect_dma source(%dma_start3A_255 : memref<10000x128xf32, #tpu.memory_space<hbm>>) target(%dma_start3A_249 : memref<128x128xf32, #tpu.memory_space<vmem>>) offsets(%dma_start3A_252 : memref<128xi32, #tpu.memory_space<vmem>>) semaphore(%arg12 : memref<!tpu.dma_semaphore, #tpu.memory_space<semaphore_mem>>)
      } else {
      }
    }
    %scan3A_143 = arith.constant 27 : i32
    %barrier3A_144 = arith.constant 0 : index
    tpu.barrier barrier_id(%barrier3A_144)
    %scan3A_145 = arith.constant 0 : i32
    %scan3A_146 = arith.constant 0 : i32
    %scan3A_147 = arith.constant 4 : i32
    %scan3A_148 = arith.addi %scan3A_146, %scan3A_147 : i32
    %scan3A_149 = arith.constant 1 : i32
    scf.for %scan3A_158 = %scan3A_146 to %scan3A_148 step %scan3A_149  : i32 {
      %mul3A_159 = arith.constant 128 : i32
      %mul3A_160 = arith.muli %scan3A_158, %mul3A_159 : i32
      %add3A_161 = arith.addi %mul3A_8, %mul3A_160 : i32
      %run_scoped3A_162 = arith.constant 0 : i32
      "tpu.region"() ({
        %run_scoped3A_167 = tpu.sem_alloc : memref<!tpu.dma_semaphore, #tpu.memory_space<semaphore_mem>>
        %dma_start3A_168 = arith.constant 0 : i32
        %dma_start3A_169 = arith.constant 0 : i32
        %dma_start3A_170 = tpu.memref_slice %arg6[%run_scoped3A_162, %dma_start3A_168, %dma_start3A_169] : memref<3x128x128xf32, #tpu.memory_space<vmem>> -> memref<1x128x128xf32, #tpu.memory_space<vmem>>
        %dma_start3A_171 = tpu.memref_squeeze %dma_start3A_170 : memref<1x128x128xf32, #tpu.memory_space<vmem>> -> memref<128x128xf32, #tpu.memory_space<vmem>>
        %dma_start3A_172 = arith.constant 0 : i32
        %dma_start3A_173 = tpu.memref_slice %arg7[%add3A_161, %dma_start3A_172] : memref<10112x128xf32, #tpu.memory_space<vmem_shared>> -> memref<128x128xf32, #tpu.memory_space<vmem_shared>>
        %dma_start3A_174 = arith.constant 0 : i32
        %dma_start3A_175 = arith.constant 0 : i32
        %dma_start3A_176 = tpu.memref_slice %arg6[%run_scoped3A_162, %dma_start3A_174, %dma_start3A_175] : memref<3x128x128xf32, #tpu.memory_space<vmem>> -> memref<1x128x128xf32, #tpu.memory_space<vmem>>
        %dma_start3A_177 = tpu.memref_squeeze %dma_start3A_176 : memref<1x128x128xf32, #tpu.memory_space<vmem>> -> memref<128x128xf32, #tpu.memory_space<vmem>>
        %dma_start3A_178 = arith.constant 0 : i32
        %dma_start3A_179 = tpu.memref_slice %arg7[%add3A_161, %dma_start3A_178] : memref<10112x128xf32, #tpu.memory_space<vmem_shared>> -> memref<128x128xf32, #tpu.memory_space<vmem_shared>>
        tpu.enqueue_dma source(%dma_start3A_179 : memref<128x128xf32, #tpu.memory_space<vmem_shared>>) target(%dma_start3A_177 : memref<128x128xf32, #tpu.memory_space<vmem>>) target_semaphore(%run_scoped3A_167 : memref<!tpu.dma_semaphore, #tpu.memory_space<semaphore_mem>>)
        %dma_wait3A_180 = arith.constant 0 : i32
        %dma_wait3A_181 = arith.constant 0 : i32
        %dma_wait3A_182 = tpu.memref_slice %arg6[%run_scoped3A_162, %dma_wait3A_180, %dma_wait3A_181] : memref<3x128x128xf32, #tpu.memory_space<vmem>> -> memref<1x128x128xf32, #tpu.memory_space<vmem>>
        %dma_wait3A_183 = tpu.memref_squeeze %dma_wait3A_182 : memref<1x128x128xf32, #tpu.memory_space<vmem>> -> memref<128x128xf32, #tpu.memory_space<vmem>>
        %dma_wait3A_184 = arith.constant 0 : i32
        %dma_wait3A_185 = tpu.memref_slice %arg7[%add3A_161, %dma_wait3A_184] : memref<10112x128xf32, #tpu.memory_space<vmem_shared>> -> memref<128x128xf32, #tpu.memory_space<vmem_shared>>
        %dma_wait3A_186 = arith.constant 0 : i32
        %dma_wait3A_187 = arith.constant 0 : i32
        %dma_wait3A_188 = tpu.memref_slice %arg6[%run_scoped3A_162, %dma_wait3A_186, %dma_wait3A_187] : memref<3x128x128xf32, #tpu.memory_space<vmem>> -> memref<1x128x128xf32, #tpu.memory_space<vmem>>
        %dma_wait3A_189 = tpu.memref_squeeze %dma_wait3A_188 : memref<1x128x128xf32, #tpu.memory_space<vmem>> -> memref<128x128xf32, #tpu.memory_space<vmem>>
        %dma_wait3A_190 = arith.constant 0 : i32
        %dma_wait3A_191 = tpu.memref_slice %arg7[%add3A_161, %dma_wait3A_190] : memref<10112x128xf32, #tpu.memory_space<vmem_shared>> -> memref<128x128xf32, #tpu.memory_space<vmem_shared>>
        tpu.wait_dma2 semaphore(%run_scoped3A_167 : memref<!tpu.dma_semaphore, #tpu.memory_space<semaphore_mem>>) src(%dma_wait3A_191 : memref<128x128xf32, #tpu.memory_space<vmem_shared>>) dst(%dma_wait3A_189 : memref<128x128xf32, #tpu.memory_space<vmem>>)
        tpu.yield
      }) : () -> ()
      %mul3A_163 = arith.constant 10112 : i32
      %mul3A_164 = arith.muli %arg0, %mul3A_163 : i32
      %add3A_165 = arith.addi %mul3A_164, %add3A_161 : i32
      %run_scoped3A_166 = arith.constant 0 : i32
      "tpu.region"() ({
        %run_scoped3A_167 = tpu.sem_alloc : memref<!tpu.dma_semaphore, #tpu.memory_space<semaphore_mem>>
        %dma_start3A_168 = arith.constant 0 : i32
        %dma_start3A_169 = arith.constant 0 : i32
        %dma_start3A_170 = tpu.memref_slice %arg6[%run_scoped3A_166, %dma_start3A_168, %dma_start3A_169] : memref<3x128x128xf32, #tpu.memory_space<vmem>> -> memref<1x128x128xf32, #tpu.memory_space<vmem>>
        %dma_start3A_171 = tpu.memref_squeeze %dma_start3A_170 : memref<1x128x128xf32, #tpu.memory_space<vmem>> -> memref<128x128xf32, #tpu.memory_space<vmem>>
        %dma_start3A_172 = arith.constant 0 : i32
        %dma_start3A_173 = tpu.memref_slice %arg4[%add3A_165, %dma_start3A_172] : memref<20224x128xf32, #tpu.memory_space<hbm>> -> memref<128x128xf32, #tpu.memory_space<hbm>>
        %dma_start3A_174 = arith.constant 0 : i32
        %dma_start3A_175 = tpu.memref_slice %arg4[%add3A_165, %dma_start3A_174] : memref<20224x128xf32, #tpu.memory_space<hbm>> -> memref<128x128xf32, #tpu.memory_space<hbm>>
        %dma_start3A_176 = arith.constant 0 : i32
        %dma_start3A_177 = arith.constant 0 : i32
        %dma_start3A_178 = tpu.memref_slice %arg6[%run_scoped3A_166, %dma_start3A_176, %dma_start3A_177] : memref<3x128x128xf32, #tpu.memory_space<vmem>> -> memref<1x128x128xf32, #tpu.memory_space<vmem>>
        %dma_start3A_179 = tpu.memref_squeeze %dma_start3A_178 : memref<1x128x128xf32, #tpu.memory_space<vmem>> -> memref<128x128xf32, #tpu.memory_space<vmem>>
        tpu.enqueue_dma source(%dma_start3A_179 : memref<128x128xf32, #tpu.memory_space<vmem>>) target(%dma_start3A_175 : memref<128x128xf32, #tpu.memory_space<hbm>>) target_semaphore(%run_scoped3A_167 : memref<!tpu.dma_semaphore, #tpu.memory_space<semaphore_mem>>)
        %dma_wait3A_180 = arith.constant 0 : i32
        %dma_wait3A_181 = arith.constant 0 : i32
        %dma_wait3A_182 = tpu.memref_slice %arg6[%run_scoped3A_166, %dma_wait3A_180, %dma_wait3A_181] : memref<3x128x128xf32, #tpu.memory_space<vmem>> -> memref<1x128x128xf32, #tpu.memory_space<vmem>>
        %dma_wait3A_183 = tpu.memref_squeeze %dma_wait3A_182 : memref<1x128x128xf32, #tpu.memory_space<vmem>> -> memref<128x128xf32, #tpu.memory_space<vmem>>
        %dma_wait3A_184 = arith.constant 0 : i32
        %dma_wait3A_185 = tpu.memref_slice %arg4[%add3A_165, %dma_wait3A_184] : memref<20224x128xf32, #tpu.memory_space<hbm>> -> memref<128x128xf32, #tpu.memory_space<hbm>>
        %dma_wait3A_186 = arith.constant 0 : i32
        %dma_wait3A_187 = tpu.memref_slice %arg4[%add3A_165, %dma_wait3A_186] : memref<20224x128xf32, #tpu.memory_space<hbm>> -> memref<128x128xf32, #tpu.memory_space<hbm>>
        %dma_wait3A_188 = arith.constant 0 : i32
        %dma_wait3A_189 = arith.constant 0 : i32
        %dma_wait3A_190 = tpu.memref_slice %arg6[%run_scoped3A_166, %dma_wait3A_188, %dma_wait3A_189] : memref<3x128x128xf32, #tpu.memory_space<vmem>> -> memref<1x128x128xf32, #tpu.memory_space<vmem>>
        %dma_wait3A_191 = tpu.memref_squeeze %dma_wait3A_190 : memref<1x128x128xf32, #tpu.memory_space<vmem>> -> memref<128x128xf32, #tpu.memory_space<vmem>>
        tpu.wait_dma2 semaphore(%run_scoped3A_167 : memref<!tpu.dma_semaphore, #tpu.memory_space<semaphore_mem>>) src(%dma_wait3A_191 : memref<128x128xf32, #tpu.memory_space<vmem>>) dst(%dma_wait3A_187 : memref<128x128xf32, #tpu.memory_space<hbm>>)
        tpu.yield
      }) : () -> ()
    }
    %scan3A_150 = arith.constant 4 : i32
    %add3A_151 = arith.constant 512 : i32
    %add3A_152 = arith.addi %mul3A_8, %add3A_151 : i32
    %run_scoped3A_153 = arith.constant 0 : i32
    "tpu.region"() ({
      %run_scoped3A_158 = tpu.sem_alloc : memref<!tpu.dma_semaphore, #tpu.memory_space<semaphore_mem>>
      %dma_start3A_159 = arith.constant 0 : i32
      %dma_start3A_160 = arith.constant 0 : i32
      %dma_start3A_161 = tpu.memref_slice %arg6[%run_scoped3A_153, %dma_start3A_159, %dma_start3A_160] : memref<3x128x128xf32, #tpu.memory_space<vmem>> -> memref<1x120x128xf32, #tpu.memory_space<vmem>>
      %dma_start3A_162 = tpu.memref_squeeze %dma_start3A_161 : memref<1x120x128xf32, #tpu.memory_space<vmem>> -> memref<120x128xf32, #tpu.memory_space<vmem>>
      %dma_start3A_163 = arith.constant 0 : i32
      %dma_start3A_164 = tpu.memref_slice %arg7[%add3A_152, %dma_start3A_163] : memref<10112x128xf32, #tpu.memory_space<vmem_shared>> -> memref<120x128xf32, #tpu.memory_space<vmem_shared>>
      %dma_start3A_165 = arith.constant 0 : i32
      %dma_start3A_166 = arith.constant 0 : i32
      %dma_start3A_167 = tpu.memref_slice %arg6[%run_scoped3A_153, %dma_start3A_165, %dma_start3A_166] : memref<3x128x128xf32, #tpu.memory_space<vmem>> -> memref<1x120x128xf32, #tpu.memory_space<vmem>>
      %dma_start3A_168 = tpu.memref_squeeze %dma_start3A_167 : memref<1x120x128xf32, #tpu.memory_space<vmem>> -> memref<120x128xf32, #tpu.memory_space<vmem>>
      %dma_start3A_169 = arith.constant 0 : i32
      %dma_start3A_170 = tpu.memref_slice %arg7[%add3A_152, %dma_start3A_169] : memref<10112x128xf32, #tpu.memory_space<vmem_shared>> -> memref<120x128xf32, #tpu.memory_space<vmem_shared>>
      tpu.enqueue_dma source(%dma_start3A_170 : memref<120x128xf32, #tpu.memory_space<vmem_shared>>) target(%dma_start3A_168 : memref<120x128xf32, #tpu.memory_space<vmem>>) target_semaphore(%run_scoped3A_158 : memref<!tpu.dma_semaphore, #tpu.memory_space<semaphore_mem>>)
      %dma_wait3A_171 = arith.constant 0 : i32
      %dma_wait3A_172 = arith.constant 0 : i32
      %dma_wait3A_173 = tpu.memref_slice %arg6[%run_scoped3A_153, %dma_wait3A_171, %dma_wait3A_172] : memref<3x128x128xf32, #tpu.memory_space<vmem>> -> memref<1x120x128xf32, #tpu.memory_space<vmem>>
      %dma_wait3A_174 = tpu.memref_squeeze %dma_wait3A_173 : memref<1x120x128xf32, #tpu.memory_space<vmem>> -> memref<120x128xf32, #tpu.memory_space<vmem>>
      %dma_wait3A_175 = arith.constant 0 : i32
      %dma_wait3A_176 = tpu.memref_slice %arg7[%add3A_152, %dma_wait3A_175] : memref<10112x128xf32, #tpu.memory_space<vmem_shared>> -> memref<120x128xf32, #tpu.memory_space<vmem_shared>>
      %dma_wait3A_177 = arith.constant 0 : i32
      %dma_wait3A_178 = arith.constant 0 : i32
      %dma_wait3A_179 = tpu.memref_slice %arg6[%run_scoped3A_153, %dma_wait3A_177, %dma_wait3A_178] : memref<3x128x128xf32, #tpu.memory_space<vmem>> -> memref<1x120x128xf32, #tpu.memory_space<vmem>>
      %dma_wait3A_180 = tpu.memref_squeeze %dma_wait3A_179 : memref<1x120x128xf32, #tpu.memory_space<vmem>> -> memref<120x128xf32, #tpu.memory_space<vmem>>
      %dma_wait3A_181 = arith.constant 0 : i32
      %dma_wait3A_182 = tpu.memref_slice %arg7[%add3A_152, %dma_wait3A_181] : memref<10112x128xf32, #tpu.memory_space<vmem_shared>> -> memref<120x128xf32, #tpu.memory_space<vmem_shared>>
      tpu.wait_dma2 semaphore(%run_scoped3A_158 : memref<!tpu.dma_semaphore, #tpu.memory_space<semaphore_mem>>) src(%dma_wait3A_182 : memref<120x128xf32, #tpu.memory_space<vmem_shared>>) dst(%dma_wait3A_180 : memref<120x128xf32, #tpu.memory_space<vmem>>)
      tpu.yield
    }) : () -> ()
    %mul3A_154 = arith.constant 10112 : i32
    %mul3A_155 = arith.muli %arg0, %mul3A_154 : i32
    %add3A_156 = arith.addi %mul3A_155, %add3A_152 : i32
    %run_scoped3A_157 = arith.constant 0 : i32
    "tpu.region"() ({
      %run_scoped3A_158 = tpu.sem_alloc : memref<!tpu.dma_semaphore, #tpu.memory_space<semaphore_mem>>
      %dma_start3A_159 = arith.constant 0 : i32
      %dma_start3A_160 = arith.constant 0 : i32
      %dma_start3A_161 = tpu.memref_slice %arg6[%run_scoped3A_157, %dma_start3A_159, %dma_start3A_160] : memref<3x128x128xf32, #tpu.memory_space<vmem>> -> memref<1x120x128xf32, #tpu.memory_space<vmem>>
      %dma_start3A_162 = tpu.memref_squeeze %dma_start3A_161 : memref<1x120x128xf32, #tpu.memory_space<vmem>> -> memref<120x128xf32, #tpu.memory_space<vmem>>
      %dma_start3A_163 = arith.constant 0 : i32
      %dma_start3A_164 = tpu.memref_slice %arg4[%add3A_156, %dma_start3A_163] : memref<20224x128xf32, #tpu.memory_space<hbm>> -> memref<120x128xf32, #tpu.memory_space<hbm>>
      %dma_start3A_165 = arith.constant 0 : i32
      %dma_start3A_166 = tpu.memref_slice %arg4[%add3A_156, %dma_start3A_165] : memref<20224x128xf32, #tpu.memory_space<hbm>> -> memref<120x128xf32, #tpu.memory_space<hbm>>
      %dma_start3A_167 = arith.constant 0 : i32
      %dma_start3A_168 = arith.constant 0 : i32
      %dma_start3A_169 = tpu.memref_slice %arg6[%run_scoped3A_157, %dma_start3A_167, %dma_start3A_168] : memref<3x128x128xf32, #tpu.memory_space<vmem>> -> memref<1x120x128xf32, #tpu.memory_space<vmem>>
      %dma_start3A_170 = tpu.memref_squeeze %dma_start3A_169 : memref<1x120x128xf32, #tpu.memory_space<vmem>> -> memref<120x128xf32, #tpu.memory_space<vmem>>
      tpu.enqueue_dma source(%dma_start3A_170 : memref<120x128xf32, #tpu.memory_space<vmem>>) target(%dma_start3A_166 : memref<120x128xf32, #tpu.memory_space<hbm>>) target_semaphore(%run_scoped3A_158 : memref<!tpu.dma_semaphore, #tpu.memory_space<semaphore_mem>>)
      %dma_wait3A_171 = arith.constant 0 : i32
      %dma_wait3A_172 = arith.constant 0 : i32
      %dma_wait3A_173 = tpu.memref_slice %arg6[%run_scoped3A_157, %dma_wait3A_171, %dma_wait3A_172] : memref<3x128x128xf32, #tpu.memory_space<vmem>> -> memref<1x120x128xf32, #tpu.memory_space<vmem>>
      %dma_wait3A_174 = tpu.memref_squeeze %dma_wait3A_173 : memref<1x120x128xf32, #tpu.memory_space<vmem>> -> memref<120x128xf32, #tpu.memory_space<vmem>>
      %dma_wait3A_175 = arith.constant 0 : i32
      %dma_wait3A_176 = tpu.memref_slice %arg4[%add3A_156, %dma_wait3A_175] : memref<20224x128xf32, #tpu.memory_space<hbm>> -> memref<120x128xf32, #tpu.memory_space<hbm>>
      %dma_wait3A_177 = arith.constant 0 : i32
      %dma_wait3A_178 = tpu.memref_slice %arg4[%add3A_156, %dma_wait3A_177] : memref<20224x128xf32, #tpu.memory_space<hbm>> -> memref<120x128xf32, #tpu.memory_space<hbm>>
      %dma_wait3A_179 = arith.constant 0 : i32
      %dma_wait3A_180 = arith.constant 0 : i32
      %dma_wait3A_181 = tpu.memref_slice %arg6[%run_scoped3A_157, %dma_wait3A_179, %dma_wait3A_180] : memref<3x128x128xf32, #tpu.memory_space<vmem>> -> memref<1x120x128xf32, #tpu.memory_space<vmem>>
      %dma_wait3A_182 = tpu.memref_squeeze %dma_wait3A_181 : memref<1x120x128xf32, #tpu.memory_space<vmem>> -> memref<120x128xf32, #tpu.memory_space<vmem>>
      tpu.wait_dma2 semaphore(%run_scoped3A_158 : memref<!tpu.dma_semaphore, #tpu.memory_space<semaphore_mem>>) src(%dma_wait3A_182 : memref<120x128xf32, #tpu.memory_space<vmem>>) dst(%dma_wait3A_178 : memref<120x128xf32, #tpu.memory_space<hbm>>)
      tpu.yield
    }) : () -> ()
    return
  }
}

module attributes {stable_mosaic.version = 14 : i64} {
  func.func @_prep_body(%arg0: i32, %arg1: memref<2x1000x1xf32, #tpu.memory_space<vmem>>, %arg2: memref<1000x128xf32, #tpu.memory_space<vmem>>, %arg3: memref<1000x1xf32, #tpu.memory_space<vmem>>, %arg4: memref<1000x128xf32, #tpu.memory_space<vmem>>) attributes {dimension_semantics = [#tpu.dimension_semantics<arbitrary>], iteration_bounds = array<i64: 10>, scalar_prefetch = 0 : i64, scratch_operands = 0 : i64, tpu.core_type = #tpu.core_type<tc>, window_params = [{transform_indices = @transform_0, window_bounds = array<i64: 2, 1000, 1>}, {transform_indices = @transform_1, window_bounds = array<i64: 1000, 128>}, {transform_indices = @transform_2, window_bounds = array<i64: 1000, 1>}, {transform_indices = @transform_3, window_bounds = array<i64: 1000, 128>}]} {
    %get3A = arith.constant 0 : index
    %get3A_0 = arith.constant 0 : index
    %get3A_1 = arith.constant 0 : index
    %get3A_2 = vector.load %arg1[%get3A, %get3A_0, %get3A_1] : memref<2x1000x1xf32, #tpu.memory_space<vmem>>, vector<1x1000x1xf32>
    %get3A_3 = vector.shape_cast %get3A_2 : vector<1x1000x1xf32> to vector<1000x1xf32>
    %get3A_4 = arith.constant 1 : index
    %get3A_5 = arith.constant 0 : index
    %get3A_6 = arith.constant 0 : index
    %get3A_7 = vector.load %arg1[%get3A_4, %get3A_5, %get3A_6] : memref<2x1000x1xf32, #tpu.memory_space<vmem>>, vector<1x1000x1xf32>
    %get3A_8 = vector.shape_cast %get3A_7 : vector<1x1000x1xf32> to vector<1000x1xf32>
    %add3A = arith.addf %get3A_3, %get3A_8 : vector<1000x1xf32>
    %max3A = arith.constant 1.000000e+00 : f32
    %max3A_9 = vector.broadcast %max3A : f32 to vector<1000x1xf32>
    %max3A_10 = arith.maximumf %add3A, %max3A_9 : vector<1000x1xf32>
    %rsqrt3A = math.rsqrt %max3A_10 : vector<1000x1xf32>
    %swap3A = arith.constant 0 : index
    %swap3A_11 = arith.constant 0 : index
    %swap3A_12 = vector.load %arg3[%swap3A, %swap3A_11] : memref<1000x1xf32, #tpu.memory_space<vmem>>, vector<1000x1xf32>
    tpu.vector_store %arg3[%swap3A, %swap3A_11], %rsqrt3A {strides = array<i32>} : memref<1000x1xf32, #tpu.memory_space<vmem>>, vector<1000x1xf32>,
    %get3A_13 = arith.constant 0 : index
    %get3A_14 = arith.constant 0 : index
    %get3A_15 = vector.load %arg2[%get3A_13, %get3A_14] : memref<1000x128xf32, #tpu.memory_space<vmem>>, vector<1000x128xf32>
    %mul3A = vector.broadcast %rsqrt3A : vector<1000x1xf32> to vector<1000x128xf32>
    %mul3A_16 = arith.mulf %get3A_15, %mul3A : vector<1000x128xf32>
    %swap3A_17 = arith.constant 0 : index
    %swap3A_18 = arith.constant 0 : index
    %swap3A_19 = vector.load %arg4[%swap3A_17, %swap3A_18] : memref<1000x128xf32, #tpu.memory_space<vmem>>, vector<1000x128xf32>
    tpu.vector_store %arg4[%swap3A_17, %swap3A_18], %mul3A_16 {strides = array<i32>} : memref<1000x128xf32, #tpu.memory_space<vmem>>, vector<1000x128xf32>,
    return
  }
  func.func @transform_0(%arg0: i32) -> (i32, i32, i32) {
    %c0_i32 = arith.constant 0 : i32
    %c0_i32_0 = arith.constant 0 : i32
    %c0_i32_1 = arith.constant 0 : i32
    return %c0_i32, %arg0, %c0_i32_0 : i32, i32, i32
  }
  func.func @transform_1(%arg0: i32) -> (i32, i32) {
    %c0_i32 = arith.constant 0 : i32
    %c0_i32_0 = arith.constant 0 : i32
    return %arg0, %c0_i32 : i32, i32
  }
  func.func @transform_2(%arg0: i32) -> (i32, i32) {
    %c0_i32 = arith.constant 0 : i32
    %c0_i32_0 = arith.constant 0 : i32
    return %arg0, %c0_i32 : i32, i32
  }
  func.func @transform_3(%arg0: i32) -> (i32, i32) {
    %c0_i32 = arith.constant 0 : i32
    %c0_i32_0 = arith.constant 0 : i32
    return %arg0, %c0_i32 : i32, i32
  }
}

module attributes {stable_mosaic.version = 14 : i64} {
  func.func @_mid_body(%arg0: i32, %arg1: memref<2x1000x128xf32, #tpu.memory_space<vmem>>, %arg2: memref<1000x1xf32, #tpu.memory_space<vmem>>, %arg3: memref<1000x128xf32, #tpu.memory_space<vmem>>, %arg4: memref<1000x128xf32, #tpu.memory_space<vmem>>) attributes {dimension_semantics = [#tpu.dimension_semantics<arbitrary>], iteration_bounds = array<i64: 10>, scalar_prefetch = 0 : i64, scratch_operands = 0 : i64, tpu.core_type = #tpu.core_type<tc>, window_params = [{transform_indices = @transform_0, window_bounds = array<i64: 2, 1000, 128>}, {transform_indices = @transform_1, window_bounds = array<i64: 1000, 1>}, {transform_indices = @transform_2, window_bounds = array<i64: 1000, 128>}, {transform_indices = @transform_3, window_bounds = array<i64: 1000, 128>}]} {
    %get3A = arith.constant 0 : index
    %get3A_0 = arith.constant 0 : index
    %get3A_1 = arith.constant 0 : index
    %get3A_2 = vector.load %arg1[%get3A, %get3A_0, %get3A_1] : memref<2x1000x128xf32, #tpu.memory_space<vmem>>, vector<1x1000x128xf32>
    %get3A_3 = vector.shape_cast %get3A_2 : vector<1x1000x128xf32> to vector<1000x128xf32>
    %get3A_4 = arith.constant 1 : index
    %get3A_5 = arith.constant 0 : index
    %get3A_6 = arith.constant 0 : index
    %get3A_7 = vector.load %arg1[%get3A_4, %get3A_5, %get3A_6] : memref<2x1000x128xf32, #tpu.memory_space<vmem>>, vector<1x1000x128xf32>
    %get3A_8 = vector.shape_cast %get3A_7 : vector<1x1000x128xf32> to vector<1000x128xf32>
    %add3A = arith.addf %get3A_3, %get3A_8 : vector<1000x128xf32>
    %get3A_9 = arith.constant 0 : index
    %get3A_10 = arith.constant 0 : index
    %get3A_11 = vector.load %arg2[%get3A_9, %get3A_10] : memref<1000x1xf32, #tpu.memory_space<vmem>>, vector<1000x1xf32>
    %neg3A = arith.constant 0.000000e+00 : f32
    %neg3A_12 = vector.broadcast %neg3A : f32 to vector<1000x1xf32>
    %neg3A_13 = arith.subf %neg3A_12, %get3A_11 : vector<1000x1xf32>
    %mul3A = vector.broadcast %neg3A_13 : vector<1000x1xf32> to vector<1000x128xf32>
    %mul3A_14 = arith.mulf %mul3A, %add3A : vector<1000x128xf32>
    %swap3A = arith.constant 0 : index
    %swap3A_15 = arith.constant 0 : index
    %swap3A_16 = vector.load %arg3[%swap3A, %swap3A_15] : memref<1000x128xf32, #tpu.memory_space<vmem>>, vector<1000x128xf32>
    tpu.vector_store %arg3[%swap3A, %swap3A_15], %mul3A_14 {strides = array<i32>} : memref<1000x128xf32, #tpu.memory_space<vmem>>, vector<1000x128xf32>,
    %mul3A_17 = vector.broadcast %get3A_11 : vector<1000x1xf32> to vector<1000x128xf32>
    %mul3A_18 = arith.mulf %mul3A_17, %mul3A_14 : vector<1000x128xf32>
    %swap3A_19 = arith.constant 0 : index
    %swap3A_20 = arith.constant 0 : index
    %swap3A_21 = vector.load %arg4[%swap3A_19, %swap3A_20] : memref<1000x128xf32, #tpu.memory_space<vmem>>, vector<1000x128xf32>
    tpu.vector_store %arg4[%swap3A_19, %swap3A_20], %mul3A_18 {strides = array<i32>} : memref<1000x128xf32, #tpu.memory_space<vmem>>, vector<1000x128xf32>,
    return
  }
  func.func @transform_0(%arg0: i32) -> (i32, i32, i32) {
    %c0_i32 = arith.constant 0 : i32
    %c0_i32_0 = arith.constant 0 : i32
    %c0_i32_1 = arith.constant 0 : i32
    return %c0_i32, %arg0, %c0_i32_0 : i32, i32, i32
  }
  func.func @transform_1(%arg0: i32) -> (i32, i32) {
    %c0_i32 = arith.constant 0 : i32
    %c0_i32_0 = arith.constant 0 : i32
    return %arg0, %c0_i32 : i32, i32
  }
  func.func @transform_2(%arg0: i32) -> (i32, i32) {
    %c0_i32 = arith.constant 0 : i32
    %c0_i32_0 = arith.constant 0 : i32
    return %arg0, %c0_i32 : i32, i32
  }
  func.func @transform_3(%arg0: i32) -> (i32, i32) {
    %c0_i32 = arith.constant 0 : i32
    %c0_i32_0 = arith.constant 0 : i32
    return %arg0, %c0_i32 : i32, i32
  }
}

module attributes {stable_mosaic.version = 14 : i64} {
  func.func @_final_body(%arg0: i32, %arg1: memref<1000x128xf32, #tpu.memory_space<vmem>>, %arg2: memref<1000x128xf32, #tpu.memory_space<vmem>>, %arg3: memref<2x1000x128xf32, #tpu.memory_space<vmem>>, %arg4: memref<1000x1xf32, #tpu.memory_space<vmem>>, %arg5: memref<384x128xf32, #tpu.memory_space<vmem>>, %arg6: memref<1x128xf32, #tpu.memory_space<vmem>>, %arg7: memref<128x1xf32, #tpu.memory_space<vmem>>, %arg8: memref<1x1xf32, #tpu.memory_space<vmem>>, %arg9: memref<1000x1xf32, #tpu.memory_space<vmem>>) attributes {dimension_semantics = [#tpu.dimension_semantics<arbitrary>], iteration_bounds = array<i64: 10>, scalar_prefetch = 0 : i64, scratch_operands = 0 : i64, tpu.core_type = #tpu.core_type<tc>, window_params = [{transform_indices = @transform_0, window_bounds = array<i64: 1000, 128>}, {transform_indices = @transform_1, window_bounds = array<i64: 1000, 128>}, {transform_indices = @transform_2, window_bounds = array<i64: 2, 1000, 128>}, {transform_indices = @transform_3, window_bounds = array<i64: 1000, 1>}, {pipeline_mode = #tpu.pipeline_mode<synchronous>, transform_indices = @transform_4, window_bounds = array<i64: 384, 128>}, {pipeline_mode = #tpu.pipeline_mode<synchronous>, transform_indices = @transform_5, window_bounds = array<i64: 1, 128>}, {pipeline_mode = #tpu.pipeline_mode<synchronous>, transform_indices = @transform_6, window_bounds = array<i64: 128, 1>}, {pipeline_mode = #tpu.pipeline_mode<synchronous>, transform_indices = @transform_7, window_bounds = array<i64: 1, 1>}, {transform_indices = @transform_8, window_bounds = array<i64: 1000, 1>}]} {
    %get3A = arith.constant 0 : index
    %get3A_0 = arith.constant 0 : index
    %get3A_1 = arith.constant 0 : index
    %get3A_2 = vector.load %arg3[%get3A, %get3A_0, %get3A_1] : memref<2x1000x128xf32, #tpu.memory_space<vmem>>, vector<1x1000x128xf32>
    %get3A_3 = vector.shape_cast %get3A_2 : vector<1x1000x128xf32> to vector<1000x128xf32>
    %get3A_4 = arith.constant 1 : index
    %get3A_5 = arith.constant 0 : index
    %get3A_6 = arith.constant 0 : index
    %get3A_7 = vector.load %arg3[%get3A_4, %get3A_5, %get3A_6] : memref<2x1000x128xf32, #tpu.memory_space<vmem>>, vector<1x1000x128xf32>
    %get3A_8 = vector.shape_cast %get3A_7 : vector<1x1000x128xf32> to vector<1000x128xf32>
    %add3A = arith.addf %get3A_3, %get3A_8 : vector<1000x128xf32>
    %get3A_9 = arith.constant 0 : index
    %get3A_10 = arith.constant 0 : index
    %get3A_11 = vector.load %arg1[%get3A_9, %get3A_10] : memref<1000x128xf32, #tpu.memory_space<vmem>>, vector<1000x128xf32>
    %get3A_12 = arith.constant 0 : index
    %get3A_13 = arith.constant 0 : index
    %get3A_14 = vector.load %arg4[%get3A_12, %get3A_13] : memref<1000x1xf32, #tpu.memory_space<vmem>>, vector<1000x1xf32>
    %mul3A = arith.constant -2.000000e+00 : f32
    %mul3A_15 = vector.broadcast %mul3A : f32 to vector<1000x1xf32>
    %mul3A_16 = arith.mulf %mul3A_15, %get3A_14 : vector<1000x1xf32>
    %mul3A_17 = vector.broadcast %mul3A_16 : vector<1000x1xf32> to vector<1000x128xf32>
    %mul3A_18 = arith.mulf %mul3A_17, %add3A : vector<1000x128xf32>
    %sub3A = arith.subf %mul3A_18, %get3A_11 : vector<1000x128xf32>
    %get3A_19 = arith.constant 0 : index
    %get3A_20 = arith.constant 0 : index
    %get3A_21 = vector.load %arg5[%get3A_19, %get3A_20] : memref<384x128xf32, #tpu.memory_space<vmem>>, vector<128x128xf32>
    %dot_general3A = arith.constant dense<0.000000e+00> : vector<1000x128xf32>
    %dot_general3A_22 = tpu.matmul %get3A_11, %get3A_21, %dot_general3A {dimension_numbers = #tpu.dot_dimension_numbers<[1], [0], [0], [1], [0, 0, 1, 1], [], []>, precision = #tpu.contract_precision<fp32>, transpose_lhs_hint = false} : vector<1000x128xf32>, vector<128x128xf32>, vector<1000x128xf32> -> vector<1000x128xf32>
    %get3A_23 = arith.constant 0 : index
    %get3A_24 = arith.constant 0 : index
    %get3A_25 = vector.load %arg2[%get3A_23, %get3A_24] : memref<1000x128xf32, #tpu.memory_space<vmem>>, vector<1000x128xf32>
    %get3A_26 = arith.constant 128 : index
    %get3A_27 = arith.constant 0 : index
    %get3A_28 = vector.load %arg5[%get3A_26, %get3A_27] : memref<384x128xf32, #tpu.memory_space<vmem>>, vector<128x128xf32>
    %dot_general3A_29 = arith.constant dense<0.000000e+00> : vector<1000x128xf32>
    %dot_general3A_30 = tpu.matmul %get3A_25, %get3A_28, %dot_general3A_29 {dimension_numbers = #tpu.dot_dimension_numbers<[1], [0], [0], [1], [0, 0, 1, 1], [], []>, precision = #tpu.contract_precision<fp32>, transpose_lhs_hint = false} : vector<1000x128xf32>, vector<128x128xf32>, vector<1000x128xf32> -> vector<1000x128xf32>
    %add3A_31 = arith.addf %dot_general3A_22, %dot_general3A_30 : vector<1000x128xf32>
    %get3A_32 = arith.constant 256 : index
    %get3A_33 = arith.constant 0 : index
    %get3A_34 = vector.load %arg5[%get3A_32, %get3A_33] : memref<384x128xf32, #tpu.memory_space<vmem>>, vector<128x128xf32>
    %dot_general3A_35 = arith.constant dense<0.000000e+00> : vector<1000x128xf32>
    %dot_general3A_36 = tpu.matmul %sub3A, %get3A_34, %dot_general3A_35 {dimension_numbers = #tpu.dot_dimension_numbers<[1], [0], [0], [1], [0, 0, 1, 1], [], []>, precision = #tpu.contract_precision<fp32>, transpose_lhs_hint = false} : vector<1000x128xf32>, vector<128x128xf32>, vector<1000x128xf32> -> vector<1000x128xf32>
    %add3A_37 = arith.addf %add3A_31, %dot_general3A_36 : vector<1000x128xf32>
    %get3A_38 = arith.constant 0 : index
    %get3A_39 = arith.constant 0 : index
    %get3A_40 = vector.load %arg6[%get3A_38, %get3A_39] : memref<1x128xf32, #tpu.memory_space<vmem>>, vector<1x128xf32>
    %add3A_41 = vector.broadcast %get3A_40 : vector<1x128xf32> to vector<1000x128xf32>
    %add3A_42 = arith.addf %add3A_37, %add3A_41 : vector<1000x128xf32>
    %max3A = arith.constant 0.000000e+00 : f32
    %max3A_43 = vector.broadcast %max3A : f32 to vector<1000x128xf32>
    %max3A_44 = arith.maximumf %add3A_42, %max3A_43 : vector<1000x128xf32>
    %get3A_45 = arith.constant 0 : index
    %get3A_46 = arith.constant 0 : index
    %get3A_47 = vector.load %arg7[%get3A_45, %get3A_46] : memref<128x1xf32, #tpu.memory_space<vmem>>, vector<128x1xf32>
    %dot_general3A_48 = arith.constant dense<0.000000e+00> : vector<1000x1xf32>
    %dot_general3A_49 = tpu.matmul %max3A_44, %get3A_47, %dot_general3A_48 {dimension_numbers = #tpu.dot_dimension_numbers<[1], [0], [0], [1], [0, 0, 1, 1], [], []>, precision = #tpu.contract_precision<fp32>, transpose_lhs_hint = false} : vector<1000x128xf32>, vector<128x1xf32>, vector<1000x1xf32> -> vector<1000x1xf32>
    %get3A_50 = arith.constant 0 : index
    %get3A_51 = arith.constant 0 : index
    %get3A_52 = vector.load %arg8[%get3A_50, %get3A_51] : memref<1x1xf32, #tpu.memory_space<vmem>>, vector<1x1xf32>
    %add3A_53 = vector.broadcast %get3A_52 : vector<1x1xf32> to vector<1000x1xf32>
    %add3A_54 = arith.addf %dot_general3A_49, %add3A_53 : vector<1000x1xf32>
    %swap3A = arith.constant 0 : index
    %swap3A_55 = arith.constant 0 : index
    %swap3A_56 = vector.load %arg9[%swap3A, %swap3A_55] : memref<1000x1xf32, #tpu.memory_space<vmem>>, vector<1000x1xf32>
    tpu.vector_store %arg9[%swap3A, %swap3A_55], %add3A_54 {strides = array<i32>} : memref<1000x1xf32, #tpu.memory_space<vmem>>, vector<1000x1xf32>,
    return
  }
  func.func @transform_0(%arg0: i32) -> (i32, i32) {
    %c0_i32 = arith.constant 0 : i32
    %c0_i32_0 = arith.constant 0 : i32
    return %arg0, %c0_i32 : i32, i32
  }
  func.func @transform_1(%arg0: i32) -> (i32, i32) {
    %c0_i32 = arith.constant 0 : i32
    %c0_i32_0 = arith.constant 0 : i32
    return %arg0, %c0_i32 : i32, i32
  }
  func.func @transform_2(%arg0: i32) -> (i32, i32, i32) {
    %c0_i32 = arith.constant 0 : i32
    %c0_i32_0 = arith.constant 0 : i32
    %c0_i32_1 = arith.constant 0 : i32
    return %c0_i32, %arg0, %c0_i32_0 : i32, i32, i32
  }
  func.func @transform_3(%arg0: i32) -> (i32, i32) {
    %c0_i32 = arith.constant 0 : i32
    %c0_i32_0 = arith.constant 0 : i32
    return %arg0, %c0_i32 : i32, i32
  }
  func.func @transform_4(%arg0: i32) -> (i32, i32) {
    %c0_i32 = arith.constant 0 : i32
    %c0_i32_0 = arith.constant 0 : i32
    %c0_i32_1 = arith.constant 0 : i32
    return %c0_i32, %c0_i32_0 : i32, i32
  }
  func.func @transform_5(%arg0: i32) -> (i32, i32) {
    %c0_i32 = arith.constant 0 : i32
    %c0_i32_0 = arith.constant 0 : i32
    %c0_i32_1 = arith.constant 0 : i32
    return %c0_i32, %c0_i32_0 : i32, i32
  }
  func.func @transform_6(%arg0: i32) -> (i32, i32) {
    %c0_i32 = arith.constant 0 : i32
    %c0_i32_0 = arith.constant 0 : i32
    %c0_i32_1 = arith.constant 0 : i32
    return %c0_i32, %c0_i32_0 : i32, i32
  }
  func.func @transform_7(%arg0: i32) -> (i32, i32) {
    %c0_i32 = arith.constant 0 : i32
    %c0_i32_0 = arith.constant 0 : i32
    %c0_i32_1 = arith.constant 0 : i32
    return %c0_i32, %c0_i32_0 : i32, i32
  }
  func.func @transform_8(%arg0: i32) -> (i32, i32) {
    %c0_i32 = arith.constant 0 : i32
    %c0_i32_0 = arith.constant 0 : i32
    return %arg0, %c0_i32 : i32, i32
  }
}

</mosaic_0001>

<sc_bundles>
// kernel: kernel.11.cloned.1.call-start
scs
__scs_entry_jumppad:
0x0: {  	(pc) =	sbr.rel $0x88, $3  }
0x1: {  	(tag) =	ssettag $0x0;
	lr =	simm.s32 $0x1  }
0x2: {  	[smem:$0x3F9B] =	sst lr;
	_ =	strace $0xD0000000  }
0x3: {  	_ = 	snop  }
0x4: {  	_ = 	snop  }
0x5: {  	_ = 	snop  }
0x6: {  	_ = 	snop  }
0x7: {  	_ = 	snop  }
__scs_overlays_trampoline_lowered:
0x8: {  	[smem:$0x3FAA] =	sst s0  }
0x9: {  	[smem:$0x3FAB] =	sst s1  }
0xa: {  	[smem:$0x3FAC] =	sst s2  }
0xb: {  	[smem:$0x3FAD] =	sst s3  }
0xc: {  	[smem:$0x3FAE] =	sst s4  }
0xd: {  	[smem:$0x3FAF] =	sst s5  }
0xe: {  	[smem:$0x3FB0] =	sst s6  }
0xf: {  	[smem:$0x3FB1] =	sst s7  }
0x10: {  	[smem:$0x3FB2] =	sst s8  }
0x11: {  	[smem:$0x3FB3] =	sst s9;
	s0 =	simm.s32 @!p0 $0x0  }
0x12: {  	s1 =	sld [smem:$0x3F99];
	s0 =	simm.s32 @p0 $0x1  }
0x13: {  	[smem:$0x3FB4] =	sst s0;
	s0 =	simm.s32 @!p1 $0x0  }
0x14: {  	s2 =	sld [smem:$0x3F98];
	s0 =	simm.s32 @p1 $0x1  }
0x15: {  	[smem:$0x3FB5] =	sst s0;
	s0 =	simm.s32 @!p2 $0x0  }
0x16: {  	s3 =	sld [smem:$0x3FDB];
	s0 =	simm.s32 @p2 $0x1  }
0x17: {  	s4 =	simm.s32 $0x1BF5;
	[smem:$0x3FB7] =	sst s0  }
0x18: {  	s0 =	sld [smem:$0x3F9A];
	_ =	swait.ge [sflag:s4], $0x0  }
0x19: {  	s7 =	sld [smem:$0x3F9B]  }
0x1a: {  	s8 =	sadd.s32 $0xFFFFE003, lr  }
0x1b: {  	s9 =	sadd.s32 $0xFFFFFEF7, lr;
	s5 =	simm.s32 $0xFFFFFFFF;
	p2 =	slt.u32 s8, $0xFFFFF086  }
0x1c: {  	p1 =	slt.u32 s9, $0xF7A;
	s5 =	simm.s32 @!p2 $0x0  }
0x1d: {  	s5 =	simm.s32 @p1 $0x1;
	p0 =	seq.s32 s7, s2  }
0x1e: {  	s7 =	smul.u32 @!p0 $0xF7A, s2;
	p2 =	seq.s32 @!p0 s5, $0x0  }
0x1f: {  	s9 =	smul.u32 $0xF7A, s1;
	s8 =	simm.s32 @!p0 $0x1BF5;
	p2 =	por !p2, p0  }
0x20: {  	[sflag:s8] =	ssyncset.s32 @!p0 $0xFFFFF086;
	s6 =	sadd.s32 @!p0 s3, s7;
	s7 =	simm.s32 @!p0 $0x108  }
0x21: {  	s3 =	sadd.s32 s3, s9;
	s6 =	sadd.s32 @!p0 $0x88, s6;
	s7 =	simm.s32 @p2 $0x1082  }
0x22: {  	[simem:s7], [sflag:s8] =	dma.local @!p0 [hbm:s6], $0xF7A  }
0x23: {  	s9 =	sor.u32 $0xD0000000, s2;
	s6 =	simm.s32 $0x108;
	_ =	swait.ge @!p0 [sflag:s8], $0x0  }
0x24: {  	s3 =	sadd.s32 $0x88, s3;
	s6 =	simm.s32 @!p1 $0x1082;
	[sflag:s4] =	ssyncset.s32 $0xFFFFF086  }
0x25: {  	[simem:s6], [sflag:s4] =	dma.local [hbm:s3], $0xF7A  }
0x26: {  	[smem:$0x3F9B] =	sst s1;
	(tag) =	ssettag s2;
	_ =	strace s9  }
0x27: {  	s1 =	sld [smem:$0x3FAB]  }
0x28: {  	s2 =	sld [smem:$0x3FAC]  }
0x29: {  	s4 =	sld [smem:$0x3FAE]  }
0x2a: {  	p0 =	seq.s32 s5, $0x0;
	s5 =	sld [smem:$0x3FAF]  }
0x2b: {  	s6 =	sld [smem:$0x3FB0]  }
0x2c: {  	s7 =	sld [smem:$0x3FB1]  }
0x2d: {  	s3 =	simm.s32 $0x108;
	s8 =	sld [smem:$0x3FB2]  }
0x2e: {  	s3 =	simm.s32 @!p0 $0x1082;
	s9 =	sld [smem:$0x3FB3]  }
0x2f: {  	lr =	sadd.s32 s0, s3;
	s0 =	sld [smem:$0x3FAA]  }
0x30: {  	s3 =	sld [smem:$0x3FAD]  }
0x31: {  	[smem:$0x3FB6] =	sst s10  }
0x32: {  	s10 =	sld [smem:$0x3FB4];
	_ =	sdelay $0x3  }
0x33: {  	p0 =	seq.s32 s10, $0x1;
	s10 =	sld [smem:$0x3FB6];
	_ =	sdelay $0x3  }
0x34: {  	[smem:$0x3FB6] =	sst s10  }
0x35: {  	s10 =	sld [smem:$0x3FB5];
	_ =	sdelay $0x3  }
0x36: {  	p1 =	seq.s32 s10, $0x1;
	s10 =	sld [smem:$0x3FB6];
	_ =	sdelay $0x3  }
0x37: {  	[smem:$0x3FB6] =	sst s10  }
0x38: {  	s10 =	sld [smem:$0x3FB7]  }
0x39: {  	_ = 	snop;
	(pc) =	sbr.ind lr, $3  }
0x3a: {  	_ = 	snop  }
0x3b: {  	_ = 	snop  }
0x3c: {  	p2 =	seq.s32 s10, $0x1;
	s10 =	sld [smem:$0x3FB6]  }
0x3d: {  	_ =	shalt  }
0x3e: {  	_ =	shalt  }
0x3f: {  	_ =	shalt  }
0x40: {  	_ =	shalt  }
0x41: {  	_ =	shalt  }
0x42: {  	_ =	shalt  }
0x43: {  	_ =	shalt  }
0x44: {  	_ =	shalt  }
0x45: {  	_ =	shalt  }
0x46: {  	_ =	shalt  }
0x47: {  	_ =	shalt  }
0x48: {  	_ =	shalt  }
0x49: {  	_ =	shalt  }
0x4a: {  	_ =	shalt  }
0x4b: {  	_ =	shalt  }
0x4c: {  	_ =	shalt  }
0x4d: {  	_ =	shalt  }
0x4e: {  	_ =	shalt  }
0x4f: {  	_ =	shalt  }
0x50: {  	_ =	shalt  }
0x51: {  	_ =	shalt  }
0x52: {  	_ =	shalt  }
0x53: {  	_ =	shalt  }
0x54: {  	_ =	shalt  }
0x55: {  	_ =	shalt  }
0x56: {  	_ =	shalt  }
0x57: {  	_ =	shalt  }
0x58: {  	_ =	shalt  }
0x59: {  	_ =	shalt  }
0x5a: {  	_ =	shalt  }
0x5b: {  	_ =	shalt  }
0x5c: {  	_ =	shalt  }
0x5d: {  	_ =	shalt  }
0x5e: {  	_ =	shalt  }
0x5f: {  	_ =	shalt  }
0x60: {  	_ =	shalt  }
0x61: {  	_ =	shalt  }
0x62: {  	_ =	shalt  }
0x63: {  	_ =	shalt  }
0x64: {  	_ =	shalt  }
0x65: {  	_ =	shalt  }
0x66: {  	_ =	shalt  }
0x67: {  	_ =	shalt  }
0x68: {  	_ =	shalt  }
0x69: {  	_ =	shalt  }
0x6a: {  	_ =	shalt  }
0x6b: {  	_ =	shalt  }
0x6c: {  	_ =	shalt  }
0x6d: {  	_ =	shalt  }
0x6e: {  	_ =	shalt  }
0x6f: {  	_ =	shalt  }
0x70: {  	_ =	shalt  }
0x71: {  	_ =	shalt  }
0x72: {  	_ =	shalt  }
0x73: {  	_ =	shalt  }
0x74: {  	_ =	shalt  }
0x75: {  	_ =	shalt  }
0x76: {  	_ =	shalt  }
0x77: {  	_ =	shalt  }
0x78: {  	_ =	shalt  }
0x79: {  	_ =	shalt  }
0x7a: {  	_ =	shalt  }
0x7b: {  	_ =	shalt  }
0x7c: {  	_ =	shalt  }
0x7d: {  	_ =	shalt  }
0x7e: {  	_ =	shalt  }
0x7f: {  	_ =	shalt  }
0x80: {  	_ =	shalt  }
0x81: {  	_ =	shalt  }
0x82: {  	_ =	shalt  }
0x83: {  	_ =	shalt  }
0x84: {  	_ =	shalt  }
0x85: {  	_ =	shalt  }
0x86: {  	_ =	shalt  }
0x87: {  	_ =	shalt  }
.Lfunc_end0:
.L_simem_size_0:
called_computation.1_lowered:
.L_overlay_start_0:
0x88: {  	s2 =	sld [smem:$0x3FD9]  }
0x89: {  	s3 =	sld [smem:$0x3FFE];
	_ =	sdelay $0x1  }
0x8a: {  	s1 =	srdreg.scid  }
0x8b: {  	s0 =	sand.u32 $0x1, s1  }
0x8c: {  	s16 =	sshll.u32 s0, $0xA;
	s2 =	sadd.s32 s3, s2  }
0x8d: {  	s2 =	sadd.s32 s2, s16  }
0x8e: {  	[smem:$0x3FC2] =	sst s2  }
0x8f: {  	_ = 	snop  }
0x90: {  	(tm) =	ssettm $0x1  }
0x91: {  	s17 =	sld [smem:$0x3FFB];
	_ =	sdelay $0x3  }
0x92: {  	_ =	strace s17  }
0x93: {  	s2 =	sld [smem:$0x3FFC];
	_ =	sdelay $0x3  }
0x94: {  	_ =	strace s2  }
0x95: {  	s2 =	sld [smem:$0x3FFD];
	_ =	sdelay $0x3  }
0x96: {  	_ =	strace s2  }
0x97: {  	_ =	strace $0x8FFFFFFF  }
0x98: {  	s18 =	sld [smem:$0x3FDB];
	_ =	sdelay $0x1  }
0x99: {  	s19 =	simm.s32 $_scs_section_size  }
0x9a: {  	s4 =	simm.s32 $_size__tile_overlayer_lowered;
	s5 =	simm.s32 $_tile_overlayer_lowered  }
0x9b: {  	s22 =	simm.s32 $0x1BFF;
	s21 =	sshll.u32 s5, $0x1;
	s2 =	sadd.s32 s19, s18  }
0x9c: {  	s6 =	simm.s32 $0x0;
	s20 =	sshll.u32 s4, $0x1;
	s4 =	sadd.s32 s21, s2  }
0x9d: {  	[timem:s6], [sflag:s22] =	dma.local [hbm:s4], s20  }
0x9e: {  	_ =	swait.ge [sflag:s22], s20  }
0x9f: {  	s3 =	ssub.s32 $0x0, s20;
	[sflag:s22] =	ssyncset.done $0x0  }
0xa0: {  	[sflag:s22] =	ssyncadd.s32 s3;
	_ =	sdelay $0x1  }
0xa1: {  	s23 =	simm.s32 $0x1B8B  }
0xa2: {  	_ =	swait.ge [sflag:s23], $0x1  }
0xa3: {  	[sflag:s23] =	ssyncset.done $0x0  }
0xa4: {  	s25 =	simm.s32 $0x1B8E;
	s24 =	sld [smem:$0x3FFE];
	[sflag:s23] =	ssyncadd.s32 $0xFFFFFFFF  }
0xa5: {  	s26 =	simm.s32 $execute0_lowered;
	[smem:$0x3FD2] =	sst s25  }
0xa6: {  	s4 =	sshll.u32 s26, $0x1;
	_ =	strace $0x80000049;
	[dreg:$0x1] =	wrdreg $0xFFFFFFFF  }
0xa7: {  	s28 =	simm.s32 $_size_execute0_lowered;
	s2 =	sadd.s32 s2, s4;
	[dreg:$0x0] =	wrdreg $0x0  }
0xa8: {  	s4 =	sshll.u32 s28, $0x1;
	[dreg:$0x2] =	wrdreg s2  }
0xa9: {  	[dreg:$0x3] =	wrdreg s4  }
0xaa: {  	[dreg:$0x4] =	wrdreg $0xC0  }
0xab: {  	_ =	task [dreg:s6], $0x5FFFF  }
0xac: {  	[dreg:$0x1] =	wrdreg $0xFFFFFFFF  }
0xad: {  	[dreg:$0x0] =	wrdreg $0x60  }
0xae: {  	[dreg:$0x2] =	wrdreg s24  }
0xaf: {  	[dreg:$0x3] =	wrdreg $0xC3000  }
0xb0: {  	[dreg:$0x4] =	wrdreg $0x9  }
0xb1: {  	_ =	task.clear_ibuf [dreg:s6], $0x5FFFF;
	_ =	strace $0x90000049  }
0xb2: {  	s29 =	simm.s32 $0x9;
	_ =	strace $0x8000004B  }
0xb3: {  	_ =	swait.ge [sflag:s29], $0x1  }
0xb4: {  	[sflag:s29] =	ssyncadd.s32 $0xFFFFFFFF  }
0xb5: {  	_ =	strace $0x9000004B  }
0xb6: {  	_ =	sfence  }
0xb7: {  	s30 =	sld [smem:$0x0];
	_ =	sdelay $0x2  }
0xb8: {  	s31 =	sshll.u32 s1, $0xD;
	s1 =	sshrl.u32 s1, $0x2  }
0xb9: {  	s3 =	sand.u32 $0x4000, s31;
	s1 =	sadd.s32 s1, s30  }
0xba: {  	s0 =	sor.u32 s3, s0;
	s1 =	sshll.u32 s1, $0x11  }
0xbb: {  	s0 =	sor.u32 s1, s0  }
0xbc: {  	s0 =	sadd.s32 $0x8F2B, s0  }
0xbd: {  	[sflag:s0] =	ssyncadd.remote.s32 $0x1  }
0xbe: {  	_ =	sfence.sel $0xFFFF  }
0xbf: {  	[dreg:$0x0] =	wrdreg $0xFFFFFFFF;
	(pc) =	sbr.abs _section_cstart, $3  }
0xc0: {  	[dreg:$0x1] =	wrdreg $0xFFFFFFFF  }
0xc1: {  	_ =	task.clear_ibuf [dreg:s6], $0x2FFFF;
	_ =	strace $0x9FFFFFFF  }
0xc2: {  	(tm) =	ssettm $0x7FFFFFFF  }
0xc3: {  	_ =	shalt  }
tec
execute0_lowered:
.L_overlay_start_1:
0x0: {  	(tag) =	ssettag $0x1  }
0x1: {  	s0 =	rddreg [dreg:$0x0]  }
0x2: {  	s1 =	rddreg [dreg:$0x1];
	s2 =	simm.s32 $0x0  }
0x3: {  	s3 =	srdreg.scid;
	s14 =	stileid.u32;
	s28 =	simm.s32 $0x100  }
0x4: {  	s29 =	simm.s32 $0x200;
	s30 =	simm.s32 $0x1;
	s31 =	simm.s32 $0x80  }
0x5: {  	[smem:$0x7FF] =	sst s2;
	s4 =	sadd.s32 $0x20600, s0;
	s8 =	sadd.s32 $0xC600, s0  }
0x6: {  	s3 =	sand.u32 $0x1, s3;
	s0 =	sadd.s32 $0x47800, s0;
	s9 =	smul.u32 $0x278, s14  }
0x7: {  	s7 =	sshll.u32 s14, $0x1;
	s10 =	smul.u32 $0x4F000, s14;
	_ =	strace $0x8000004A  }
0x8: {  	s5 =	ssub.s32 $0x2, s3;
	s19 =	sor.u32 s3, s7;
	s12 =	smul.u32 $0x2780, s3  }
0x9: {  	s3 =	smul.u32 $0x50, s3;
	s6 =	sshrl.u32 s5, $0x1;
	s20 =	sshrl.u32 s10, $0x2  }
0xa: {  	s21 =	sadd.s32 $0x200, s9;
	s22 =	smul.u32 $0xA00, s19;
	s17 =	sadd.s32 $0x80, s9  }
0xb: {  	s11 =	ssub.s32 s5, s6;
	s5 =	sadd.s32 s20, s1;
	s23 =	sshll.u32 s21, $0x7  }
0xc: {  	s13 =	sadd.s32 s12, s21;
	s15 =	sadd.s32 s12, s9;
	s19 =	sadd.s32 s12, s17  }
0xd: {  	s20 =	sadd.s32 $0x100, s9;
	s9 =	sadd.s32 $0x180, s9;
	s6 =	sadd.s32 s23, s1  }
0xe: {  	s7 =	sadd.s32 s8, s22;
	s24 =	sshll.u32 s13, $0x4;
	s11 =	smax.u32 s11, $0x1  }
0xf: {  	s13 =	sadd.s32 $0x4000, s5;
	s16 =	sadd.s32 $0x8000, s5;
	s18 =	sadd.s32 $0xC000, s5  }
0x10: {  	s21 =	sshll.u32 s20, $0x7;
	s22 =	sadd.s32 s12, s20;
	[dreg:$0x6] =	wrdreg s11  }
0x11: {  	s23 =	smul.u32 $0xA0, s14;
	s14 =	simm.s32 $0x280;
	[dreg:$0x7] =	wrdreg s13  }
0x12: {  	s25 =	sadd.s32 $0x20, s7;
	s26 =	sadd.s32 $0x40, s7;
	[dreg:$0x8] =	wrdreg s16  }
0x13: {  	s10 =	sadd.s32 s0, s24;
	[dreg:$0x9] =	wrdreg s18;
	s11 =	sshll.u32 s17, $0x7  }
0x14: {  	s24 =	sadd.s32 s12, s9;
	s9 =	sshll.u32 s9, $0x7;
	[dreg:$0x3] =	wrdreg s25  }
0x15: {  	s12 =	simm.s32 $0x180;
	s13 =	simm.s32 $0x6;
	[dreg:$0x4] =	wrdreg s26  }
0x16: {  	[dreg:$0x5] =	wrdreg s10;
	s10 =	sshll.u32 s15, $0x4;
	s11 =	sadd.s32 s11, s1  }
0x17: {  	s20 =	sadd.s32 s9, s1;
	s25 =	sshll.u32 s24, $0x4;
	s3 =	sadd.s32 s3, s23  }
0x18: {  	s23 =	sadd.s32 $0x9E0, s7;
	s9 =	simm.s32 $0x3;
	s15 =	simm.s32 $0x0  }
0x19: {  	s10 =	sadd.s32 s0, s10;
	[dreg:$0xb] =	wrdreg s11;
	s26 =	sshll.u32 s3, $0x5  }
0x1a: {  	s3 =	simm.s32 $0x4300;
	[dreg:$0xa] =	wrdreg s10;
	s10 =	sshll.u32 s19, $0x4  }
0x1b: {  	s11 =	simm.s32 $0x5;
	s24 =	sadd.s32 s26, s8;
	s10 =	sadd.s32 s0, s10  }
0x1c: {  	s26 =	simm.s32 $0x7;
	s8 =	simm.s32 $0x4;
	[dreg:$0xc] =	wrdreg s10  }
0x1d: {  	s10 =	sadd.s32 s21, s1;
	s21 =	sadd.s32 s0, s25;
	s25 =	simm.s32 $0x300  }
0x1e: {  	[dreg:$0xd] =	wrdreg s10;
	s10 =	sshll.u32 s22, $0x4;
	s22 =	sadd.s32 $0x9C0, s7  }
0x1f: {  	v0 =	vimm.f32 $0.0e+00;
	s19 =	sadd.s32 s0, s10;
	s0 =	simm.s32 $0x2;
	s10 =	simm.s32 $0x8300  }
.LBB2_1:
0x20: {  	s16 =	simm.s32 $0x0;
	s17 =	simm.s32 $0x200  }
.LBB2_2:
0x21: {  	p0 =	sne.s32 s17, $0xFE00;
	[tilespmem:s16+$0x370] =	vst v0  }
0x22: {  	[tilespmem:s16+$0x300] =	vst v0  }
0x23: {  	[tilespmem:s16+$0x310] =	vst v0  }
.Ltmp0:
0x24: {  	[tilespmem:s16+$0x320] =	vst v0;
	(pc) =	sbr.rel @p0 .LBB2_2-.Ltmp0, $4  }
0x25: {  	[tilespmem:s16+$0x330] =	vst v0  }
0x26: {  	[tilespmem:s16+$0x340] =	vst v0  }
0x27: {  	[tilespmem:s16+$0x350] =	vst v0  }
0x28: {  	[tilespmem:s16+$0x360] =	vst v0;
	s16 =	sshra.s32 s17, $0x2;
	s17 =	sadd.s32 $0x200, s17  }
0x29: {  	[tilespmem:s16+$0x370] =	vst v0  }
0x2a: {  	[tilespmem:s16+$0x300] =	vst v0  }
0x2b: {  	[tilespmem:s16+$0x310] =	vst v0  }
0x2c: {  	[tilespmem:s16+$0x320] =	vst v0  }
0x2d: {  	[tilespmem:s16+$0x330] =	vst v0  }
0x2e: {  	[tilespmem:s16+$0x340] =	vst v0  }
0x2f: {  	[tilespmem:s16+$0x350] =	vst v0  }
0x30: {  	[tilespmem:s16+$0x360] =	vst v0  }
0x31: {  	[spmem:s5] =	stream.linear.scatter [tilespmem:s25], [sflag:$0x7], $0x4000, $0x38;
	[tilespmem:$0x1FF00] =	vst v63  }
0x32: {  	_ =	swait.ge [sflag:s26], $0x4000  }
0x33: {  	[sflag:s26] =	ssyncset.done $0x0  }
0x34: {  	s17 =	rddreg [dreg:$0x7];
	[sflag:s26] =	ssyncadd.s32 $0xFFFFC000  }
0x35: {  	[spmem:s17] =	stream.linear.scatter [tilespmem:s25], [sflag:$0x7], $0x4000, $0x38;
	[tilespmem:$0x1FF00] =	vst v63  }
0x36: {  	_ =	swait.ge [sflag:s26], $0x4000  }
0x37: {  	[sflag:s26] =	ssyncset.done $0x0  }
0x38: {  	s18 =	rddreg [dreg:$0x8];
	[sflag:s26] =	ssyncadd.s32 $0xFFFFC000  }
0x39: {  	[spmem:s18] =	stream.linear.scatter [tilespmem:s25], [sflag:$0x7], $0x4000, $0x38;
	[tilespmem:$0x1FF00] =	vst v63  }
0x3a: {  	_ =	swait.ge [sflag:s26], $0x4000  }
0x3b: {  	[sflag:s26] =	ssyncset.done $0x0  }
0x3c: {  	s17 =	rddreg [dreg:$0x9];
	[sflag:s26] =	ssyncadd.s32 $0xFFFFC000  }
0x3d: {  	[spmem:s17] =	stream.linear.scatter [tilespmem:s25], [sflag:$0x7], $0x4000, $0x38;
	[tilespmem:$0x1FF00] =	vst v63  }
0x3e: {  	_ =	swait.ge [sflag:s26], $0x4000  }
0x3f: {  	[sflag:s26] =	ssyncset.done $0x0  }
0x40: {  	[sflag:s26] =	ssyncadd.s32 $0xFFFFC000  }
0x41: {  	[spmem:s6] =	stream.linear.scatter [tilespmem:s25], [sflag:$0x7], $0x3C00, $0x38;
	[tilespmem:$0x1FF00] =	vst v63  }
0x42: {  	_ =	swait.ge [sflag:s26], $0x3C00  }
0x43: {  	[sflag:s26] =	ssyncset.done $0x0  }
0x44: {  	[sflag:s26] =	ssyncadd.s32 $0xFFFFC400  }
0x45: {  	[bflag:$0x0] =	sbarrier.arrive $0xFFFF  }
0x46: {  	[tilespmem:s2], [sflag:$0x1] =	stream.linear.gather [hbm4b:s7+s2], $0x100, $0x38;
	[tilespmem:$0x1FF00] =	vst v63  }
0x47: {  	s18 =	rddreg [dreg:$0x3]  }
0x48: {  	[tilespmem:s28], [sflag:$0x2] =	stream.linear.gather [hbm4b:s18+s2], $0x100, $0x38;
	[tilespmem:$0x1FF00] =	vst v63  }
0x49: {  	s17 =	rddreg [dreg:$0x4]  }
0x4a: {  	[tilespmem:s29], [sflag:$0x3] =	stream.linear.gather [hbm4b:s17+s2], $0x100, $0x38;
	[tilespmem:$0x1FF00] =	vst v63  }
0x4b: {  	_ =	swait.ge [sflag:s30], $0x100  }
0x4c: {  	[sflag:s30] =	ssyncset.done $0x0  }
0x4d: {  	[sflag:s30] =	ssyncadd.s32 $0xFFFFFF00  }
0x4e: {  	[tilespmem:s25], [sflag:$0x4] =	stream.indirect.gather [hbm4b:s4+s31], $0x80, s2, s31, $0xb8;
	[tilespmem:$0x1FF00] =	vst v63  }
0x4f: {  	_ =	swait.ge [sflag:s0], $0x100  }
0x50: {  	[sflag:s0] =	ssyncset.done $0x0  }
0x51: {  	[sflag:s0] =	ssyncadd.s32 $0xFFFFFF00  }
0x52: {  	[tilespmem:s3], [sflag:$0x5] =	stream.indirect.gather [hbm4b:s4+s31], $0x80, s28, s31, $0xb8;
	[tilespmem:$0x1FF00] =	vst v63  }
0x53: {  	_ =	swait.ge [sflag:s8], $0x4000  }
0x54: {  	[sflag:s8] =	ssyncset.done $0x0  }
0x55: {  	[sflag:s8] =	ssyncadd.s32 $0xFFFFC000  }
0x56: {  	[spmem:s1] =	stream.indirect.scatter.add.f32 [tilespmem:s25], [sflag:$0x7], $0x80, s31, s31, $0xb8;
	[tilespmem:$0x1FF00] =	vst v63  }
0x57: {  	_ =	swait.ge [sflag:s26], $0x4000  }
0x58: {  	s16 =	sadd.s32 $0xFFFFF6A0, s24;
	[sflag:s26] =	ssyncset.done $0x0  }
0x59: {  	s17 =	sadd.s32 $0x9C0, s16;
	[sflag:s26] =	ssyncadd.s32 $0xFFFFC000  }
0x5a: {  	[tilespmem:s2], [sflag:$0x1] =	stream.linear.gather [hbm4b:s17+s2], $0x100, $0x38;
	[tilespmem:$0x1FF00] =	vst v63  }
0x5b: {  	_ =	swait.ge [sflag:s9], $0x100  }
0x5c: {  	[sflag:s9] =	ssyncset.done $0x0  }
0x5d: {  	[sflag:s9] =	ssyncadd.s32 $0xFFFFFF00  }
0x5e: {  	[tilespmem:s10], [sflag:$0x6] =	stream.indirect.gather [hbm4b:s4+s31], $0x80, s29, s31, $0xb8;
	[tilespmem:$0x1FF00] =	vst v63  }
0x5f: {  	_ =	swait.ge [sflag:s11], $0x4000  }
0x60: {  	[sflag:s11] =	ssyncset.done $0x0  }
0x61: {  	[sflag:s11] =	ssyncadd.s32 $0xFFFFC000  }
0x62: {  	[spmem:s1] =	stream.indirect.scatter.add.f32 [tilespmem:s3], [sflag:$0x7], $0x80, s12, s31, $0xb8;
	[tilespmem:$0x1FF00] =	vst v63  }
0x63: {  	_ =	swait.ge [sflag:s26], $0x4000  }
0x64: {  	[sflag:s26] =	ssyncset.done $0x0  }
0x65: {  	s18 =	sadd.s32 $0x9E0, s16;
	[sflag:s26] =	ssyncadd.s32 $0xFFFFC000  }
0x66: {  	[tilespmem:s28], [sflag:$0x2] =	stream.linear.gather [hbm4b:s18+s2], $0x100, $0x38;
	[tilespmem:$0x1FF00] =	vst v63  }
0x67: {  	_ =	swait.ge [sflag:s30], $0x100  }
0x68: {  	[sflag:s30] =	ssyncset.done $0x0  }
0x69: {  	[sflag:s30] =	ssyncadd.s32 $0xFFFFFF00  }
0x6a: {  	[tilespmem:s25], [sflag:$0x4] =	stream.indirect.gather [hbm4b:s4+s31], $0x80, s2, s31, $0xb8;
	[tilespmem:$0x1FF00] =	vst v63  }
0x6b: {  	_ =	swait.ge [sflag:s13], $0x4000  }
0x6c: {  	[sflag:s13] =	ssyncset.done $0x0  }
0x6d: {  	[sflag:s13] =	ssyncadd.s32 $0xFFFFC000  }
0x6e: {  	[spmem:s1] =	stream.indirect.scatter.add.f32 [tilespmem:s10], [sflag:$0x7], $0x80, s14, s31, $0xb8;
	[tilespmem:$0x1FF00] =	vst v63  }
0x6f: {  	_ =	swait.ge [sflag:s26], $0x4000  }
0x70: {  	[sflag:s26] =	ssyncset.done $0x0  }
0x71: {  	s16 =	sadd.s32 $0xA00, s16;
	[sflag:s26] =	ssyncadd.s32 $0xFFFFC000  }
0x72: {  	[tilespmem:s29], [sflag:$0x3] =	stream.linear.gather [hbm4b:s16+s2], $0x100, $0x38;
	[tilespmem:$0x1FF00] =	vst v63  }
0x73: {  	_ =	swait.ge [sflag:s0], $0x100  }
0x74: {  	[sflag:s0] =	ssyncset.done $0x0  }
0x75: {  	s16 =	simm.s32 $0xFFFFF700;
	[sflag:s0] =	ssyncadd.s32 $0xFFFFFF00  }
.LBB2_4:
0x76: {  	[tilespmem:s3], [sflag:$0x5] =	stream.indirect.gather [hbm4b:s4+s31], $0x80, s28, s31, $0xb8;
	[tilespmem:$0x1FF00] =	vst v63  }
0x77: {  	s17 =	smov.u32 s16  }
0x78: {  	p0 =	sne.s32 s16, $0xFFFFFFA0;
	s16 =	sadd.s32 $0x60, s16;
	_ =	swait.ge [sflag:s8], $0x4000  }
0x79: {  	[sflag:s8] =	ssyncset.done $0x0  }
0x7a: {  	[sflag:s8] =	ssyncadd.s32 $0xFFFFC000  }
0x7b: {  	[spmem:s1] =	stream.indirect.scatter.add.f32 [tilespmem:s25], [sflag:$0x7], $0x80, s31, s31, $0xb8;
	[tilespmem:$0x1FF00] =	vst v63  }
0x7c: {  	_ =	swait.ge [sflag:s26], $0x4000  }
0x7d: {  	s17 =	sadd.s32 s17, s24;
	[sflag:s26] =	ssyncset.done $0x0  }
0x7e: {  	s18 =	sadd.s32 $0x9C0, s17;
	[sflag:s26] =	ssyncadd.s32 $0xFFFFC000  }
0x7f: {  	[tilespmem:s2], [sflag:$0x1] =	stream.linear.gather [hbm4b:s18+s2], $0x100, $0x38;
	[tilespmem:$0x1FF00] =	vst v63  }
0x80: {  	_ =	swait.ge [sflag:s9], $0x100  }
0x81: {  	[sflag:s9] =	ssyncset.done $0x0  }
0x82: {  	[sflag:s9] =	ssyncadd.s32 $0xFFFFFF00  }
0x83: {  	[tilespmem:s10], [sflag:$0x6] =	stream.indirect.gather [hbm4b:s4+s31], $0x80, s29, s31, $0xb8;
	[tilespmem:$0x1FF00] =	vst v63  }
0x84: {  	_ =	swait.ge [sflag:s11], $0x4000  }
0x85: {  	[sflag:s11] =	ssyncset.done $0x0  }
0x86: {  	[sflag:s11] =	ssyncadd.s32 $0xFFFFC000  }
0x87: {  	[spmem:s1] =	stream.indirect.scatter.add.f32 [tilespmem:s3], [sflag:$0x7], $0x80, s12, s31, $0xb8;
	[tilespmem:$0x1FF00] =	vst v63  }
0x88: {  	_ =	swait.ge [sflag:s26], $0x4000  }
0x89: {  	[sflag:s26] =	ssyncset.done $0x0  }
0x8a: {  	s18 =	sadd.s32 $0x9E0, s17;
	[sflag:s26] =	ssyncadd.s32 $0xFFFFC000  }
0x8b: {  	[tilespmem:s28], [sflag:$0x2] =	stream.linear.gather [hbm4b:s18+s2], $0x100, $0x38;
	[tilespmem:$0x1FF00] =	vst v63  }
0x8c: {  	_ =	swait.ge [sflag:s30], $0x100  }
0x8d: {  	[sflag:s30] =	ssyncset.done $0x0  }
0x8e: {  	[sflag:s30] =	ssyncadd.s32 $0xFFFFFF00  }
0x8f: {  	[tilespmem:s25], [sflag:$0x4] =	stream.indirect.gather [hbm4b:s4+s31], $0x80, s2, s31, $0xb8;
	[tilespmem:$0x1FF00] =	vst v63  }
0x90: {  	_ =	swait.ge [sflag:s13], $0x4000  }
0x91: {  	[sflag:s13] =	ssyncset.done $0x0  }
0x92: {  	[sflag:s13] =	ssyncadd.s32 $0xFFFFC000  }
0x93: {  	[spmem:s1] =	stream.indirect.scatter.add.f32 [tilespmem:s10], [sflag:$0x7], $0x80, s14, s31, $0xb8;
	[tilespmem:$0x1FF00] =	vst v63  }
0x94: {  	_ =	swait.ge [sflag:s26], $0x4000  }
0x95: {  	[sflag:s26] =	ssyncset.done $0x0  }
.Ltmp1:
0x96: {  	s17 =	sadd.s32 $0xA00, s17;
	[sflag:s26] =	ssyncadd.s32 $0xFFFFC000;
	(pc) =	sbr.rel @p0 .LBB2_4-.Ltmp1, $4  }
0x97: {  	[tilespmem:s29], [sflag:$0x3] =	stream.linear.gather [hbm4b:s17+s2], $0x100, $0x38;
	[tilespmem:$0x1FF00] =	vst v63  }
0x98: {  	_ =	swait.ge [sflag:s0], $0x100  }
0x99: {  	[sflag:s0] =	ssyncset.done $0x0  }
0x9a: {  	[sflag:s0] =	ssyncadd.s32 $0xFFFFFF00  }
0x9b: {  	[tilespmem:s3], [sflag:$0x5] =	stream.indirect.gather [hbm4b:s4+s31], $0x80, s28, s31, $0xb8;
	[tilespmem:$0x1FF00] =	vst v63  }
0x9c: {  	_ =	swait.ge [sflag:s8], $0x4000  }
0x9d: {  	[sflag:s8] =	ssyncset.done $0x0  }
0x9e: {  	[sflag:s8] =	ssyncadd.s32 $0xFFFFC000  }
0x9f: {  	[spmem:s1] =	stream.indirect.scatter.add.f32 [tilespmem:s25], [sflag:$0x7], $0x80, s31, s31, $0xb8;
	[tilespmem:$0x1FF00] =	vst v63  }
0xa0: {  	_ =	swait.ge [sflag:s26], $0x4000  }
0xa1: {  	[sflag:s26] =	ssyncset.done $0x0  }
0xa2: {  	[sflag:s26] =	ssyncadd.s32 $0xFFFFC000  }
0xa3: {  	[tilespmem:s2], [sflag:$0x1] =	stream.linear.gather [hbm4b:s22+s2], $0x100, $0x38;
	[tilespmem:$0x1FF00] =	vst v63  }
0xa4: {  	_ =	swait.ge [sflag:s9], $0x100  }
0xa5: {  	[sflag:s9] =	ssyncset.done $0x0  }
0xa6: {  	[sflag:s9] =	ssyncadd.s32 $0xFFFFFF00  }
0xa7: {  	[tilespmem:s10], [sflag:$0x6] =	stream.indirect.gather [hbm4b:s4+s31], $0x80, s29, s31, $0xb8;
	[tilespmem:$0x1FF00] =	vst v63  }
0xa8: {  	_ =	swait.ge [sflag:s11], $0x4000  }
0xa9: {  	[sflag:s11] =	ssyncset.done $0x0  }
0xaa: {  	[sflag:s11] =	ssyncadd.s32 $0xFFFFC000  }
0xab: {  	[spmem:s1] =	stream.indirect.scatter.add.f32 [tilespmem:s3], [sflag:$0x7], $0x80, s12, s31, $0xb8;
	[tilespmem:$0x1FF00] =	vst v63  }
0xac: {  	_ =	swait.ge [sflag:s26], $0x4000  }
0xad: {  	[sflag:s26] =	ssyncset.done $0x0  }
0xae: {  	[sflag:s26] =	ssyncadd.s32 $0xFFFFC000  }
0xaf: {  	[tilespmem:s28], [sflag:$0x2] =	stream.linear.gather [hbm4b:s23+s2], $0x100, $0x38;
	[tilespmem:$0x1FF00] =	vst v63  }
0xb0: {  	_ =	swait.ge [sflag:s30], $0x100  }
0xb1: {  	[sflag:s30] =	ssyncset.done $0x0  }
0xb2: {  	[sflag:s30] =	ssyncadd.s32 $0xFFFFFF00  }
0xb3: {  	[tilespmem:s25], [sflag:$0x4] =	stream.indirect.gather [hbm4b:s4+s31], $0x80, s2, s31, $0xb8;
	[tilespmem:$0x1FF00] =	vst v63  }
0xb4: {  	_ =	swait.ge [sflag:s13], $0x4000  }
0xb5: {  	[sflag:s13] =	ssyncset.done $0x0  }
0xb6: {  	[sflag:s13] =	ssyncadd.s32 $0xFFFFC000  }
0xb7: {  	[spmem:s1] =	stream.indirect.scatter.add.f32 [tilespmem:s10], [sflag:$0x7], $0x80, s14, s31, $0xb8;
	[tilespmem:$0x1FF00] =	vst v63  }
0xb8: {  	_ =	swait.ge [sflag:s26], $0x4000  }
0xb9: {  	[sflag:s26] =	ssyncset.done $0x0  }
0xba: {  	[sflag:s26] =	ssyncadd.s32 $0xFFFFC000  }
0xbb: {  	_ =	swait.ge [sflag:s0], $0x100  }
0xbc: {  	[sflag:s0] =	ssyncset.done $0x0  }
0xbd: {  	[sflag:s0] =	ssyncadd.s32 $0xFFFFFF00  }
0xbe: {  	[tilespmem:s3], [sflag:$0x5] =	stream.indirect.gather [hbm4b:s4+s31], $0x80, s28, s31, $0xb8;
	[tilespmem:$0x1FF00] =	vst v63  }
0xbf: {  	_ =	swait.ge [sflag:s8], $0x4000  }
0xc0: {  	[sflag:s8] =	ssyncset.done $0x0  }
0xc1: {  	[sflag:s8] =	ssyncadd.s32 $0xFFFFC000  }
0xc2: {  	[spmem:s1] =	stream.indirect.scatter.add.f32 [tilespmem:s25], [sflag:$0x7], $0x80, s31, s31, $0xb8;
	[tilespmem:$0x1FF00] =	vst v63  }
0xc3: {  	_ =	swait.ge [sflag:s26], $0x4000  }
0xc4: {  	[sflag:s26] =	ssyncset.done $0x0  }
0xc5: {  	[sflag:s26] =	ssyncadd.s32 $0xFFFFC000  }
0xc6: {  	_ =	swait.ge [sflag:s11], $0x4000  }
0xc7: {  	[sflag:s11] =	ssyncset.done $0x0  }
0xc8: {  	[sflag:s11] =	ssyncadd.s32 $0xFFFFC000  }
0xc9: {  	[spmem:s1] =	stream.indirect.scatter.add.f32 [tilespmem:s3], [sflag:$0x7], $0x80, s12, s31, $0xb8;
	[tilespmem:$0x1FF00] =	vst v63  }
0xca: {  	_ =	swait.ge [sflag:s26], $0x4000  }
0xcb: {  	[sflag:s26] =	ssyncset.done $0x0  }
0xcc: {  	[sflag:s26] =	ssyncadd.s32 $0xFFFFC000  }
0xcd: {  	[bflag:$0x0] =	sbarrier.arrive $0xFFFF  }
0xce: {  	[tilespmem:s25], [sflag:$0x7] =	stream.linear.gather [spmem:s5], $0x4000, $0x38;
	[tilespmem:$0x1FF00] =	vst v63  }
0xcf: {  	_ =	swait.ge [sflag:s26], $0x4000  }
0xd0: {  	[sflag:s26] =	ssyncset.done $0x0  }
0xd1: {  	s16 =	rddreg [dreg:$0xa];
	[sflag:s26] =	ssyncadd.s32 $0xFFFFC000  }
0xd2: {  	[hbm4b:s16+s2] =	stream.linear.scatter [tilespmem:s25], [sflag:$0x7], $0x4000, $0x38;
	[tilespmem:$0x1FF00] =	vst v63  }
0xd3: {  	_ =	swait.ge [sflag:s26], $0x4000  }
0xd4: {  	[sflag:s26] =	ssyncset.done $0x0  }
0xd5: {  	s18 =	rddreg [dreg:$0xb];
	[sflag:s26] =	ssyncadd.s32 $0xFFFFC000  }
0xd6: {  	[tilespmem:s25], [sflag:$0x7] =	stream.linear.gather [spmem:s18], $0x4000, $0x38;
	[tilespmem:$0x1FF00] =	vst v63  }
0xd7: {  	_ =	swait.ge [sflag:s26], $0x4000  }
0xd8: {  	[sflag:s26] =	ssyncset.done $0x0  }
0xd9: {  	s17 =	rddreg [dreg:$0xc];
	[sflag:s26] =	ssyncadd.s32 $0xFFFFC000  }
0xda: {  	[hbm4b:s17+s2] =	stream.linear.scatter [tilespmem:s25], [sflag:$0x7], $0x4000, $0x38;
	[tilespmem:$0x1FF00] =	vst v63  }
0xdb: {  	_ =	swait.ge [sflag:s26], $0x4000  }
0xdc: {  	[sflag:s26] =	ssyncset.done $0x0  }
0xdd: {  	s18 =	rddreg [dreg:$0xd];
	[sflag:s26] =	ssyncadd.s32 $0xFFFFC000  }
0xde: {  	[tilespmem:s25], [sflag:$0x7] =	stream.linear.gather [spmem:s18], $0x4000, $0x38;
	[tilespmem:$0x1FF00] =	vst v63  }
0xdf: {  	_ =	swait.ge [sflag:s26], $0x4000  }
0xe0: {  	[sflag:s26] =	ssyncset.done $0x0  }
0xe1: {  	[sflag:s26] =	ssyncadd.s32 $0xFFFFC000  }
0xe2: {  	[hbm4b:s19+s2] =	stream.linear.scatter [tilespmem:s25], [sflag:$0x7], $0x4000, $0x38;
	[tilespmem:$0x1FF00] =	vst v63  }
0xe3: {  	_ =	swait.ge [sflag:s26], $0x4000  }
0xe4: {  	[sflag:s26] =	ssyncset.done $0x0  }
0xe5: {  	[sflag:s26] =	ssyncadd.s32 $0xFFFFC000  }
0xe6: {  	[tilespmem:s25], [sflag:$0x7] =	stream.linear.gather [spmem:s20], $0x4000, $0x38;
	[tilespmem:$0x1FF00] =	vst v63  }
0xe7: {  	_ =	swait.ge [sflag:s26], $0x4000  }
0xe8: {  	[sflag:s26] =	ssyncset.done $0x0  }
0xe9: {  	[sflag:s26] =	ssyncadd.s32 $0xFFFFC000  }
0xea: {  	[hbm4b:s21+s2] =	stream.linear.scatter [tilespmem:s25], [sflag:$0x7], $0x4000, $0x38;
	[tilespmem:$0x1FF00] =	vst v63  }
0xeb: {  	_ =	swait.ge [sflag:s26], $0x4000  }
0xec: {  	[sflag:s26] =	ssyncset.done $0x0  }
0xed: {  	[sflag:s26] =	ssyncadd.s32 $0xFFFFC000  }
0xee: {  	[tilespmem:s25], [sflag:$0x7] =	stream.linear.gather [spmem:s6], $0x3C00, $0x38;
	[tilespmem:$0x1FF00] =	vst v63  }
0xef: {  	_ =	swait.ge [sflag:s26], $0x3C00  }
0xf0: {  	[sflag:s26] =	ssyncset.done $0x0  }
0xf1: {  	s17 =	rddreg [dreg:$0x5];
	[sflag:s26] =	ssyncadd.s32 $0xFFFFC400  }
0xf2: {  	[hbm4b:s17+s2] =	stream.linear.scatter [tilespmem:s25], [sflag:$0x7], $0x3C00, $0x38;
	[tilespmem:$0x1FF00] =	vst v63  }
0xf3: {  	_ =	swait.ge [sflag:s26], $0x3C00  }
0xf4: {  	s15 =	sadd.s32 $0x1, s15;
	s18 =	rddreg [dreg:$0x6]  }
0xf5: {  	p0 =	sne.s32 s15, s18  }
.Ltmp2:
0xf6: {  	_ = 	snop;
	(pc) =	sbr.rel @p0 .LBB2_1-.Ltmp2, $3  }
0xf7: {  	_ =	sdelay $0x1  }
0xf8: {  	[sflag:s26] =	ssyncset.done $0x0  }
0xf9: {  	[sflag:s26] =	ssyncadd.s32 $0xFFFFC400  }
0xfa: {  	_ =	sfence.sel $0x180000  }
0xfb: {  	[bflag:$0x0] =	sbarrier.arrive $0xFFFF  }
0xfc: {  	_ =	strace $0x9000004A  }
0xfd: {  	s0 =	stileid.u32;
	[bflag:$0x2] =	sbarrier.arrive $0xFFFF  }
0xfe: {  	p0 =	sne.s32 s0, $0x0;
	s0 =	rddreg [dreg:$0x2]  }
0xff: {  	s0 =	sadd.s32 @!p0 $0x100000, s0  }
0x100: {  	[sflag:s0] =	ssyncadd.tile.s32 @!p0 $0x1;
	_ =	shalt  }
.Lfunc_end2:
_tile_overlayer_lowered:
.L_overlay_start_2:
0x101: {  	(tag) =	ssettag $0x2  }
0x102: {  	s0 =	rddreg [dreg:$0x0];
	s2 =	stileid.u32  }
0x103: {  	s1 =	rddreg [dreg:$0x1];
	p0 =	sne.s32 s2, $0x0  }
0x104: {  	s3 =	rddreg [dreg:$0x2];
	[bflag:$0x3] =	sbarrier.arrive $0xFFFF;
	s2 =	simm.s32 @!p0 $0x1C07  }
0x105: {  	[timem:s3], [sflag:s2] =	dma.local @!p0 [hbm:s0], s1  }
0x106: {  	s0 =	simm.s32 @!p0 $0x7  }
0x107: {  	_ =	swait.ge @!p0 [sflag:s0], s1  }
0x108: {  	s1 =	ssub.s32 @!p0 $0x0, s1;
	[sflag:s0] =	ssyncset.done @!p0 $0x0  }
0x109: {  	[sflag:s0] =	ssyncadd.s32 @!p0 s1  }
0x10a: {  	[bflag:$0x3] =	sbarrier.arrive $0xFFFF  }
0x10b: {  	_ =	shalt  }

// kernel: kernel.14.cloned.1.call-start
scs
__scs_entry_jumppad:
0x0: {  	(pc) =	sbr.rel $0x88, $3  }
0x1: {  	(tag) =	ssettag $0x0;
	lr =	simm.s32 $0x1  }
0x2: {  	[smem:$0x3F9B] =	sst lr;
	_ =	strace $0xD0000000  }
0x3: {  	_ = 	snop  }
0x4: {  	_ = 	snop  }
0x5: {  	_ = 	snop  }
0x6: {  	_ = 	snop  }
0x7: {  	_ = 	snop  }
__scs_overlays_trampoline_lowered:
0x8: {  	[smem:$0x3FAA] =	sst s0  }
0x9: {  	[smem:$0x3FAB] =	sst s1  }
0xa: {  	[smem:$0x3FAC] =	sst s2  }
0xb: {  	[smem:$0x3FAD] =	sst s3  }
0xc: {  	[smem:$0x3FAE] =	sst s4  }
0xd: {  	[smem:$0x3FAF] =	sst s5  }
0xe: {  	[smem:$0x3FB0] =	sst s6  }
0xf: {  	[smem:$0x3FB1] =	sst s7  }
0x10: {  	[smem:$0x3FB2] =	sst s8  }
0x11: {  	[smem:$0x3FB3] =	sst s9;
	s0 =	simm.s32 @!p0 $0x0  }
0x12: {  	s1 =	sld [smem:$0x3F99];
	s0 =	simm.s32 @p0 $0x1  }
0x13: {  	[smem:$0x3FB4] =	sst s0;
	s0 =	simm.s32 @!p1 $0x0  }
0x14: {  	s2 =	sld [smem:$0x3F98];
	s0 =	simm.s32 @p1 $0x1  }
0x15: {  	[smem:$0x3FB5] =	sst s0;
	s0 =	simm.s32 @!p2 $0x0  }
0x16: {  	s3 =	sld [smem:$0x3FDB];
	s0 =	simm.s32 @p2 $0x1  }
0x17: {  	s4 =	simm.s32 $0x1BF5;
	[smem:$0x3FB7] =	sst s0  }
0x18: {  	s0 =	sld [smem:$0x3F9A];
	_ =	swait.ge [sflag:s4], $0x0  }
0x19: {  	s7 =	sld [smem:$0x3F9B]  }
0x1a: {  	s8 =	sadd.s32 $0xFFFFE003, lr  }
0x1b: {  	s9 =	sadd.s32 $0xFFFFFEF7, lr;
	s5 =	simm.s32 $0xFFFFFFFF;
	p2 =	slt.u32 s8, $0xFFFFF086  }
0x1c: {  	p1 =	slt.u32 s9, $0xF7A;
	s5 =	simm.s32 @!p2 $0x0  }
0x1d: {  	s5 =	simm.s32 @p1 $0x1;
	p0 =	seq.s32 s7, s2  }
0x1e: {  	s7 =	smul.u32 @!p0 $0xF7A, s2;
	p2 =	seq.s32 @!p0 s5, $0x0  }
0x1f: {  	s9 =	smul.u32 $0xF7A, s1;
	s8 =	simm.s32 @!p0 $0x1BF5;
	p2 =	por !p2, p0  }
0x20: {  	[sflag:s8] =	ssyncset.s32 @!p0 $0xFFFFF086;
	s6 =	sadd.s32 @!p0 s3, s7;
	s7 =	simm.s32 @!p0 $0x108  }
0x21: {  	s3 =	sadd.s32 s3, s9;
	s6 =	sadd.s32 @!p0 $0x88, s6;
	s7 =	simm.s32 @p2 $0x1082  }
0x22: {  	[simem:s7], [sflag:s8] =	dma.local @!p0 [hbm:s6], $0xF7A  }
0x23: {  	s9 =	sor.u32 $0xD0000000, s2;
	s6 =	simm.s32 $0x108;
	_ =	swait.ge @!p0 [sflag:s8], $0x0  }
0x24: {  	s3 =	sadd.s32 $0x88, s3;
	s6 =	simm.s32 @!p1 $0x1082;
	[sflag:s4] =	ssyncset.s32 $0xFFFFF086  }
0x25: {  	[simem:s6], [sflag:s4] =	dma.local [hbm:s3], $0xF7A  }
0x26: {  	[smem:$0x3F9B] =	sst s1;
	(tag) =	ssettag s2;
	_ =	strace s9  }
0x27: {  	s1 =	sld [smem:$0x3FAB]  }
0x28: {  	s2 =	sld [smem:$0x3FAC]  }
0x29: {  	s4 =	sld [smem:$0x3FAE]  }
0x2a: {  	p0 =	seq.s32 s5, $0x0;
	s5 =	sld [smem:$0x3FAF]  }
0x2b: {  	s6 =	sld [smem:$0x3FB0]  }
0x2c: {  	s7 =	sld [smem:$0x3FB1]  }
0x2d: {  	s3 =	simm.s32 $0x108;
	s8 =	sld [smem:$0x3FB2]  }
0x2e: {  	s3 =	simm.s32 @!p0 $0x1082;
	s9 =	sld [smem:$0x3FB3]  }
0x2f: {  	lr =	sadd.s32 s0, s3;
	s0 =	sld [smem:$0x3FAA]  }
0x30: {  	s3 =	sld [smem:$0x3FAD]  }
0x31: {  	[smem:$0x3FB6] =	sst s10  }
0x32: {  	s10 =	sld [smem:$0x3FB4];
	_ =	sdelay $0x3  }
0x33: {  	p0 =	seq.s32 s10, $0x1;
	s10 =	sld [smem:$0x3FB6];
	_ =	sdelay $0x3  }
0x34: {  	[smem:$0x3FB6] =	sst s10  }
0x35: {  	s10 =	sld [smem:$0x3FB5];
	_ =	sdelay $0x3  }
0x36: {  	p1 =	seq.s32 s10, $0x1;
	s10 =	sld [smem:$0x3FB6];
	_ =	sdelay $0x3  }
0x37: {  	[smem:$0x3FB6] =	sst s10  }
0x38: {  	s10 =	sld [smem:$0x3FB7]  }
0x39: {  	_ = 	snop;
	(pc) =	sbr.ind lr, $3  }
0x3a: {  	_ = 	snop  }
0x3b: {  	_ = 	snop  }
0x3c: {  	p2 =	seq.s32 s10, $0x1;
	s10 =	sld [smem:$0x3FB6]  }
0x3d: {  	_ =	shalt  }
0x3e: {  	_ =	shalt  }
0x3f: {  	_ =	shalt  }
0x40: {  	_ =	shalt  }
0x41: {  	_ =	shalt  }
0x42: {  	_ =	shalt  }
0x43: {  	_ =	shalt  }
0x44: {  	_ =	shalt  }
0x45: {  	_ =	shalt  }
0x46: {  	_ =	shalt  }
0x47: {  	_ =	shalt  }
0x48: {  	_ =	shalt  }
0x49: {  	_ =	shalt  }
0x4a: {  	_ =	shalt  }
0x4b: {  	_ =	shalt  }
0x4c: {  	_ =	shalt  }
0x4d: {  	_ =	shalt  }
0x4e: {  	_ =	shalt  }
0x4f: {  	_ =	shalt  }
0x50: {  	_ =	shalt  }
0x51: {  	_ =	shalt  }
0x52: {  	_ =	shalt  }
0x53: {  	_ =	shalt  }
0x54: {  	_ =	shalt  }
0x55: {  	_ =	shalt  }
0x56: {  	_ =	shalt  }
0x57: {  	_ =	shalt  }
0x58: {  	_ =	shalt  }
0x59: {  	_ =	shalt  }
0x5a: {  	_ =	shalt  }
0x5b: {  	_ =	shalt  }
0x5c: {  	_ =	shalt  }
0x5d: {  	_ =	shalt  }
0x5e: {  	_ =	shalt  }
0x5f: {  	_ =	shalt  }
0x60: {  	_ =	shalt  }
0x61: {  	_ =	shalt  }
0x62: {  	_ =	shalt  }
0x63: {  	_ =	shalt  }
0x64: {  	_ =	shalt  }
0x65: {  	_ =	shalt  }
0x66: {  	_ =	shalt  }
0x67: {  	_ =	shalt  }
0x68: {  	_ =	shalt  }
0x69: {  	_ =	shalt  }
0x6a: {  	_ =	shalt  }
0x6b: {  	_ =	shalt  }
0x6c: {  	_ =	shalt  }
0x6d: {  	_ =	shalt  }
0x6e: {  	_ =	shalt  }
0x6f: {  	_ =	shalt  }
0x70: {  	_ =	shalt  }
0x71: {  	_ =	shalt  }
0x72: {  	_ =	shalt  }
0x73: {  	_ =	shalt  }
0x74: {  	_ =	shalt  }
0x75: {  	_ =	shalt  }
0x76: {  	_ =	shalt  }
0x77: {  	_ =	shalt  }
0x78: {  	_ =	shalt  }
0x79: {  	_ =	shalt  }
0x7a: {  	_ =	shalt  }
0x7b: {  	_ =	shalt  }
0x7c: {  	_ =	shalt  }
0x7d: {  	_ =	shalt  }
0x7e: {  	_ =	shalt  }
0x7f: {  	_ =	shalt  }
0x80: {  	_ =	shalt  }
0x81: {  	_ =	shalt  }
0x82: {  	_ =	shalt  }
0x83: {  	_ =	shalt  }
0x84: {  	_ =	shalt  }
0x85: {  	_ =	shalt  }
0x86: {  	_ =	shalt  }
0x87: {  	_ =	shalt  }
.Lfunc_end0:
.L_simem_size_0:
called_computation.2_lowered:
.L_overlay_start_0:
0x88: {  	s2 =	sld [smem:$0x3FD9]  }
0x89: {  	s3 =	sld [smem:$0x3FFE];
	_ =	sdelay $0x1  }
0x8a: {  	s1 =	srdreg.scid  }
0x8b: {  	s0 =	sand.u32 $0x1, s1  }
0x8c: {  	s16 =	sshll.u32 s0, $0xA;
	s2 =	sadd.s32 s3, s2  }
0x8d: {  	s2 =	sadd.s32 s2, s16  }
0x8e: {  	[smem:$0x3FC2] =	sst s2  }
0x8f: {  	_ = 	snop  }
0x90: {  	(tm) =	ssettm $0x1  }
0x91: {  	s17 =	sld [smem:$0x3FFB];
	_ =	sdelay $0x3  }
0x92: {  	_ =	strace s17  }
0x93: {  	s2 =	sld [smem:$0x3FFC];
	_ =	sdelay $0x3  }
0x94: {  	_ =	strace s2  }
0x95: {  	s2 =	sld [smem:$0x3FFD];
	_ =	sdelay $0x3  }
0x96: {  	_ =	strace s2  }
0x97: {  	_ =	strace $0x8FFFFFFF  }
0x98: {  	s18 =	sld [smem:$0x3FDB];
	_ =	sdelay $0x1  }
0x99: {  	s19 =	simm.s32 $_scs_section_size  }
0x9a: {  	s4 =	simm.s32 $_size__tile_overlayer_lowered;
	s5 =	simm.s32 $_tile_overlayer_lowered  }
0x9b: {  	s22 =	simm.s32 $0x1BFF;
	s21 =	sshll.u32 s5, $0x1;
	s2 =	sadd.s32 s19, s18  }
0x9c: {  	s6 =	simm.s32 $0x0;
	s20 =	sshll.u32 s4, $0x1;
	s4 =	sadd.s32 s21, s2  }
0x9d: {  	[timem:s6], [sflag:s22] =	dma.local [hbm:s4], s20  }
0x9e: {  	_ =	swait.ge [sflag:s22], s20  }
0x9f: {  	s3 =	ssub.s32 $0x0, s20;
	[sflag:s22] =	ssyncset.done $0x0  }
0xa0: {  	[sflag:s22] =	ssyncadd.s32 s3;
	_ =	sdelay $0x1  }
0xa1: {  	s23 =	simm.s32 $0x1B8B  }
0xa2: {  	_ =	swait.ge [sflag:s23], $0x1  }
0xa3: {  	[sflag:s23] =	ssyncset.done $0x0  }
0xa4: {  	s25 =	simm.s32 $0x1B8E;
	s24 =	sld [smem:$0x3FFE];
	[sflag:s23] =	ssyncadd.s32 $0xFFFFFFFF  }
0xa5: {  	s26 =	simm.s32 $execute0_lowered;
	[smem:$0x3FD2] =	sst s25  }
0xa6: {  	s4 =	sshll.u32 s26, $0x1;
	_ =	strace $0x8000004C;
	[dreg:$0x1] =	wrdreg $0xFFFFFFFF  }
0xa7: {  	s28 =	simm.s32 $_size_execute0_lowered;
	s2 =	sadd.s32 s2, s4;
	[dreg:$0x0] =	wrdreg $0x0  }
0xa8: {  	s4 =	sshll.u32 s28, $0x1;
	[dreg:$0x2] =	wrdreg s2  }
0xa9: {  	[dreg:$0x3] =	wrdreg s4  }
0xaa: {  	[dreg:$0x4] =	wrdreg $0xC0  }
0xab: {  	_ =	task [dreg:s6], $0x5FFFF  }
0xac: {  	[dreg:$0x1] =	wrdreg $0xFFFFFFFF  }
0xad: {  	[dreg:$0x0] =	wrdreg $0x60  }
0xae: {  	[dreg:$0x2] =	wrdreg s24  }
0xaf: {  	[dreg:$0x3] =	wrdreg $0xC3000  }
0xb0: {  	[dreg:$0x4] =	wrdreg $0x9  }
0xb1: {  	_ =	task.clear_ibuf [dreg:s6], $0x5FFFF;
	_ =	strace $0x9000004C  }
0xb2: {  	s29 =	simm.s32 $0x9;
	_ =	strace $0x8000004E  }
0xb3: {  	_ =	swait.ge [sflag:s29], $0x1  }
0xb4: {  	[sflag:s29] =	ssyncadd.s32 $0xFFFFFFFF  }
0xb5: {  	_ =	strace $0x9000004E  }
0xb6: {  	_ =	sfence  }
0xb7: {  	s30 =	sld [smem:$0x0];
	_ =	sdelay $0x2  }
0xb8: {  	s31 =	sshll.u32 s1, $0xD;
	s1 =	sshrl.u32 s1, $0x2  }
0xb9: {  	s3 =	sand.u32 $0x4000, s31;
	s1 =	sadd.s32 s1, s30  }
0xba: {  	s0 =	sor.u32 s3, s0;
	s1 =	sshll.u32 s1, $0x11  }
0xbb: {  	s0 =	sor.u32 s1, s0  }
0xbc: {  	s0 =	sadd.s32 $0x8F2B, s0  }
0xbd: {  	[sflag:s0] =	ssyncadd.remote.s32 $0x1  }
0xbe: {  	_ =	sfence.sel $0xFFFF  }
0xbf: {  	[dreg:$0x0] =	wrdreg $0xFFFFFFFF;
	(pc) =	sbr.abs _section_cstart, $3  }
0xc0: {  	[dreg:$0x1] =	wrdreg $0xFFFFFFFF  }
0xc1: {  	_ =	task.clear_ibuf [dreg:s6], $0x2FFFF;
	_ =	strace $0x9FFFFFFF  }
0xc2: {  	(tm) =	ssettm $0x7FFFFFFF  }
0xc3: {  	_ =	shalt  }
tec
execute0_lowered:
.L_overlay_start_1:
0x0: {  	(tag) =	ssettag $0x1  }
0x1: {  	s0 =	rddreg [dreg:$0x0]  }
0x2: {  	s1 =	rddreg [dreg:$0x1];
	s2 =	simm.s32 $0x0  }
0x3: {  	s3 =	srdreg.scid;
	s14 =	stileid.u32;
	s28 =	simm.s32 $0x100  }
0x4: {  	s29 =	simm.s32 $0x200;
	s30 =	simm.s32 $0x1;
	s31 =	simm.s32 $0x80  }
0x5: {  	[smem:$0x7FF] =	sst s2;
	s4 =	sadd.s32 $0x20600, s0;
	s8 =	sadd.s32 $0xC600, s0  }
0x6: {  	s3 =	sand.u32 $0x1, s3;
	s0 =	sadd.s32 $0x47800, s0;
	s9 =	smul.u32 $0x278, s14  }
0x7: {  	s7 =	sshll.u32 s14, $0x1;
	s10 =	smul.u32 $0x4F000, s14;
	_ =	strace $0x8000004D  }
0x8: {  	s5 =	ssub.s32 $0x2, s3;
	s19 =	sor.u32 s3, s7;
	s12 =	smul.u32 $0x2780, s3  }
0x9: {  	s3 =	smul.u32 $0x50, s3;
	s6 =	sshrl.u32 s5, $0x1;
	s20 =	sshrl.u32 s10, $0x2  }
0xa: {  	s21 =	sadd.s32 $0x200, s9;
	s22 =	smul.u32 $0xA00, s19;
	s17 =	sadd.s32 $0x80, s9  }
0xb: {  	s11 =	ssub.s32 s5, s6;
	s5 =	sadd.s32 s20, s1;
	s23 =	sshll.u32 s21, $0x7  }
0xc: {  	s13 =	sadd.s32 s12, s21;
	s15 =	sadd.s32 s12, s9;
	s19 =	sadd.s32 s12, s17  }
0xd: {  	s20 =	sadd.s32 $0x100, s9;
	s9 =	sadd.s32 $0x180, s9;
	s6 =	sadd.s32 s23, s1  }
0xe: {  	s7 =	sadd.s32 s8, s22;
	s24 =	sshll.u32 s13, $0x4;
	s11 =	smax.u32 s11, $0x1  }
0xf: {  	s13 =	sadd.s32 $0x4000, s5;
	s16 =	sadd.s32 $0x8000, s5;
	s18 =	sadd.s32 $0xC000, s5  }
0x10: {  	s21 =	sshll.u32 s20, $0x7;
	s22 =	sadd.s32 s12, s20;
	[dreg:$0x6] =	wrdreg s11  }
0x11: {  	s23 =	smul.u32 $0xA0, s14;
	s14 =	simm.s32 $0x280;
	[dreg:$0x7] =	wrdreg s13  }
0x12: {  	s25 =	sadd.s32 $0x20, s7;
	s26 =	sadd.s32 $0x40, s7;
	[dreg:$0x8] =	wrdreg s16  }
0x13: {  	s10 =	sadd.s32 s0, s24;
	[dreg:$0x9] =	wrdreg s18;
	s11 =	sshll.u32 s17, $0x7  }
0x14: {  	s24 =	sadd.s32 s12, s9;
	s9 =	sshll.u32 s9, $0x7;
	[dreg:$0x3] =	wrdreg s25  }
0x15: {  	s12 =	simm.s32 $0x180;
	s13 =	simm.s32 $0x6;
	[dreg:$0x4] =	wrdreg s26  }
0x16: {  	[dreg:$0x5] =	wrdreg s10;
	s10 =	sshll.u32 s15, $0x4;
	s11 =	sadd.s32 s11, s1  }
0x17: {  	s20 =	sadd.s32 s9, s1;
	s25 =	sshll.u32 s24, $0x4;
	s3 =	sadd.s32 s3, s23  }
0x18: {  	s23 =	sadd.s32 $0x9E0, s7;
	s9 =	simm.s32 $0x3;
	s15 =	simm.s32 $0x0  }
0x19: {  	s10 =	sadd.s32 s0, s10;
	[dreg:$0xb] =	wrdreg s11;
	s26 =	sshll.u32 s3, $0x5  }
0x1a: {  	s3 =	simm.s32 $0x4300;
	[dreg:$0xa] =	wrdreg s10;
	s10 =	sshll.u32 s19, $0x4  }
0x1b: {  	s11 =	simm.s32 $0x5;
	s24 =	sadd.s32 s26, s8;
	s10 =	sadd.s32 s0, s10  }
0x1c: {  	s26 =	simm.s32 $0x7;
	s8 =	simm.s32 $0x4;
	[dreg:$0xc] =	wrdreg s10  }
0x1d: {  	s10 =	sadd.s32 s21, s1;
	s21 =	sadd.s32 s0, s25;
	s25 =	simm.s32 $0x300  }
0x1e: {  	[dreg:$0xd] =	wrdreg s10;
	s10 =	sshll.u32 s22, $0x4;
	s22 =	sadd.s32 $0x9C0, s7  }
0x1f: {  	v0 =	vimm.f32 $0.0e+00;
	s19 =	sadd.s32 s0, s10;
	s0 =	simm.s32 $0x2;
	s10 =	simm.s32 $0x8300  }
.LBB2_1:
0x20: {  	s16 =	simm.s32 $0x0;
	s17 =	simm.s32 $0x200  }
.LBB2_2:
0x21: {  	p0 =	sne.s32 s17, $0xFE00;
	[tilespmem:s16+$0x370] =	vst v0  }
0x22: {  	[tilespmem:s16+$0x300] =	vst v0  }
0x23: {  	[tilespmem:s16+$0x310] =	vst v0  }
.Ltmp0:
0x24: {  	[tilespmem:s16+$0x320] =	vst v0;
	(pc) =	sbr.rel @p0 .LBB2_2-.Ltmp0, $4  }
0x25: {  	[tilespmem:s16+$0x330] =	vst v0  }
0x26: {  	[tilespmem:s16+$0x340] =	vst v0  }
0x27: {  	[tilespmem:s16+$0x350] =	vst v0  }
0x28: {  	[tilespmem:s16+$0x360] =	vst v0;
	s16 =	sshra.s32 s17, $0x2;
	s17 =	sadd.s32 $0x200, s17  }
0x29: {  	[tilespmem:s16+$0x370] =	vst v0  }
0x2a: {  	[tilespmem:s16+$0x300] =	vst v0  }
0x2b: {  	[tilespmem:s16+$0x310] =	vst v0  }
0x2c: {  	[tilespmem:s16+$0x320] =	vst v0  }
0x2d: {  	[tilespmem:s16+$0x330] =	vst v0  }
0x2e: {  	[tilespmem:s16+$0x340] =	vst v0  }
0x2f: {  	[tilespmem:s16+$0x350] =	vst v0  }
0x30: {  	[tilespmem:s16+$0x360] =	vst v0  }
0x31: {  	[spmem:s5] =	stream.linear.scatter [tilespmem:s25], [sflag:$0x7], $0x4000, $0x38;
	[tilespmem:$0x1FF00] =	vst v63  }
0x32: {  	_ =	swait.ge [sflag:s26], $0x4000  }
0x33: {  	[sflag:s26] =	ssyncset.done $0x0  }
0x34: {  	s17 =	rddreg [dreg:$0x7];
	[sflag:s26] =	ssyncadd.s32 $0xFFFFC000  }
0x35: {  	[spmem:s17] =	stream.linear.scatter [tilespmem:s25], [sflag:$0x7], $0x4000, $0x38;
	[tilespmem:$0x1FF00] =	vst v63  }
0x36: {  	_ =	swait.ge [sflag:s26], $0x4000  }
0x37: {  	[sflag:s26] =	ssyncset.done $0x0  }
0x38: {  	s18 =	rddreg [dreg:$0x8];
	[sflag:s26] =	ssyncadd.s32 $0xFFFFC000  }
0x39: {  	[spmem:s18] =	stream.linear.scatter [tilespmem:s25], [sflag:$0x7], $0x4000, $0x38;
	[tilespmem:$0x1FF00] =	vst v63  }
0x3a: {  	_ =	swait.ge [sflag:s26], $0x4000  }
0x3b: {  	[sflag:s26] =	ssyncset.done $0x0  }
0x3c: {  	s17 =	rddreg [dreg:$0x9];
	[sflag:s26] =	ssyncadd.s32 $0xFFFFC000  }
0x3d: {  	[spmem:s17] =	stream.linear.scatter [tilespmem:s25], [sflag:$0x7], $0x4000, $0x38;
	[tilespmem:$0x1FF00] =	vst v63  }
0x3e: {  	_ =	swait.ge [sflag:s26], $0x4000  }
0x3f: {  	[sflag:s26] =	ssyncset.done $0x0  }
0x40: {  	[sflag:s26] =	ssyncadd.s32 $0xFFFFC000  }
0x41: {  	[spmem:s6] =	stream.linear.scatter [tilespmem:s25], [sflag:$0x7], $0x3C00, $0x38;
	[tilespmem:$0x1FF00] =	vst v63  }
0x42: {  	_ =	swait.ge [sflag:s26], $0x3C00  }
0x43: {  	[sflag:s26] =	ssyncset.done $0x0  }
0x44: {  	[sflag:s26] =	ssyncadd.s32 $0xFFFFC400  }
0x45: {  	[bflag:$0x0] =	sbarrier.arrive $0xFFFF  }
0x46: {  	[tilespmem:s2], [sflag:$0x1] =	stream.linear.gather [hbm4b:s7+s2], $0x100, $0x38;
	[tilespmem:$0x1FF00] =	vst v63  }
0x47: {  	s18 =	rddreg [dreg:$0x3]  }
0x48: {  	[tilespmem:s28], [sflag:$0x2] =	stream.linear.gather [hbm4b:s18+s2], $0x100, $0x38;
	[tilespmem:$0x1FF00] =	vst v63  }
0x49: {  	s17 =	rddreg [dreg:$0x4]  }
0x4a: {  	[tilespmem:s29], [sflag:$0x3] =	stream.linear.gather [hbm4b:s17+s2], $0x100, $0x38;
	[tilespmem:$0x1FF00] =	vst v63  }
0x4b: {  	_ =	swait.ge [sflag:s30], $0x100  }
0x4c: {  	[sflag:s30] =	ssyncset.done $0x0  }
0x4d: {  	[sflag:s30] =	ssyncadd.s32 $0xFFFFFF00  }
0x4e: {  	[tilespmem:s25], [sflag:$0x4] =	stream.indirect.gather [hbm4b:s4+s31], $0x80, s2, s31, $0xb8;
	[tilespmem:$0x1FF00] =	vst v63  }
0x4f: {  	_ =	swait.ge [sflag:s0], $0x100  }
0x50: {  	[sflag:s0] =	ssyncset.done $0x0  }
0x51: {  	[sflag:s0] =	ssyncadd.s32 $0xFFFFFF00  }
0x52: {  	[tilespmem:s3], [sflag:$0x5] =	stream.indirect.gather [hbm4b:s4+s31], $0x80, s28, s31, $0xb8;
	[tilespmem:$0x1FF00] =	vst v63  }
0x53: {  	_ =	swait.ge [sflag:s8], $0x4000  }
0x54: {  	[sflag:s8] =	ssyncset.done $0x0  }
0x55: {  	[sflag:s8] =	ssyncadd.s32 $0xFFFFC000  }
0x56: {  	[spmem:s1] =	stream.indirect.scatter.add.f32 [tilespmem:s25], [sflag:$0x7], $0x80, s31, s31, $0xb8;
	[tilespmem:$0x1FF00] =	vst v63  }
0x57: {  	_ =	swait.ge [sflag:s26], $0x4000  }
0x58: {  	s16 =	sadd.s32 $0xFFFFF6A0, s24;
	[sflag:s26] =	ssyncset.done $0x0  }
0x59: {  	s17 =	sadd.s32 $0x9C0, s16;
	[sflag:s26] =	ssyncadd.s32 $0xFFFFC000  }
0x5a: {  	[tilespmem:s2], [sflag:$0x1] =	stream.linear.gather [hbm4b:s17+s2], $0x100, $0x38;
	[tilespmem:$0x1FF00] =	vst v63  }
0x5b: {  	_ =	swait.ge [sflag:s9], $0x100  }
0x5c: {  	[sflag:s9] =	ssyncset.done $0x0  }
0x5d: {  	[sflag:s9] =	ssyncadd.s32 $0xFFFFFF00  }
0x5e: {  	[tilespmem:s10], [sflag:$0x6] =	stream.indirect.gather [hbm4b:s4+s31], $0x80, s29, s31, $0xb8;
	[tilespmem:$0x1FF00] =	vst v63  }
0x5f: {  	_ =	swait.ge [sflag:s11], $0x4000  }
0x60: {  	[sflag:s11] =	ssyncset.done $0x0  }
0x61: {  	[sflag:s11] =	ssyncadd.s32 $0xFFFFC000  }
0x62: {  	[spmem:s1] =	stream.indirect.scatter.add.f32 [tilespmem:s3], [sflag:$0x7], $0x80, s12, s31, $0xb8;
	[tilespmem:$0x1FF00] =	vst v63  }
0x63: {  	_ =	swait.ge [sflag:s26], $0x4000  }
0x64: {  	[sflag:s26] =	ssyncset.done $0x0  }
0x65: {  	s18 =	sadd.s32 $0x9E0, s16;
	[sflag:s26] =	ssyncadd.s32 $0xFFFFC000  }
0x66: {  	[tilespmem:s28], [sflag:$0x2] =	stream.linear.gather [hbm4b:s18+s2], $0x100, $0x38;
	[tilespmem:$0x1FF00] =	vst v63  }
0x67: {  	_ =	swait.ge [sflag:s30], $0x100  }
0x68: {  	[sflag:s30] =	ssyncset.done $0x0  }
0x69: {  	[sflag:s30] =	ssyncadd.s32 $0xFFFFFF00  }
0x6a: {  	[tilespmem:s25], [sflag:$0x4] =	stream.indirect.gather [hbm4b:s4+s31], $0x80, s2, s31, $0xb8;
	[tilespmem:$0x1FF00] =	vst v63  }
0x6b: {  	_ =	swait.ge [sflag:s13], $0x4000  }
0x6c: {  	[sflag:s13] =	ssyncset.done $0x0  }
0x6d: {  	[sflag:s13] =	ssyncadd.s32 $0xFFFFC000  }
0x6e: {  	[spmem:s1] =	stream.indirect.scatter.add.f32 [tilespmem:s10], [sflag:$0x7], $0x80, s14, s31, $0xb8;
	[tilespmem:$0x1FF00] =	vst v63  }
0x6f: {  	_ =	swait.ge [sflag:s26], $0x4000  }
0x70: {  	[sflag:s26] =	ssyncset.done $0x0  }
0x71: {  	s16 =	sadd.s32 $0xA00, s16;
	[sflag:s26] =	ssyncadd.s32 $0xFFFFC000  }
0x72: {  	[tilespmem:s29], [sflag:$0x3] =	stream.linear.gather [hbm4b:s16+s2], $0x100, $0x38;
	[tilespmem:$0x1FF00] =	vst v63  }
0x73: {  	_ =	swait.ge [sflag:s0], $0x100  }
0x74: {  	[sflag:s0] =	ssyncset.done $0x0  }
0x75: {  	s16 =	simm.s32 $0xFFFFF700;
	[sflag:s0] =	ssyncadd.s32 $0xFFFFFF00  }
.LBB2_4:
0x76: {  	[tilespmem:s3], [sflag:$0x5] =	stream.indirect.gather [hbm4b:s4+s31], $0x80, s28, s31, $0xb8;
	[tilespmem:$0x1FF00] =	vst v63  }
0x77: {  	s17 =	smov.u32 s16  }
0x78: {  	p0 =	sne.s32 s16, $0xFFFFFFA0;
	s16 =	sadd.s32 $0x60, s16;
	_ =	swait.ge [sflag:s8], $0x4000  }
0x79: {  	[sflag:s8] =	ssyncset.done $0x0  }
0x7a: {  	[sflag:s8] =	ssyncadd.s32 $0xFFFFC000  }
0x7b: {  	[spmem:s1] =	stream.indirect.scatter.add.f32 [tilespmem:s25], [sflag:$0x7], $0x80, s31, s31, $0xb8;
	[tilespmem:$0x1FF00] =	vst v63  }
0x7c: {  	_ =	swait.ge [sflag:s26], $0x4000  }
0x7d: {  	s17 =	sadd.s32 s17, s24;
	[sflag:s26] =	ssyncset.done $0x0  }
0x7e: {  	s18 =	sadd.s32 $0x9C0, s17;
	[sflag:s26] =	ssyncadd.s32 $0xFFFFC000  }
0x7f: {  	[tilespmem:s2], [sflag:$0x1] =	stream.linear.gather [hbm4b:s18+s2], $0x100, $0x38;
	[tilespmem:$0x1FF00] =	vst v63  }
0x80: {  	_ =	swait.ge [sflag:s9], $0x100  }
0x81: {  	[sflag:s9] =	ssyncset.done $0x0  }
0x82: {  	[sflag:s9] =	ssyncadd.s32 $0xFFFFFF00  }
0x83: {  	[tilespmem:s10], [sflag:$0x6] =	stream.indirect.gather [hbm4b:s4+s31], $0x80, s29, s31, $0xb8;
	[tilespmem:$0x1FF00] =	vst v63  }
0x84: {  	_ =	swait.ge [sflag:s11], $0x4000  }
0x85: {  	[sflag:s11] =	ssyncset.done $0x0  }
0x86: {  	[sflag:s11] =	ssyncadd.s32 $0xFFFFC000  }
0x87: {  	[spmem:s1] =	stream.indirect.scatter.add.f32 [tilespmem:s3], [sflag:$0x7], $0x80, s12, s31, $0xb8;
	[tilespmem:$0x1FF00] =	vst v63  }
0x88: {  	_ =	swait.ge [sflag:s26], $0x4000  }
0x89: {  	[sflag:s26] =	ssyncset.done $0x0  }
0x8a: {  	s18 =	sadd.s32 $0x9E0, s17;
	[sflag:s26] =	ssyncadd.s32 $0xFFFFC000  }
0x8b: {  	[tilespmem:s28], [sflag:$0x2] =	stream.linear.gather [hbm4b:s18+s2], $0x100, $0x38;
	[tilespmem:$0x1FF00] =	vst v63  }
0x8c: {  	_ =	swait.ge [sflag:s30], $0x100  }
0x8d: {  	[sflag:s30] =	ssyncset.done $0x0  }
0x8e: {  	[sflag:s30] =	ssyncadd.s32 $0xFFFFFF00  }
0x8f: {  	[tilespmem:s25], [sflag:$0x4] =	stream.indirect.gather [hbm4b:s4+s31], $0x80, s2, s31, $0xb8;
	[tilespmem:$0x1FF00] =	vst v63  }
0x90: {  	_ =	swait.ge [sflag:s13], $0x4000  }
0x91: {  	[sflag:s13] =	ssyncset.done $0x0  }
0x92: {  	[sflag:s13] =	ssyncadd.s32 $0xFFFFC000  }
0x93: {  	[spmem:s1] =	stream.indirect.scatter.add.f32 [tilespmem:s10], [sflag:$0x7], $0x80, s14, s31, $0xb8;
	[tilespmem:$0x1FF00] =	vst v63  }
0x94: {  	_ =	swait.ge [sflag:s26], $0x4000  }
0x95: {  	[sflag:s26] =	ssyncset.done $0x0  }
.Ltmp1:
0x96: {  	s17 =	sadd.s32 $0xA00, s17;
	[sflag:s26] =	ssyncadd.s32 $0xFFFFC000;
	(pc) =	sbr.rel @p0 .LBB2_4-.Ltmp1, $4  }
0x97: {  	[tilespmem:s29], [sflag:$0x3] =	stream.linear.gather [hbm4b:s17+s2], $0x100, $0x38;
	[tilespmem:$0x1FF00] =	vst v63  }
0x98: {  	_ =	swait.ge [sflag:s0], $0x100  }
0x99: {  	[sflag:s0] =	ssyncset.done $0x0  }
0x9a: {  	[sflag:s0] =	ssyncadd.s32 $0xFFFFFF00  }
0x9b: {  	[tilespmem:s3], [sflag:$0x5] =	stream.indirect.gather [hbm4b:s4+s31], $0x80, s28, s31, $0xb8;
	[tilespmem:$0x1FF00] =	vst v63  }
0x9c: {  	_ =	swait.ge [sflag:s8], $0x4000  }
0x9d: {  	[sflag:s8] =	ssyncset.done $0x0  }
0x9e: {  	[sflag:s8] =	ssyncadd.s32 $0xFFFFC000  }
0x9f: {  	[spmem:s1] =	stream.indirect.scatter.add.f32 [tilespmem:s25], [sflag:$0x7], $0x80, s31, s31, $0xb8;
	[tilespmem:$0x1FF00] =	vst v63  }
0xa0: {  	_ =	swait.ge [sflag:s26], $0x4000  }
0xa1: {  	[sflag:s26] =	ssyncset.done $0x0  }
0xa2: {  	[sflag:s26] =	ssyncadd.s32 $0xFFFFC000  }
0xa3: {  	[tilespmem:s2], [sflag:$0x1] =	stream.linear.gather [hbm4b:s22+s2], $0x100, $0x38;
	[tilespmem:$0x1FF00] =	vst v63  }
0xa4: {  	_ =	swait.ge [sflag:s9], $0x100  }
0xa5: {  	[sflag:s9] =	ssyncset.done $0x0  }
0xa6: {  	[sflag:s9] =	ssyncadd.s32 $0xFFFFFF00  }
0xa7: {  	[tilespmem:s10], [sflag:$0x6] =	stream.indirect.gather [hbm4b:s4+s31], $0x80, s29, s31, $0xb8;
	[tilespmem:$0x1FF00] =	vst v63  }
0xa8: {  	_ =	swait.ge [sflag:s11], $0x4000  }
0xa9: {  	[sflag:s11] =	ssyncset.done $0x0  }
0xaa: {  	[sflag:s11] =	ssyncadd.s32 $0xFFFFC000  }
0xab: {  	[spmem:s1] =	stream.indirect.scatter.add.f32 [tilespmem:s3], [sflag:$0x7], $0x80, s12, s31, $0xb8;
	[tilespmem:$0x1FF00] =	vst v63  }
0xac: {  	_ =	swait.ge [sflag:s26], $0x4000  }
0xad: {  	[sflag:s26] =	ssyncset.done $0x0  }
0xae: {  	[sflag:s26] =	ssyncadd.s32 $0xFFFFC000  }
0xaf: {  	[tilespmem:s28], [sflag:$0x2] =	stream.linear.gather [hbm4b:s23+s2], $0x100, $0x38;
	[tilespmem:$0x1FF00] =	vst v63  }
0xb0: {  	_ =	swait.ge [sflag:s30], $0x100  }
0xb1: {  	[sflag:s30] =	ssyncset.done $0x0  }
0xb2: {  	[sflag:s30] =	ssyncadd.s32 $0xFFFFFF00  }
0xb3: {  	[tilespmem:s25], [sflag:$0x4] =	stream.indirect.gather [hbm4b:s4+s31], $0x80, s2, s31, $0xb8;
	[tilespmem:$0x1FF00] =	vst v63  }
0xb4: {  	_ =	swait.ge [sflag:s13], $0x4000  }
0xb5: {  	[sflag:s13] =	ssyncset.done $0x0  }
0xb6: {  	[sflag:s13] =	ssyncadd.s32 $0xFFFFC000  }
0xb7: {  	[spmem:s1] =	stream.indirect.scatter.add.f32 [tilespmem:s10], [sflag:$0x7], $0x80, s14, s31, $0xb8;
	[tilespmem:$0x1FF00] =	vst v63  }
0xb8: {  	_ =	swait.ge [sflag:s26], $0x4000  }
0xb9: {  	[sflag:s26] =	ssyncset.done $0x0  }
0xba: {  	[sflag:s26] =	ssyncadd.s32 $0xFFFFC000  }
0xbb: {  	_ =	swait.ge [sflag:s0], $0x100  }
0xbc: {  	[sflag:s0] =	ssyncset.done $0x0  }
0xbd: {  	[sflag:s0] =	ssyncadd.s32 $0xFFFFFF00  }
0xbe: {  	[tilespmem:s3], [sflag:$0x5] =	stream.indirect.gather [hbm4b:s4+s31], $0x80, s28, s31, $0xb8;
	[tilespmem:$0x1FF00] =	vst v63  }
0xbf: {  	_ =	swait.ge [sflag:s8], $0x4000  }
0xc0: {  	[sflag:s8] =	ssyncset.done $0x0  }
0xc1: {  	[sflag:s8] =	ssyncadd.s32 $0xFFFFC000  }
0xc2: {  	[spmem:s1] =	stream.indirect.scatter.add.f32 [tilespmem:s25], [sflag:$0x7], $0x80, s31, s31, $0xb8;
	[tilespmem:$0x1FF00] =	vst v63  }
0xc3: {  	_ =	swait.ge [sflag:s26], $0x4000  }
0xc4: {  	[sflag:s26] =	ssyncset.done $0x0  }
0xc5: {  	[sflag:s26] =	ssyncadd.s32 $0xFFFFC000  }
0xc6: {  	_ =	swait.ge [sflag:s11], $0x4000  }
0xc7: {  	[sflag:s11] =	ssyncset.done $0x0  }
0xc8: {  	[sflag:s11] =	ssyncadd.s32 $0xFFFFC000  }
0xc9: {  	[spmem:s1] =	stream.indirect.scatter.add.f32 [tilespmem:s3], [sflag:$0x7], $0x80, s12, s31, $0xb8;
	[tilespmem:$0x1FF00] =	vst v63  }
0xca: {  	_ =	swait.ge [sflag:s26], $0x4000  }
0xcb: {  	[sflag:s26] =	ssyncset.done $0x0  }
0xcc: {  	[sflag:s26] =	ssyncadd.s32 $0xFFFFC000  }
0xcd: {  	[bflag:$0x0] =	sbarrier.arrive $0xFFFF  }
0xce: {  	[tilespmem:s25], [sflag:$0x7] =	stream.linear.gather [spmem:s5], $0x4000, $0x38;
	[tilespmem:$0x1FF00] =	vst v63  }
0xcf: {  	_ =	swait.ge [sflag:s26], $0x4000  }
0xd0: {  	[sflag:s26] =	ssyncset.done $0x0  }
0xd1: {  	s16 =	rddreg [dreg:$0xa];
	[sflag:s26] =	ssyncadd.s32 $0xFFFFC000  }
0xd2: {  	[hbm4b:s16+s2] =	stream.linear.scatter [tilespmem:s25], [sflag:$0x7], $0x4000, $0x38;
	[tilespmem:$0x1FF00] =	vst v63  }
0xd3: {  	_ =	swait.ge [sflag:s26], $0x4000  }
0xd4: {  	[sflag:s26] =	ssyncset.done $0x0  }
0xd5: {  	s18 =	rddreg [dreg:$0xb];
	[sflag:s26] =	ssyncadd.s32 $0xFFFFC000  }
0xd6: {  	[tilespmem:s25], [sflag:$0x7] =	stream.linear.gather [spmem:s18], $0x4000, $0x38;
	[tilespmem:$0x1FF00] =	vst v63  }
0xd7: {  	_ =	swait.ge [sflag:s26], $0x4000  }
0xd8: {  	[sflag:s26] =	ssyncset.done $0x0  }
0xd9: {  	s17 =	rddreg [dreg:$0xc];
	[sflag:s26] =	ssyncadd.s32 $0xFFFFC000  }
0xda: {  	[hbm4b:s17+s2] =	stream.linear.scatter [tilespmem:s25], [sflag:$0x7], $0x4000, $0x38;
	[tilespmem:$0x1FF00] =	vst v63  }
0xdb: {  	_ =	swait.ge [sflag:s26], $0x4000  }
0xdc: {  	[sflag:s26] =	ssyncset.done $0x0  }
0xdd: {  	s18 =	rddreg [dreg:$0xd];
	[sflag:s26] =	ssyncadd.s32 $0xFFFFC000  }
0xde: {  	[tilespmem:s25], [sflag:$0x7] =	stream.linear.gather [spmem:s18], $0x4000, $0x38;
	[tilespmem:$0x1FF00] =	vst v63  }
0xdf: {  	_ =	swait.ge [sflag:s26], $0x4000  }
0xe0: {  	[sflag:s26] =	ssyncset.done $0x0  }
0xe1: {  	[sflag:s26] =	ssyncadd.s32 $0xFFFFC000  }
0xe2: {  	[hbm4b:s19+s2] =	stream.linear.scatter [tilespmem:s25], [sflag:$0x7], $0x4000, $0x38;
	[tilespmem:$0x1FF00] =	vst v63  }
0xe3: {  	_ =	swait.ge [sflag:s26], $0x4000  }
0xe4: {  	[sflag:s26] =	ssyncset.done $0x0  }
0xe5: {  	[sflag:s26] =	ssyncadd.s32 $0xFFFFC000  }
0xe6: {  	[tilespmem:s25], [sflag:$0x7] =	stream.linear.gather [spmem:s20], $0x4000, $0x38;
	[tilespmem:$0x1FF00] =	vst v63  }
0xe7: {  	_ =	swait.ge [sflag:s26], $0x4000  }
0xe8: {  	[sflag:s26] =	ssyncset.done $0x0  }
0xe9: {  	[sflag:s26] =	ssyncadd.s32 $0xFFFFC000  }
0xea: {  	[hbm4b:s21+s2] =	stream.linear.scatter [tilespmem:s25], [sflag:$0x7], $0x4000, $0x38;
	[tilespmem:$0x1FF00] =	vst v63  }
0xeb: {  	_ =	swait.ge [sflag:s26], $0x4000  }
0xec: {  	[sflag:s26] =	ssyncset.done $0x0  }
0xed: {  	[sflag:s26] =	ssyncadd.s32 $0xFFFFC000  }
0xee: {  	[tilespmem:s25], [sflag:$0x7] =	stream.linear.gather [spmem:s6], $0x3C00, $0x38;
	[tilespmem:$0x1FF00] =	vst v63  }
0xef: {  	_ =	swait.ge [sflag:s26], $0x3C00  }
0xf0: {  	[sflag:s26] =	ssyncset.done $0x0  }
0xf1: {  	s17 =	rddreg [dreg:$0x5];
	[sflag:s26] =	ssyncadd.s32 $0xFFFFC400  }
0xf2: {  	[hbm4b:s17+s2] =	stream.linear.scatter [tilespmem:s25], [sflag:$0x7], $0x3C00, $0x38;
	[tilespmem:$0x1FF00] =	vst v63  }
0xf3: {  	_ =	swait.ge [sflag:s26], $0x3C00  }
0xf4: {  	s15 =	sadd.s32 $0x1, s15;
	s18 =	rddreg [dreg:$0x6]  }
0xf5: {  	p0 =	sne.s32 s15, s18  }
.Ltmp2:
0xf6: {  	_ = 	snop;
	(pc) =	sbr.rel @p0 .LBB2_1-.Ltmp2, $3  }
0xf7: {  	_ =	sdelay $0x1  }
0xf8: {  	[sflag:s26] =	ssyncset.done $0x0  }
0xf9: {  	[sflag:s26] =	ssyncadd.s32 $0xFFFFC400  }
0xfa: {  	_ =	sfence.sel $0x180000  }
0xfb: {  	[bflag:$0x0] =	sbarrier.arrive $0xFFFF  }
0xfc: {  	_ =	strace $0x9000004D  }
0xfd: {  	s0 =	stileid.u32;
	[bflag:$0x2] =	sbarrier.arrive $0xFFFF  }
0xfe: {  	p0 =	sne.s32 s0, $0x0;
	s0 =	rddreg [dreg:$0x2]  }
0xff: {  	s0 =	sadd.s32 @!p0 $0x100000, s0  }
0x100: {  	[sflag:s0] =	ssyncadd.tile.s32 @!p0 $0x1;
	_ =	shalt  }
.Lfunc_end2:
_tile_overlayer_lowered:
.L_overlay_start_2:
0x101: {  	(tag) =	ssettag $0x2  }
0x102: {  	s0 =	rddreg [dreg:$0x0];
	s2 =	stileid.u32  }
0x103: {  	s1 =	rddreg [dreg:$0x1];
	p0 =	sne.s32 s2, $0x0  }
0x104: {  	s3 =	rddreg [dreg:$0x2];
	[bflag:$0x3] =	sbarrier.arrive $0xFFFF;
	s2 =	simm.s32 @!p0 $0x1C07  }
0x105: {  	[timem:s3], [sflag:s2] =	dma.local @!p0 [hbm:s0], s1  }
0x106: {  	s0 =	simm.s32 @!p0 $0x7  }
0x107: {  	_ =	swait.ge @!p0 [sflag:s0], s1  }
0x108: {  	s1 =	ssub.s32 @!p0 $0x0, s1;
	[sflag:s0] =	ssyncset.done @!p0 $0x0  }
0x109: {  	[sflag:s0] =	ssyncadd.s32 @!p0 s1  }
0x10a: {  	[bflag:$0x3] =	sbarrier.arrive $0xFFFF  }
0x10b: {  	_ =	shalt  }

// kernel: kernel.8.cloned.1.call-start
scs
__scs_entry_jumppad:
0x0: {  	(pc) =	sbr.rel $0x88, $3  }
0x1: {  	(tag) =	ssettag $0x0;
	lr =	simm.s32 $0x1  }
0x2: {  	[smem:$0x3F9B] =	sst lr;
	_ =	strace $0xD0000000  }
0x3: {  	_ = 	snop  }
0x4: {  	_ = 	snop  }
0x5: {  	_ = 	snop  }
0x6: {  	_ = 	snop  }
0x7: {  	_ = 	snop  }
__scs_overlays_trampoline_lowered:
0x8: {  	[smem:$0x3FAA] =	sst s0  }
0x9: {  	[smem:$0x3FAB] =	sst s1  }
0xa: {  	[smem:$0x3FAC] =	sst s2  }
0xb: {  	[smem:$0x3FAD] =	sst s3  }
0xc: {  	[smem:$0x3FAE] =	sst s4  }
0xd: {  	[smem:$0x3FAF] =	sst s5  }
0xe: {  	[smem:$0x3FB0] =	sst s6  }
0xf: {  	[smem:$0x3FB1] =	sst s7  }
0x10: {  	[smem:$0x3FB2] =	sst s8  }
0x11: {  	[smem:$0x3FB3] =	sst s9;
	s0 =	simm.s32 @!p0 $0x0  }
0x12: {  	s1 =	sld [smem:$0x3F99];
	s0 =	simm.s32 @p0 $0x1  }
0x13: {  	[smem:$0x3FB4] =	sst s0;
	s0 =	simm.s32 @!p1 $0x0  }
0x14: {  	s2 =	sld [smem:$0x3F98];
	s0 =	simm.s32 @p1 $0x1  }
0x15: {  	[smem:$0x3FB5] =	sst s0;
	s0 =	simm.s32 @!p2 $0x0  }
0x16: {  	s3 =	sld [smem:$0x3FDB];
	s0 =	simm.s32 @p2 $0x1  }
0x17: {  	s4 =	simm.s32 $0x1BF5;
	[smem:$0x3FB7] =	sst s0  }
0x18: {  	s0 =	sld [smem:$0x3F9A];
	_ =	swait.ge [sflag:s4], $0x0  }
0x19: {  	s7 =	sld [smem:$0x3F9B]  }
0x1a: {  	s8 =	sadd.s32 $0xFFFFE003, lr  }
0x1b: {  	s9 =	sadd.s32 $0xFFFFFEF7, lr;
	s5 =	simm.s32 $0xFFFFFFFF;
	p2 =	slt.u32 s8, $0xFFFFF086  }
0x1c: {  	p1 =	slt.u32 s9, $0xF7A;
	s5 =	simm.s32 @!p2 $0x0  }
0x1d: {  	s5 =	simm.s32 @p1 $0x1;
	p0 =	seq.s32 s7, s2  }
0x1e: {  	s7 =	smul.u32 @!p0 $0xF7A, s2;
	p2 =	seq.s32 @!p0 s5, $0x0  }
0x1f: {  	s9 =	smul.u32 $0xF7A, s1;
	s8 =	simm.s32 @!p0 $0x1BF5;
	p2 =	por !p2, p0  }
0x20: {  	[sflag:s8] =	ssyncset.s32 @!p0 $0xFFFFF086;
	s6 =	sadd.s32 @!p0 s3, s7;
	s7 =	simm.s32 @!p0 $0x108  }
0x21: {  	s3 =	sadd.s32 s3, s9;
	s6 =	sadd.s32 @!p0 $0x88, s6;
	s7 =	simm.s32 @p2 $0x1082  }
0x22: {  	[simem:s7], [sflag:s8] =	dma.local @!p0 [hbm:s6], $0xF7A  }
0x23: {  	s9 =	sor.u32 $0xD0000000, s2;
	s6 =	simm.s32 $0x108;
	_ =	swait.ge @!p0 [sflag:s8], $0x0  }
0x24: {  	s3 =	sadd.s32 $0x88, s3;
	s6 =	simm.s32 @!p1 $0x1082;
	[sflag:s4] =	ssyncset.s32 $0xFFFFF086  }
0x25: {  	[simem:s6], [sflag:s4] =	dma.local [hbm:s3], $0xF7A  }
0x26: {  	[smem:$0x3F9B] =	sst s1;
	(tag) =	ssettag s2;
	_ =	strace s9  }
0x27: {  	s1 =	sld [smem:$0x3FAB]  }
0x28: {  	s2 =	sld [smem:$0x3FAC]  }
0x29: {  	s4 =	sld [smem:$0x3FAE]  }
0x2a: {  	p0 =	seq.s32 s5, $0x0;
	s5 =	sld [smem:$0x3FAF]  }
0x2b: {  	s6 =	sld [smem:$0x3FB0]  }
0x2c: {  	s7 =	sld [smem:$0x3FB1]  }
0x2d: {  	s3 =	simm.s32 $0x108;
	s8 =	sld [smem:$0x3FB2]  }
0x2e: {  	s3 =	simm.s32 @!p0 $0x1082;
	s9 =	sld [smem:$0x3FB3]  }
0x2f: {  	lr =	sadd.s32 s0, s3;
	s0 =	sld [smem:$0x3FAA]  }
0x30: {  	s3 =	sld [smem:$0x3FAD]  }
0x31: {  	[smem:$0x3FB6] =	sst s10  }
0x32: {  	s10 =	sld [smem:$0x3FB4];
	_ =	sdelay $0x3  }
0x33: {  	p0 =	seq.s32 s10, $0x1;
	s10 =	sld [smem:$0x3FB6];
	_ =	sdelay $0x3  }
0x34: {  	[smem:$0x3FB6] =	sst s10  }
0x35: {  	s10 =	sld [smem:$0x3FB5];
	_ =	sdelay $0x3  }
0x36: {  	p1 =	seq.s32 s10, $0x1;
	s10 =	sld [smem:$0x3FB6];
	_ =	sdelay $0x3  }
0x37: {  	[smem:$0x3FB6] =	sst s10  }
0x38: {  	s10 =	sld [smem:$0x3FB7]  }
0x39: {  	_ = 	snop;
	(pc) =	sbr.ind lr, $3  }
0x3a: {  	_ = 	snop  }
0x3b: {  	_ = 	snop  }
0x3c: {  	p2 =	seq.s32 s10, $0x1;
	s10 =	sld [smem:$0x3FB6]  }
0x3d: {  	_ =	shalt  }
0x3e: {  	_ =	shalt  }
0x3f: {  	_ =	shalt  }
0x40: {  	_ =	shalt  }
0x41: {  	_ =	shalt  }
0x42: {  	_ =	shalt  }
0x43: {  	_ =	shalt  }
0x44: {  	_ =	shalt  }
0x45: {  	_ =	shalt  }
0x46: {  	_ =	shalt  }
0x47: {  	_ =	shalt  }
0x48: {  	_ =	shalt  }
0x49: {  	_ =	shalt  }
0x4a: {  	_ =	shalt  }
0x4b: {  	_ =	shalt  }
0x4c: {  	_ =	shalt  }
0x4d: {  	_ =	shalt  }
0x4e: {  	_ =	shalt  }
0x4f: {  	_ =	shalt  }
0x50: {  	_ =	shalt  }
0x51: {  	_ =	shalt  }
0x52: {  	_ =	shalt  }
0x53: {  	_ =	shalt  }
0x54: {  	_ =	shalt  }
0x55: {  	_ =	shalt  }
0x56: {  	_ =	shalt  }
0x57: {  	_ =	shalt  }
0x58: {  	_ =	shalt  }
0x59: {  	_ =	shalt  }
0x5a: {  	_ =	shalt  }
0x5b: {  	_ =	shalt  }
0x5c: {  	_ =	shalt  }
0x5d: {  	_ =	shalt  }
0x5e: {  	_ =	shalt  }
0x5f: {  	_ =	shalt  }
0x60: {  	_ =	shalt  }
0x61: {  	_ =	shalt  }
0x62: {  	_ =	shalt  }
0x63: {  	_ =	shalt  }
0x64: {  	_ =	shalt  }
0x65: {  	_ =	shalt  }
0x66: {  	_ =	shalt  }
0x67: {  	_ =	shalt  }
0x68: {  	_ =	shalt  }
0x69: {  	_ =	shalt  }
0x6a: {  	_ =	shalt  }
0x6b: {  	_ =	shalt  }
0x6c: {  	_ =	shalt  }
0x6d: {  	_ =	shalt  }
0x6e: {  	_ =	shalt  }
0x6f: {  	_ =	shalt  }
0x70: {  	_ =	shalt  }
0x71: {  	_ =	shalt  }
0x72: {  	_ =	shalt  }
0x73: {  	_ =	shalt  }
0x74: {  	_ =	shalt  }
0x75: {  	_ =	shalt  }
0x76: {  	_ =	shalt  }
0x77: {  	_ =	shalt  }
0x78: {  	_ =	shalt  }
0x79: {  	_ =	shalt  }
0x7a: {  	_ =	shalt  }
0x7b: {  	_ =	shalt  }
0x7c: {  	_ =	shalt  }
0x7d: {  	_ =	shalt  }
0x7e: {  	_ =	shalt  }
0x7f: {  	_ =	shalt  }
0x80: {  	_ =	shalt  }
0x81: {  	_ =	shalt  }
0x82: {  	_ =	shalt  }
0x83: {  	_ =	shalt  }
0x84: {  	_ =	shalt  }
0x85: {  	_ =	shalt  }
0x86: {  	_ =	shalt  }
0x87: {  	_ =	shalt  }
.Lfunc_end0:
.L_simem_size_0:
called_computation_lowered:
.L_overlay_start_0:
0x88: {  	s2 =	sld [smem:$0x3FD9]  }
0x89: {  	s3 =	sld [smem:$0x3FFE];
	_ =	sdelay $0x1  }
0x8a: {  	s1 =	srdreg.scid  }
0x8b: {  	s0 =	sand.u32 $0x1, s1  }
0x8c: {  	s16 =	sshll.u32 s0, $0xA;
	s2 =	sadd.s32 s3, s2  }
0x8d: {  	s2 =	sadd.s32 s2, s16  }
0x8e: {  	[smem:$0x3FC2] =	sst s2  }
0x8f: {  	_ = 	snop  }
0x90: {  	(tm) =	ssettm $0x1  }
0x91: {  	s17 =	sld [smem:$0x3FFB];
	_ =	sdelay $0x3  }
0x92: {  	_ =	strace s17  }
0x93: {  	s2 =	sld [smem:$0x3FFC];
	_ =	sdelay $0x3  }
0x94: {  	_ =	strace s2  }
0x95: {  	s2 =	sld [smem:$0x3FFD];
	_ =	sdelay $0x3  }
0x96: {  	_ =	strace s2  }
0x97: {  	_ =	strace $0x8FFFFFFF  }
0x98: {  	s18 =	sld [smem:$0x3FDB];
	_ =	sdelay $0x1  }
0x99: {  	s19 =	simm.s32 $_scs_section_size  }
0x9a: {  	s4 =	simm.s32 $_size__tile_overlayer_lowered;
	s5 =	simm.s32 $_tile_overlayer_lowered  }
0x9b: {  	s22 =	simm.s32 $0x1BFF;
	s21 =	sshll.u32 s5, $0x1;
	s2 =	sadd.s32 s19, s18  }
0x9c: {  	s6 =	simm.s32 $0x0;
	s20 =	sshll.u32 s4, $0x1;
	s4 =	sadd.s32 s21, s2  }
0x9d: {  	[timem:s6], [sflag:s22] =	dma.local [hbm:s4], s20  }
0x9e: {  	_ =	swait.ge [sflag:s22], s20  }
0x9f: {  	s3 =	ssub.s32 $0x0, s20;
	[sflag:s22] =	ssyncset.done $0x0  }
0xa0: {  	[sflag:s22] =	ssyncadd.s32 s3;
	_ =	sdelay $0x1  }
0xa1: {  	s23 =	simm.s32 $0x1B8B  }
0xa2: {  	_ =	swait.ge [sflag:s23], $0x1  }
0xa3: {  	[sflag:s23] =	ssyncset.done $0x0  }
0xa4: {  	s25 =	simm.s32 $0x1B8E;
	s24 =	sld [smem:$0x3FFE];
	[sflag:s23] =	ssyncadd.s32 $0xFFFFFFFF  }
0xa5: {  	s26 =	simm.s32 $execute0_lowered;
	[smem:$0x3FD2] =	sst s25  }
0xa6: {  	s4 =	sshll.u32 s26, $0x1;
	_ =	strace $0x80000046;
	[dreg:$0x1] =	wrdreg $0xFFFFFFFF  }
0xa7: {  	s28 =	simm.s32 $_size_execute0_lowered;
	s2 =	sadd.s32 s2, s4;
	[dreg:$0x0] =	wrdreg $0x0  }
0xa8: {  	s4 =	sshll.u32 s28, $0x1;
	[dreg:$0x2] =	wrdreg s2  }
0xa9: {  	[dreg:$0x3] =	wrdreg s4  }
0xaa: {  	[dreg:$0x4] =	wrdreg $0xC0  }
0xab: {  	_ =	task [dreg:s6], $0x5FFFF  }
0xac: {  	[dreg:$0x1] =	wrdreg $0xFFFFFFFF  }
0xad: {  	[dreg:$0x0] =	wrdreg $0x60  }
0xae: {  	[dreg:$0x2] =	wrdreg s24  }
0xaf: {  	[dreg:$0x3] =	wrdreg $0x2B000  }
0xb0: {  	[dreg:$0x4] =	wrdreg $0x9  }
0xb1: {  	_ =	task.clear_ibuf [dreg:s6], $0x5FFFF;
	_ =	strace $0x90000046  }
0xb2: {  	s29 =	simm.s32 $0x9;
	_ =	strace $0x80000048  }
0xb3: {  	_ =	swait.ge [sflag:s29], $0x1  }
0xb4: {  	[sflag:s29] =	ssyncadd.s32 $0xFFFFFFFF  }
0xb5: {  	_ =	strace $0x90000048  }
0xb6: {  	_ =	sfence  }
0xb7: {  	s30 =	sld [smem:$0x0];
	_ =	sdelay $0x2  }
0xb8: {  	s31 =	sshll.u32 s1, $0xD;
	s1 =	sshrl.u32 s1, $0x2  }
0xb9: {  	s3 =	sand.u32 $0x4000, s31;
	s1 =	sadd.s32 s1, s30  }
0xba: {  	s0 =	sor.u32 s3, s0;
	s1 =	sshll.u32 s1, $0x11  }
0xbb: {  	s0 =	sor.u32 s1, s0  }
0xbc: {  	s0 =	sadd.s32 $0x8F2B, s0  }
0xbd: {  	[sflag:s0] =	ssyncadd.remote.s32 $0x1  }
0xbe: {  	_ =	sfence.sel $0xFFFF  }
0xbf: {  	[dreg:$0x0] =	wrdreg $0xFFFFFFFF;
	(pc) =	sbr.abs _section_cstart, $3  }
0xc0: {  	[dreg:$0x1] =	wrdreg $0xFFFFFFFF  }
0xc1: {  	_ =	task.clear_ibuf [dreg:s6], $0x2FFFF;
	_ =	strace $0x9FFFFFFF  }
0xc2: {  	(tm) =	ssettm $0x7FFFFFFF  }
0xc3: {  	_ =	shalt  }
tec
execute0_lowered:
.L_overlay_start_1:
0x0: {  	(tag) =	ssettag $0x1  }
0x1: {  	s4 =	rddreg [dreg:$0x0]  }
0x2: {  	s2 =	rddreg [dreg:$0x1];
	s3 =	srdreg.scid  }
0x3: {  	s1 =	stileid.u32;
	s0 =	rddreg [dreg:$0x2];
	s10 =	simm.s32 $0x80  }
0x4: {  	s11 =	simm.s32 $0x2800;
	s5 =	sand.u32 $0x1, s3;
	s6 =	smul.u32 $0x280, s1  }
0x5: {  	s3 =	simm.s32 $0x0;
	s7 =	sshll.u32 s1, $0x1;
	s8 =	smul.u32 $0x2800, s5  }
0x6: {  	s12 =	simm.s32 $0x0;
	[smem:$0x7FF] =	sst s3;
	s7 =	sor.u32 s5, s7  }
0x7: {  	s5 =	ssub.s32 $0x2, s5;
	s7 =	smul.u32 $0x500, s7;
	s8 =	sadd.s32 s6, s8  }
0x8: {  	_ =	strace $0x80000047;
	s9 =	sshrl.u32 s5, $0x1;
	s8 =	sshrl.u32 s8, $0x3  }
0x9: {  	s9 =	ssub.s32 s5, s9;
	s7 =	sadd.s32 s7, s4;
	s8 =	sadd.s32 s8, s4  }
0xa: {  	s4 =	sadd.s32 s6, s2;
	s5 =	sadd.s32 $0x1C00, s7;
	s7 =	smax.u32 s9, $0x1  }
0xb: {  	v0 =	vimm.f32 $1.000000000e+00;
	v1 =	vimm.f32 $0.0e+00;
	s9 =	simm.s32 $0x1;
	s6 =	sadd.s32 $0xBC00, s8;
	s8 =	simm.s32 $0x2880  }
.LBB2_1:
0xc: {  	[tilespmem:$0x2800] =	vst v0  }
0xd: {  	[tilespmem:$0x2810] =	vst v0  }
0xe: {  	[tilespmem:$0x2820] =	vst v0  }
0xf: {  	[tilespmem:$0x2830] =	vst v0  }
0x10: {  	[tilespmem:$0x2840] =	vst v0  }
0x11: {  	[tilespmem:$0x2850] =	vst v0  }
0x12: {  	[tilespmem:$0x2860] =	vst v0  }
0x13: {  	[tilespmem:$0x2870] =	vst v0  }
0x14: {  	[tilespmem:$0x2880] =	vst v1  }
0x15: {  	[tilespmem:$0x2890] =	vst v1  }
0x16: {  	[tilespmem:$0x28A0] =	vst v1  }
0x17: {  	[tilespmem:$0x28B0] =	vst v1  }
0x18: {  	[tilespmem:$0x28C0] =	vst v1  }
0x19: {  	[tilespmem:$0x28D0] =	vst v1  }
0x1a: {  	[tilespmem:$0x28E0] =	vst v1  }
0x1b: {  	[tilespmem:$0x28F0] =	vst v1  }
0x1c: {  	[tilespmem:$0x2900] =	vst v1  }
0x1d: {  	[tilespmem:$0x2910] =	vst v1  }
0x1e: {  	[tilespmem:$0x2920] =	vst v1  }
0x1f: {  	[tilespmem:$0x2930] =	vst v1  }
0x20: {  	[tilespmem:$0x2940] =	vst v1  }
0x21: {  	[tilespmem:$0x2950] =	vst v1  }
0x22: {  	[tilespmem:$0x2960] =	vst v1  }
0x23: {  	[tilespmem:$0x2970] =	vst v1  }
0x24: {  	[tilespmem:$0x2980] =	vst v1  }
0x25: {  	[tilespmem:$0x2990] =	vst v1  }
0x26: {  	[tilespmem:$0x29A0] =	vst v1  }
0x27: {  	[tilespmem:$0x29B0] =	vst v1  }
0x28: {  	[tilespmem:$0x29C0] =	vst v1  }
0x29: {  	[tilespmem:$0x29D0] =	vst v1  }
0x2a: {  	[tilespmem:$0x29E0] =	vst v1  }
0x2b: {  	[tilespmem:$0x29F0] =	vst v1  }
0x2c: {  	[tilespmem:$0x2A00] =	vst v1  }
0x2d: {  	[tilespmem:$0x2A10] =	vst v1  }
0x2e: {  	[tilespmem:$0x2A20] =	vst v1  }
0x2f: {  	[tilespmem:$0x2A30] =	vst v1  }
0x30: {  	[tilespmem:$0x2A40] =	vst v1  }
0x31: {  	[tilespmem:$0x2A50] =	vst v1  }
0x32: {  	[tilespmem:$0x2A60] =	vst v1  }
0x33: {  	[tilespmem:$0x2A70] =	vst v1  }
0x34: {  	[tilespmem:$0x2A80] =	vst v1  }
0x35: {  	[tilespmem:$0x2A90] =	vst v1  }
0x36: {  	[tilespmem:$0x2AA0] =	vst v1  }
0x37: {  	[tilespmem:$0x2AB0] =	vst v1  }
0x38: {  	[tilespmem:$0x2AC0] =	vst v1  }
0x39: {  	[tilespmem:$0x2AD0] =	vst v1  }
0x3a: {  	[tilespmem:$0x2AE0] =	vst v1  }
0x3b: {  	[tilespmem:$0x2AF0] =	vst v1  }
0x3c: {  	[spmem:s4] =	stream.linear.scatter [tilespmem:s8], [sflag:$0x1], $0x280, $0x38;
	[tilespmem:$0x2D80] =	vst v63  }
0x3d: {  	_ =	swait.ge [sflag:s9], $0x280  }
0x3e: {  	[sflag:s9] =	ssyncset.done $0x0  }
0x3f: {  	[sflag:s9] =	ssyncadd.s32 $0xFFFFFD80  }
0x40: {  	[bflag:$0x0] =	sbarrier.arrive $0xFFFF  }
0x41: {  	[tilespmem:s3], [sflag:$0x1] =	stream.linear.gather [hbm4b:s5+s3], $0x2800, $0x38;
	[tilespmem:$0x2D80] =	vst v63  }
0x42: {  	_ =	swait.ge [sflag:s9], $0x2800  }
0x43: {  	[sflag:s9] =	ssyncset.done $0x0  }
0x44: {  	s13 =	simm.s32 $0x0;
	[sflag:s9] =	ssyncadd.s32 $0xFFFFD800  }
0x45: {  	[spmem:s2] =	stream.indirect.scatter.add.f32 [tilespmem:s11], [sflag:$0x1], $0x1, s13, s10, $0xb8;
	[tilespmem:$0x2D80] =	vst v63  }
0x46: {  	_ =	swait.ge [sflag:s9], $0x80  }
0x47: {  	s13 =	simm.s32 $0x200;
	[sflag:s9] =	ssyncset.done $0x0  }
.LBB2_2:
0x48: {  	s14 =	sshra.s32 s13, $0x2;
	[sflag:s9] =	ssyncadd.s32 $0xFFFFFF80;
	p0 =	sne.s32 s13, $0x9E00  }
0x49: {  	[spmem:s2] =	stream.indirect.scatter.add.f32 [tilespmem:s11], [sflag:$0x1], $0x1, s14, s10, $0xb8;
	[tilespmem:$0x2D80] =	vst v63  }
.Ltmp0:
0x4a: {  	_ = 	snop;
	(pc) =	sbr.rel @p0 .LBB2_2-.Ltmp0, $4  }
0x4b: {  	_ = 	snop  }
0x4c: {  	s13 =	sadd.s32 $0x200, s13  }
0x4d: {  	_ =	swait.ge [sflag:s9], $0x80  }
0x4e: {  	[sflag:s9] =	ssyncset.done $0x0  }
0x4f: {  	[sflag:s9] =	ssyncadd.s32 $0xFFFFFF80  }
0x50: {  	[bflag:$0x0] =	sbarrier.arrive $0xFFFF  }
0x51: {  	[tilespmem:s8], [sflag:$0x1] =	stream.linear.gather [spmem:s4], $0x280, $0x38;
	[tilespmem:$0x2D80] =	vst v63  }
0x52: {  	s12 =	sadd.s32 $0x1, s12;
	_ =	swait.ge [sflag:s9], $0x280  }
0x53: {  	p0 =	sne.s32 s12, s7;
	[sflag:s9] =	ssyncset.done $0x0  }
.Ltmp1:
0x54: {  	[sflag:s9] =	ssyncadd.s32 $0xFFFFFD80;
	(pc) =	sbr.rel @p0 .LBB2_1-.Ltmp1, $4  }
0x55: {  	[hbm4b:s6+s3] =	stream.linear.scatter [tilespmem:s8], [sflag:$0x1], $0x280, $0x38;
	[tilespmem:$0x2D80] =	vst v63  }
0x56: {  	_ =	swait.ge [sflag:s9], $0x280  }
0x57: {  	[sflag:s9] =	ssyncset.done $0x0  }
0x58: {  	[sflag:s9] =	ssyncadd.s32 $0xFFFFFD80  }
0x59: {  	_ =	sfence.sel $0x180000  }
0x5a: {  	[bflag:$0x0] =	sbarrier.arrive $0xFFFF  }
0x5b: {  	p0 =	sne.s32 s1, $0x0;
	_ =	strace $0x90000047  }
0x5c: {  	s0 =	sadd.s32 @!p0 $0x100000, s0;
	[bflag:$0x2] =	sbarrier.arrive $0xFFFF  }
0x5d: {  	[sflag:s0] =	ssyncadd.tile.s32 @!p0 $0x1;
	_ =	shalt  }
.Lfunc_end2:
_tile_overlayer_lowered:
.L_overlay_start_2:
0x5e: {  	(tag) =	ssettag $0x2  }
0x5f: {  	s0 =	rddreg [dreg:$0x0];
	s2 =	stileid.u32  }
0x60: {  	s1 =	rddreg [dreg:$0x1];
	p0 =	sne.s32 s2, $0x0  }
0x61: {  	s3 =	rddreg [dreg:$0x2];
	[bflag:$0x3] =	sbarrier.arrive $0xFFFF;
	s2 =	simm.s32 @!p0 $0x1C01  }
0x62: {  	[timem:s3], [sflag:s2] =	dma.local @!p0 [hbm:s0], s1  }
0x63: {  	s0 =	simm.s32 @!p0 $0x1  }
0x64: {  	_ =	swait.ge @!p0 [sflag:s0], s1  }
0x65: {  	s1 =	ssub.s32 @!p0 $0x0, s1;
	[sflag:s0] =	ssyncset.done @!p0 $0x0  }
0x66: {  	[sflag:s0] =	ssyncadd.s32 @!p0 s1  }
0x67: {  	[bflag:$0x3] =	sbarrier.arrive $0xFFFF  }
0x68: {  	_ =	shalt  }

</sc_bundles>
